<compile_context>
chip_gen: v7x
topology: tpu7x:2x2x1
jax: 0.10.2.dev20260603
libtpu: 0.0.44.dev20260713+nightly
codegen_flags: <defaults>
</compile_context>

<pallas_src>
import functools

import jax
import jax.numpy as jnp
from jax import lax
from jax.experimental import pallas as pl
from jax.experimental.pallas import tpu as pltpu
from jax.experimental.pallas import tpu_sc as plsc

N = 10000
E = 320000
D1 = 128
D2 = 32
NC = 2
NS = 16
NW = NC * NS
NP = 10112
ROWS_PER_TILE = NP // NS
BN = 2000
CHUNK1, BLK1 = 80, 25
CHUNK2, BLK2 = 125, 16


def _make_sc_scatter(d, CHUNK, BLK, RING, SKEW):
    mesh = plsc.VectorSubcoreMesh(core_axis_name="c", subcore_axis_name="s")
    NCH_W = E // (CHUNK * NW)
    NBLK = NCH_W // BLK
    nzero = CHUNK * d // 16
    lanes_per_row = d // 16
    n_full, rem = divmod(ROWS_PER_TILE, CHUNK)

    @functools.partial(
        pl.kernel,
        mesh=mesh,
        out_type=jax.ShapeDtypeStruct((NC, NP, d), jnp.float32),
        scratch_types=[
            pltpu.VMEM((2, BLK, CHUNK), jnp.int32),
            pltpu.VMEM((2, BLK, CHUNK), jnp.int32),
            pltpu.VMEM((RING, CHUNK, d), jnp.float32),
            pltpu.VMEM_SHARED((NP, d), jnp.float32),
            pltpu.SemaphoreType.DMA((RING,)),
            pltpu.SemaphoreType.DMA((RING,)),
        ],
        compiler_params=pltpu.CompilerParams(use_tc_tiling_on_sc=False),
    )
    def k(table_hbm, edge_hbm, out_hbm, sidx, didx, rows, acc, gsem, ssem):
        cid = lax.axis_index("c")
        sid = lax.axis_index("s")
        wid = sid * NC + cid
        r0 = sid * ROWS_PER_TILE
        base = wid * NCH_W

        def zbody(i, carry):
            rr = i // lanes_per_row
            cc = (i % lanes_per_row) * 16
            rows[0, rr, pl.ds(cc, 16)] = jnp.zeros((16,), jnp.float32)
            return carry

        lax.fori_loop(0, nzero, zbody, 0)
        for kk in range(n_full):
            pltpu.sync_copy(rows.at[0],
                            acc.at[pl.ds(r0 + kk * CHUNK, CHUNK)])
        if rem:
            pltpu.sync_copy(rows.at[0, pl.ds(0, rem)],
                            acc.at[pl.ds(r0 + n_full * CHUNK, rem)])

        for b in range(2):
            pltpu.sync_copy(edge_hbm.at[0, pl.ds(base + b * BLK, BLK)],
                            sidx.at[b])
            pltpu.sync_copy(edge_hbm.at[1, pl.ds(base + b * BLK, BLK)],
                            didx.at[b])
        plsc.subcore_barrier()

        def srow(c):
            return sidx.at[(c // BLK) % 2, c % BLK]

        def drow(c):
            return didx.at[(c // BLK) % 2, c % BLK]

        def body(j, carry):
            r = j % RING

            @pl.when((j % BLK == 5) & (j >= BLK + 5)
                     & (j <= (NBLK - 2) * BLK + 5))
            def _():
                b = j // BLK + 1
                slot = b % 2
                pltpu.sync_copy(edge_hbm.at[0, pl.ds(base + b * BLK, BLK)],
                                sidx.at[slot])
                pltpu.sync_copy(edge_hbm.at[1, pl.ds(base + b * BLK, BLK)],
                                didx.at[slot])

            @pl.when(j >= RING)
            def _():
                pltpu.make_async_copy(
                    rows.at[r], acc.at[drow(j - RING)], ssem.at[r]).wait()

            @pl.when(j < NCH_W)
            def _():
                pltpu.async_copy(table_hbm.at[srow(j)], rows.at[r],
                                 gsem.at[r])

            @pl.when(j >= SKEW)
            def _():
                c = j - SKEW
                rc = c % RING
                pltpu.make_async_copy(table_hbm.at[srow(c)], rows.at[rc],
                                      gsem.at[rc]).wait()
                pltpu.async_copy(rows.at[rc], acc.at[drow(c)],
                                 ssem.at[rc], add=True)

            return carry

        lax.fori_loop(0, NCH_W + SKEW, body, 0)
        for t in range(RING - SKEW):
            c = NCH_W - (RING - SKEW) + t
            rc = c % RING
            pltpu.make_async_copy(rows.at[rc], acc.at[drow(c)],
                                  ssem.at[rc]).wait()
        plsc.subcore_barrier()
        pltpu.sync_copy(acc.at[pl.ds(r0, ROWS_PER_TILE)],
                        out_hbm.at[cid, pl.ds(r0, ROWS_PER_TILE)])

    return k


_sc_scatter_1 = _make_sc_scatter(D1, CHUNK1, BLK1, 4, 3)
_sc_scatter_2 = _make_sc_scatter(D2, CHUNK2, BLK2, 6, 5)


def _mm1_body(x_ref, w_ref, o_ref):
    y = jnp.dot(x_ref[...], w_ref[...], preferred_element_type=jnp.float32)
    ones = jnp.ones((y.shape[0], 1), jnp.float32)
    zeros = jnp.zeros((y.shape[0], D1 - 101), jnp.float32)
    o_ref[...] = jnp.concatenate([y, ones, zeros], axis=1)


def _mid_body(acc_ref, y_ref, b1_ref, w2_ref, o_ref):
    s = acc_ref[0] + acc_ref[1]
    deg = s[:, 100:101]
    agg = jnp.where(deg > 0.0,
                    s[:, :100] / jnp.maximum(deg, 1.0),
                    y_ref[:, :100])
    h1 = jnp.maximum(agg + b1_ref[...], 0.0)
    y2 = jnp.dot(h1, w2_ref[...], preferred_element_type=jnp.float32)
    ones = jnp.ones((y2.shape[0], 1), jnp.float32)
    zeros = jnp.zeros((y2.shape[0], D2 - 21), jnp.float32)
    o_ref[...] = jnp.concatenate([y2, ones, zeros], axis=1)


def _fin_body(acc_ref, y_ref, b2_ref, sf_ref, wf1_ref, bf1_ref, wf2_ref,
              bf2_ref, o_ref, scr):
    i = pl.program_id(0)

    @pl.when(i == 0)
    def _():
        scr[...] = jnp.zeros_like(scr)

    s = acc_ref[0] + acc_ref[1]
    deg = s[:, 20:21]
    agg = jnp.where(deg > 0.0,
                    s[:, :20] / jnp.maximum(deg, 1.0),
                    y_ref[:, :20])
    h2 = jnp.maximum(agg + b2_ref[...], 0.0)
    scr[...] += jnp.sum(h2, axis=0, keepdims=True)

    @pl.when(i == pl.num_programs(0) - 1)
    def _():
        hg = scr[...] / jnp.float32(N)
        z = (jnp.dot(hg, wf1_ref[0:20, :], preferred_element_type=jnp.float32)
             + jnp.dot(sf_ref[...], wf1_ref[20:36, :],
                       preferred_element_type=jnp.float32)
             + bf1_ref[...])
        z = jnp.maximum(z, 0.0)
        o_ref[...] = (jnp.dot(z, wf2_ref[...],
                              preferred_element_type=jnp.float32)
                      + bf2_ref[...])


def kernel(x, edge_index, self_feat, W1, b1, W2, b2, Wf1, bf1, Wf2, bf2):
    edges1 = edge_index.reshape(2, E // CHUNK1, CHUNK1)
    edges2 = edge_index.reshape(2, E // CHUNK2, CHUNK2)

    y1p = pl.pallas_call(
        _mm1_body,
        grid=(N // BN,),
        in_specs=[
            pl.BlockSpec((BN, 128), lambda i: (i, 0)),
            pl.BlockSpec((128, 100), lambda i: (0, 0)),
        ],
        out_specs=pl.BlockSpec((BN, D1), lambda i: (i, 0)),
        out_shape=jax.ShapeDtypeStruct((NP, D1), jnp.float32),
    )(x, W1)

    acc1 = _sc_scatter_1(y1p, edges1)

    y2p = pl.pallas_call(
        _mid_body,
        grid=(N // BN,),
        in_specs=[
            pl.BlockSpec((NC, BN, D1), lambda i: (0, i, 0)),
            pl.BlockSpec((BN, D1), lambda i: (i, 0)),
            pl.BlockSpec((1, 100), lambda i: (0, 0)),
            pl.BlockSpec((100, 20), lambda i: (0, 0)),
        ],
        out_specs=pl.BlockSpec((BN, D2), lambda i: (i, 0)),
        out_shape=jax.ShapeDtypeStruct((NP, D2), jnp.float32),
    )(acc1, y1p, b1.reshape(1, 100), W2)

    acc2 = _sc_scatter_2(y2p, edges2)

    out = pl.pallas_call(
        _fin_body,
        grid=(N // BN,),
        in_specs=[
            pl.BlockSpec((NC, BN, D2), lambda i: (0, i, 0)),
            pl.BlockSpec((BN, D2), lambda i: (i, 0)),
            pl.BlockSpec((1, 20), lambda i: (0, 0)),
            pl.BlockSpec((1, 16), lambda i: (0, 0)),
            pl.BlockSpec((36, 10), lambda i: (0, 0)),
            pl.BlockSpec((1, 10), lambda i: (0, 0)),
            pl.BlockSpec((10, 10), lambda i: (0, 0)),
            pl.BlockSpec((1, 10), lambda i: (0, 0)),
        ],
        out_specs=pl.BlockSpec((1, 10), lambda i: (0, 0)),
        out_shape=jax.ShapeDtypeStruct((1, 10), jnp.float32),
        scratch_shapes=[pltpu.VMEM((1, 20), jnp.float32)],
    )(acc2, y2p, b2.reshape(1, 20), self_feat, Wf1, bf1.reshape(1, 10),
      Wf2, bf2.reshape(1, 10))

    return out

# --- scband reference (transcript-rebuilt; emitter-appended) ---
"""Pipeline reference for scband-net-10599979287026 (READ-ONLY COPY).

The authoritative reference and input builder live on the scoring server;
editing this copy changes nothing except your own understanding.
"""

import jax, jax.numpy as jnp
import numpy as np

N = 10000
E = 320000
D_IN = 128
D_H1 = 100
D_H2 = 20
D_SELF = 16
D_OUT = 10


def setup_inputs(seed: int = 0) -> dict:
    key = jax.random.key(seed)
    ks = jax.random.split(key, 12)
    x = jax.random.normal(ks[0], (N, D_IN), dtype=jnp.float32)
    edge_index = jax.random.randint(ks[1], (2, E), 0, N, dtype=jnp.int32)
    self_feat = jax.random.normal(ks[2], (1, D_SELF), dtype=jnp.float32)
    W1 = jax.random.normal(ks[3], (D_IN, D_H1), dtype=jnp.float32) / np.sqrt(D_IN)
    b1 = jnp.zeros((D_H1,), dtype=jnp.float32)
    W2 = jax.random.normal(ks[4], (D_H1, D_H2), dtype=jnp.float32) / np.sqrt(D_H1)
    b2 = jnp.zeros((D_H2,), dtype=jnp.float32)
    Wf1 = jax.random.normal(ks[5], (D_H2 + D_SELF, 10), dtype=jnp.float32) / np.sqrt(D_H2 + D_SELF)
    bf1 = jnp.zeros((10,), dtype=jnp.float32)
    Wf2 = jax.random.normal(ks[6], (10, D_OUT), dtype=jnp.float32) / np.sqrt(10)
    bf2 = jnp.zeros((D_OUT,), dtype=jnp.float32)
    return {"x": x, "edge_index": edge_index, "self_feat": self_feat,
            "W1": W1, "b1": b1, "W2": W2, "b2": b2,
            "Wf1": Wf1, "bf1": bf1, "Wf2": Wf2, "bf2": bf2}


def _gcn_layer(h, src, dst, W, b):
    # msg: copy src 'h'; reduce: mean over mailbox; nodes with no incoming
    # messages keep their previous 'h' (DGL update_all semantics).
    m = jnp.take(h, src, axis=0)
    s = jax.ops.segment_sum(m, dst, num_segments=N)
    deg = jax.ops.segment_sum(jnp.ones((dst.shape[0], 1), h.dtype), dst, num_segments=N)
    h_agg = jnp.where(deg > 0, s / jnp.maximum(deg, 1.0), h)
    # apply_nodes: linear
    return h_agg @ W + b


def reference(x, edge_index, self_feat, W1, b1, W2, b2, Wf1, bf1, Wf2, bf2):
    src = edge_index[0]
    dst = edge_index[1]
    h = jax.nn.relu(_gcn_layer(x, src, dst, W1, b1))
    h = jax.nn.relu(_gcn_layer(h, src, dst, W2, b2))
    # dgl.mean_nodes over a single graph -> [1, D_H2]
    hg = jnp.mean(h, axis=0, keepdims=True)
    hg = jnp.concatenate([hg, self_feat], axis=1)
    out = jax.nn.relu(hg @ Wf1 + bf1)
    out = out @ Wf2 + bf2
    return out

if __name__ == "__main__":
    import jax
    _d = setup_inputs()
    print(jax.jit(kernel)(*tuple(_d.values())))

</pallas_src>

<mosaic_0001>
#map = affine_map<(d0, d1) -> (0, 0)>
#map1 = affine_map<(d0, d1) -> (0, 0, 0)>
module attributes {stable_mosaic.version = 14 : i64} {
  func.func @k(%arg0: i32, %arg1: i32, %arg2: memref<10112x32xf32, #tpu.memory_space<hbm>>, %arg3: memref<2x2560x125xi32, #tpu.memory_space<hbm>>, %arg4: memref<2x10112x32xf32, #tpu.memory_space<hbm>>, %arg5: memref<2x16x125xi32, #tpu.memory_space<vmem>>, %arg6: memref<2x16x125xi32, #tpu.memory_space<vmem>>, %arg7: memref<6x125x32xf32, #tpu.memory_space<vmem>>, %arg8: memref<10112x32xf32, #tpu.memory_space<vmem_shared>>, %arg9: memref<6x!tpu.dma_semaphore, #tpu.memory_space<semaphore_mem>>, %arg10: memref<6x!tpu.dma_semaphore, #tpu.memory_space<semaphore_mem>>) attributes {dimension_semantics = [#tpu.dimension_semantics<core_parallel>, #tpu.dimension_semantics<subcore_parallel>], iteration_bounds = array<i64: 2, 16>, scalar_prefetch = 0 : i64, scratch_operands = 6 : i64, tpu.core_type = #tpu.core_type<sc_vector_subcore>, window_params = [{transform_indices = #map}, {transform_indices = #map1}, {transform_indices = #map1}]} {
    %mul3A = arith.constant 2 : i32
    %mul3A_0 = arith.muli %arg1, %mul3A : i32
    %add3A = arith.addi %mul3A_0, %arg0 : i32
    %mul3A_1 = arith.constant 632 : i32
    %mul3A_2 = arith.muli %arg1, %mul3A_1 : i32
    %mul3A_3 = arith.constant 80 : i32
    %mul3A_4 = arith.muli %add3A, %mul3A_3 : i32
    %scan3A = arith.constant 0 : i32
    %scan3A_5 = arith.constant 0 : i32
    %scan3A_6 = arith.constant 250 : i32
    %scan3A_7 = arith.addi %scan3A_5, %scan3A_6 : i32
    %scan3A_8 = arith.constant 1 : i32
    scf.for %scan3A_65 = %scan3A_5 to %scan3A_7 step %scan3A_8  : i32 {
      %jit3A = arith.constant 2 : i32
      %div3A = arith.divsi %scan3A_65, %jit3A : i32
      %sign3A = arith.constant 0 : i32
      %sign3A_66 = arith.cmpi sgt, %scan3A_65, %sign3A : i32
      %sign3A_67 = arith.extui %sign3A_66 : i1 to i32
      %sign3A_68 = arith.constant 0 : i32
      %sign3A_69 = arith.cmpi slt, %scan3A_65, %sign3A_68 : i32
      %sign3A_70 = arith.extui %sign3A_69 : i1 to i32
      %sign3A_71 = arith.subi %sign3A_67, %sign3A_70 : i32
      %sign3A_72 = arith.constant 0 : i32
      %sign3A_73 = arith.cmpi sgt, %jit3A, %sign3A_72 : i32
      %sign3A_74 = arith.extui %sign3A_73 : i1 to i32
      %sign3A_75 = arith.constant 0 : i32
      %sign3A_76 = arith.cmpi slt, %jit3A, %sign3A_75 : i32
      %sign3A_77 = arith.extui %sign3A_76 : i1 to i32
      %sign3A_78 = arith.subi %sign3A_74, %sign3A_77 : i32
      %ne3A = arith.cmpi ne, %sign3A_71, %sign3A_78 : i32
      %rem3A = arith.remsi %scan3A_65, %jit3A : i32
      %ne3A_79 = arith.constant 0 : i32
      %ne3A_80 = arith.cmpi ne, %rem3A, %ne3A_79 : i32
      %and3A = arith.andi %ne3A, %ne3A_80 : i1
      %sub3A = arith.constant 1 : i32
      %sub3A_81 = arith.subi %div3A, %sub3A : i32
      %select_n3A = arith.select %and3A, %sub3A_81, %div3A : i32
      %jit3A_82 = arith.constant 2 : i32
      %eq3A = arith.constant 0 : i32
      %eq3A_83 = arith.cmpi eq, %jit3A_82, %eq3A : i32
      %jit3A_84 = arith.constant 1 : i32
      %select_n3A_85 = arith.select %eq3A_83, %jit3A_84, %jit3A_82 : i32
      %rem3A_86 = arith.remsi %scan3A_65, %select_n3A_85 : i32
      %ne3A_87 = arith.constant 0 : i32
      %ne3A_88 = arith.cmpi ne, %rem3A_86, %ne3A_87 : i32
      %lt3A = arith.constant 0 : i32
      %lt3A_89 = arith.cmpi slt, %rem3A_86, %lt3A : i32
      %lt3A_90 = arith.constant 0 : i32
      %lt3A_91 = arith.cmpi slt, %select_n3A_85, %lt3A_90 : i32
      %ne3A_92 = arith.xori %lt3A_89, %lt3A_91 : i1
      %and3A_93 = arith.andi %ne3A_92, %ne3A_88 : i1
      %add3A_94 = arith.addi %rem3A_86, %select_n3A_85 : i32
      %select_n3A_95 = arith.select %and3A_93, %add3A_94, %rem3A_86 : i32
      %mul3A_96 = arith.constant 16 : i32
      %mul3A_97 = arith.muli %select_n3A_95, %mul3A_96 : i32
      %broadcast_in_dim3A = arith.constant 0.000000e+00 : f32
      %broadcast_in_dim3A_98 = vector.broadcast %broadcast_in_dim3A : f32 to vector<16xf32>
      %swap3A = arith.constant 0 : i32
      %swap3A_99 = arith.index_cast %swap3A : i32 to index
      %swap3A_100 = arith.index_cast %select_n3A : i32 to index
      %swap3A_101 = arith.index_cast %mul3A_97 : i32 to index
      %swap3A_102 = tpu.vector_load %arg7[%swap3A_99, %swap3A_100, %swap3A_101] {strides = array<i32>} : memref<6x125x32xf32, #tpu.memory_space<vmem>>, vector<1x1x16xf32>,
      %swap3A_103 = vector.shape_cast %swap3A_102 : vector<1x1x16xf32> to vector<16xf32>
      %swap3A_104 = vector.shape_cast %broadcast_in_dim3A_98 : vector<16xf32> to vector<1x1x16xf32>
      tpu.vector_store %arg7[%swap3A_99, %swap3A_100, %swap3A_101], %swap3A_104 {strides = array<i32>} : memref<6x125x32xf32, #tpu.memory_space<vmem>>, vector<1x1x16xf32>,
    }
    %scan3A_9 = arith.constant 250 : i32
    %add3A_10 = arith.constant 0 : i32
    %add3A_11 = arith.addi %mul3A_2, %add3A_10 : i32
    %run_scoped3A = arith.constant 0 : i32
    "tpu.region"() ({
      %run_scoped3A_65 = tpu.sem_alloc : memref<!tpu.dma_semaphore, #tpu.memory_space<semaphore_mem>>
      %dma_start3A = arith.constant 0 : i32
      %dma_start3A_66 = arith.constant 0 : i32
      %dma_start3A_67 = tpu.memref_slice %arg7[%run_scoped3A, %dma_start3A, %dma_start3A_66] : memref<6x125x32xf32, #tpu.memory_space<vmem>> -> memref<1x125x32xf32, #tpu.memory_space<vmem>>
      %dma_start3A_68 = tpu.memref_squeeze %dma_start3A_67 : memref<1x125x32xf32, #tpu.memory_space<vmem>> -> memref<125x32xf32, #tpu.memory_space<vmem>>
      %dma_start3A_69 = arith.constant 0 : i32
      %dma_start3A_70 = tpu.memref_slice %arg8[%add3A_11, %dma_start3A_69] : memref<10112x32xf32, #tpu.memory_space<vmem_shared>> -> memref<125x32xf32, #tpu.memory_space<vmem_shared>>
      %dma_start3A_71 = arith.constant 0 : i32
      %dma_start3A_72 = tpu.memref_slice %arg8[%add3A_11, %dma_start3A_71] : memref<10112x32xf32, #tpu.memory_space<vmem_shared>> -> memref<125x32xf32, #tpu.memory_space<vmem_shared>>
      %dma_start3A_73 = arith.constant 0 : i32
      %dma_start3A_74 = arith.constant 0 : i32
      %dma_start3A_75 = tpu.memref_slice %arg7[%run_scoped3A, %dma_start3A_73, %dma_start3A_74] : memref<6x125x32xf32, #tpu.memory_space<vmem>> -> memref<1x125x32xf32, #tpu.memory_space<vmem>>
      %dma_start3A_76 = tpu.memref_squeeze %dma_start3A_75 : memref<1x125x32xf32, #tpu.memory_space<vmem>> -> memref<125x32xf32, #tpu.memory_space<vmem>>
      tpu.enqueue_dma source(%dma_start3A_76 : memref<125x32xf32, #tpu.memory_space<vmem>>) target(%dma_start3A_72 : memref<125x32xf32, #tpu.memory_space<vmem_shared>>) target_semaphore(%run_scoped3A_65 : memref<!tpu.dma_semaphore, #tpu.memory_space<semaphore_mem>>)
      %dma_wait3A_77 = arith.constant 0 : i32
      %dma_wait3A_78 = arith.constant 0 : i32
      %dma_wait3A_79 = tpu.memref_slice %arg7[%run_scoped3A, %dma_wait3A_77, %dma_wait3A_78] : memref<6x125x32xf32, #tpu.memory_space<vmem>> -> memref<1x125x32xf32, #tpu.memory_space<vmem>>
      %dma_wait3A_80 = tpu.memref_squeeze %dma_wait3A_79 : memref<1x125x32xf32, #tpu.memory_space<vmem>> -> memref<125x32xf32, #tpu.memory_space<vmem>>
      %dma_wait3A_81 = arith.constant 0 : i32
      %dma_wait3A_82 = tpu.memref_slice %arg8[%add3A_11, %dma_wait3A_81] : memref<10112x32xf32, #tpu.memory_space<vmem_shared>> -> memref<125x32xf32, #tpu.memory_space<vmem_shared>>
      %dma_wait3A_83 = arith.constant 0 : i32
      %dma_wait3A_84 = tpu.memref_slice %arg8[%add3A_11, %dma_wait3A_83] : memref<10112x32xf32, #tpu.memory_space<vmem_shared>> -> memref<125x32xf32, #tpu.memory_space<vmem_shared>>
      %dma_wait3A_85 = arith.constant 0 : i32
      %dma_wait3A_86 = arith.constant 0 : i32
      %dma_wait3A_87 = tpu.memref_slice %arg7[%run_scoped3A, %dma_wait3A_85, %dma_wait3A_86] : memref<6x125x32xf32, #tpu.memory_space<vmem>> -> memref<1x125x32xf32, #tpu.memory_space<vmem>>
      %dma_wait3A_88 = tpu.memref_squeeze %dma_wait3A_87 : memref<1x125x32xf32, #tpu.memory_space<vmem>> -> memref<125x32xf32, #tpu.memory_space<vmem>>
      tpu.wait_dma2 semaphore(%run_scoped3A_65 : memref<!tpu.dma_semaphore, #tpu.memory_space<semaphore_mem>>) src(%dma_wait3A_88 : memref<125x32xf32, #tpu.memory_space<vmem>>) dst(%dma_wait3A_84 : memref<125x32xf32, #tpu.memory_space<vmem_shared>>)
      tpu.yield
    }) : () -> ()
    %add3A_12 = arith.constant 125 : i32
    %add3A_13 = arith.addi %mul3A_2, %add3A_12 : i32
    %run_scoped3A_14 = arith.constant 0 : i32
    "tpu.region"() ({
      %run_scoped3A_65 = tpu.sem_alloc : memref<!tpu.dma_semaphore, #tpu.memory_space<semaphore_mem>>
      %dma_start3A = arith.constant 0 : i32
      %dma_start3A_66 = arith.constant 0 : i32
      %dma_start3A_67 = tpu.memref_slice %arg7[%run_scoped3A_14, %dma_start3A, %dma_start3A_66] : memref<6x125x32xf32, #tpu.memory_space<vmem>> -> memref<1x125x32xf32, #tpu.memory_space<vmem>>
      %dma_start3A_68 = tpu.memref_squeeze %dma_start3A_67 : memref<1x125x32xf32, #tpu.memory_space<vmem>> -> memref<125x32xf32, #tpu.memory_space<vmem>>
      %dma_start3A_69 = arith.constant 0 : i32
      %dma_start3A_70 = tpu.memref_slice %arg8[%add3A_13, %dma_start3A_69] : memref<10112x32xf32, #tpu.memory_space<vmem_shared>> -> memref<125x32xf32, #tpu.memory_space<vmem_shared>>
      %dma_start3A_71 = arith.constant 0 : i32
      %dma_start3A_72 = tpu.memref_slice %arg8[%add3A_13, %dma_start3A_71] : memref<10112x32xf32, #tpu.memory_space<vmem_shared>> -> memref<125x32xf32, #tpu.memory_space<vmem_shared>>
      %dma_start3A_73 = arith.constant 0 : i32
      %dma_start3A_74 = arith.constant 0 : i32
      %dma_start3A_75 = tpu.memref_slice %arg7[%run_scoped3A_14, %dma_start3A_73, %dma_start3A_74] : memref<6x125x32xf32, #tpu.memory_space<vmem>> -> memref<1x125x32xf32, #tpu.memory_space<vmem>>
      %dma_start3A_76 = tpu.memref_squeeze %dma_start3A_75 : memref<1x125x32xf32, #tpu.memory_space<vmem>> -> memref<125x32xf32, #tpu.memory_space<vmem>>
      tpu.enqueue_dma source(%dma_start3A_76 : memref<125x32xf32, #tpu.memory_space<vmem>>) target(%dma_start3A_72 : memref<125x32xf32, #tpu.memory_space<vmem_shared>>) target_semaphore(%run_scoped3A_65 : memref<!tpu.dma_semaphore, #tpu.memory_space<semaphore_mem>>)
      %dma_wait3A_77 = arith.constant 0 : i32
      %dma_wait3A_78 = arith.constant 0 : i32
      %dma_wait3A_79 = tpu.memref_slice %arg7[%run_scoped3A_14, %dma_wait3A_77, %dma_wait3A_78] : memref<6x125x32xf32, #tpu.memory_space<vmem>> -> memref<1x125x32xf32, #tpu.memory_space<vmem>>
      %dma_wait3A_80 = tpu.memref_squeeze %dma_wait3A_79 : memref<1x125x32xf32, #tpu.memory_space<vmem>> -> memref<125x32xf32, #tpu.memory_space<vmem>>
      %dma_wait3A_81 = arith.constant 0 : i32
      %dma_wait3A_82 = tpu.memref_slice %arg8[%add3A_13, %dma_wait3A_81] : memref<10112x32xf32, #tpu.memory_space<vmem_shared>> -> memref<125x32xf32, #tpu.memory_space<vmem_shared>>
      %dma_wait3A_83 = arith.constant 0 : i32
      %dma_wait3A_84 = tpu.memref_slice %arg8[%add3A_13, %dma_wait3A_83] : memref<10112x32xf32, #tpu.memory_space<vmem_shared>> -> memref<125x32xf32, #tpu.memory_space<vmem_shared>>
      %dma_wait3A_85 = arith.constant 0 : i32
      %dma_wait3A_86 = arith.constant 0 : i32
      %dma_wait3A_87 = tpu.memref_slice %arg7[%run_scoped3A_14, %dma_wait3A_85, %dma_wait3A_86] : memref<6x125x32xf32, #tpu.memory_space<vmem>> -> memref<1x125x32xf32, #tpu.memory_space<vmem>>
      %dma_wait3A_88 = tpu.memref_squeeze %dma_wait3A_87 : memref<1x125x32xf32, #tpu.memory_space<vmem>> -> memref<125x32xf32, #tpu.memory_space<vmem>>
      tpu.wait_dma2 semaphore(%run_scoped3A_65 : memref<!tpu.dma_semaphore, #tpu.memory_space<semaphore_mem>>) src(%dma_wait3A_88 : memref<125x32xf32, #tpu.memory_space<vmem>>) dst(%dma_wait3A_84 : memref<125x32xf32, #tpu.memory_space<vmem_shared>>)
      tpu.yield
    }) : () -> ()
    %add3A_15 = arith.constant 250 : i32
    %add3A_16 = arith.addi %mul3A_2, %add3A_15 : i32
    %run_scoped3A_17 = arith.constant 0 : i32
    "tpu.region"() ({
      %run_scoped3A_65 = tpu.sem_alloc : memref<!tpu.dma_semaphore, #tpu.memory_space<semaphore_mem>>
      %dma_start3A = arith.constant 0 : i32
      %dma_start3A_66 = arith.constant 0 : i32
      %dma_start3A_67 = tpu.memref_slice %arg7[%run_scoped3A_17, %dma_start3A, %dma_start3A_66] : memref<6x125x32xf32, #tpu.memory_space<vmem>> -> memref<1x125x32xf32, #tpu.memory_space<vmem>>
      %dma_start3A_68 = tpu.memref_squeeze %dma_start3A_67 : memref<1x125x32xf32, #tpu.memory_space<vmem>> -> memref<125x32xf32, #tpu.memory_space<vmem>>
      %dma_start3A_69 = arith.constant 0 : i32
      %dma_start3A_70 = tpu.memref_slice %arg8[%add3A_16, %dma_start3A_69] : memref<10112x32xf32, #tpu.memory_space<vmem_shared>> -> memref<125x32xf32, #tpu.memory_space<vmem_shared>>
      %dma_start3A_71 = arith.constant 0 : i32
      %dma_start3A_72 = tpu.memref_slice %arg8[%add3A_16, %dma_start3A_71] : memref<10112x32xf32, #tpu.memory_space<vmem_shared>> -> memref<125x32xf32, #tpu.memory_space<vmem_shared>>
      %dma_start3A_73 = arith.constant 0 : i32
      %dma_start3A_74 = arith.constant 0 : i32
      %dma_start3A_75 = tpu.memref_slice %arg7[%run_scoped3A_17, %dma_start3A_73, %dma_start3A_74] : memref<6x125x32xf32, #tpu.memory_space<vmem>> -> memref<1x125x32xf32, #tpu.memory_space<vmem>>
      %dma_start3A_76 = tpu.memref_squeeze %dma_start3A_75 : memref<1x125x32xf32, #tpu.memory_space<vmem>> -> memref<125x32xf32, #tpu.memory_space<vmem>>
      tpu.enqueue_dma source(%dma_start3A_76 : memref<125x32xf32, #tpu.memory_space<vmem>>) target(%dma_start3A_72 : memref<125x32xf32, #tpu.memory_space<vmem_shared>>) target_semaphore(%run_scoped3A_65 : memref<!tpu.dma_semaphore, #tpu.memory_space<semaphore_mem>>)
      %dma_wait3A_77 = arith.constant 0 : i32
      %dma_wait3A_78 = arith.constant 0 : i32
      %dma_wait3A_79 = tpu.memref_slice %arg7[%run_scoped3A_17, %dma_wait3A_77, %dma_wait3A_78] : memref<6x125x32xf32, #tpu.memory_space<vmem>> -> memref<1x125x32xf32, #tpu.memory_space<vmem>>
      %dma_wait3A_80 = tpu.memref_squeeze %dma_wait3A_79 : memref<1x125x32xf32, #tpu.memory_space<vmem>> -> memref<125x32xf32, #tpu.memory_space<vmem>>
      %dma_wait3A_81 = arith.constant 0 : i32
      %dma_wait3A_82 = tpu.memref_slice %arg8[%add3A_16, %dma_wait3A_81] : memref<10112x32xf32, #tpu.memory_space<vmem_shared>> -> memref<125x32xf32, #tpu.memory_space<vmem_shared>>
      %dma_wait3A_83 = arith.constant 0 : i32
      %dma_wait3A_84 = tpu.memref_slice %arg8[%add3A_16, %dma_wait3A_83] : memref<10112x32xf32, #tpu.memory_space<vmem_shared>> -> memref<125x32xf32, #tpu.memory_space<vmem_shared>>
      %dma_wait3A_85 = arith.constant 0 : i32
      %dma_wait3A_86 = arith.constant 0 : i32
      %dma_wait3A_87 = tpu.memref_slice %arg7[%run_scoped3A_17, %dma_wait3A_85, %dma_wait3A_86] : memref<6x125x32xf32, #tpu.memory_space<vmem>> -> memref<1x125x32xf32, #tpu.memory_space<vmem>>
      %dma_wait3A_88 = tpu.memref_squeeze %dma_wait3A_87 : memref<1x125x32xf32, #tpu.memory_space<vmem>> -> memref<125x32xf32, #tpu.memory_space<vmem>>
      tpu.wait_dma2 semaphore(%run_scoped3A_65 : memref<!tpu.dma_semaphore, #tpu.memory_space<semaphore_mem>>) src(%dma_wait3A_88 : memref<125x32xf32, #tpu.memory_space<vmem>>) dst(%dma_wait3A_84 : memref<125x32xf32, #tpu.memory_space<vmem_shared>>)
      tpu.yield
    }) : () -> ()
    %add3A_18 = arith.constant 375 : i32
    %add3A_19 = arith.addi %mul3A_2, %add3A_18 : i32
    %run_scoped3A_20 = arith.constant 0 : i32
    "tpu.region"() ({
      %run_scoped3A_65 = tpu.sem_alloc : memref<!tpu.dma_semaphore, #tpu.memory_space<semaphore_mem>>
      %dma_start3A = arith.constant 0 : i32
      %dma_start3A_66 = arith.constant 0 : i32
      %dma_start3A_67 = tpu.memref_slice %arg7[%run_scoped3A_20, %dma_start3A, %dma_start3A_66] : memref<6x125x32xf32, #tpu.memory_space<vmem>> -> memref<1x125x32xf32, #tpu.memory_space<vmem>>
      %dma_start3A_68 = tpu.memref_squeeze %dma_start3A_67 : memref<1x125x32xf32, #tpu.memory_space<vmem>> -> memref<125x32xf32, #tpu.memory_space<vmem>>
      %dma_start3A_69 = arith.constant 0 : i32
      %dma_start3A_70 = tpu.memref_slice %arg8[%add3A_19, %dma_start3A_69] : memref<10112x32xf32, #tpu.memory_space<vmem_shared>> -> memref<125x32xf32, #tpu.memory_space<vmem_shared>>
      %dma_start3A_71 = arith.constant 0 : i32
      %dma_start3A_72 = tpu.memref_slice %arg8[%add3A_19, %dma_start3A_71] : memref<10112x32xf32, #tpu.memory_space<vmem_shared>> -> memref<125x32xf32, #tpu.memory_space<vmem_shared>>
      %dma_start3A_73 = arith.constant 0 : i32
      %dma_start3A_74 = arith.constant 0 : i32
      %dma_start3A_75 = tpu.memref_slice %arg7[%run_scoped3A_20, %dma_start3A_73, %dma_start3A_74] : memref<6x125x32xf32, #tpu.memory_space<vmem>> -> memref<1x125x32xf32, #tpu.memory_space<vmem>>
      %dma_start3A_76 = tpu.memref_squeeze %dma_start3A_75 : memref<1x125x32xf32, #tpu.memory_space<vmem>> -> memref<125x32xf32, #tpu.memory_space<vmem>>
      tpu.enqueue_dma source(%dma_start3A_76 : memref<125x32xf32, #tpu.memory_space<vmem>>) target(%dma_start3A_72 : memref<125x32xf32, #tpu.memory_space<vmem_shared>>) target_semaphore(%run_scoped3A_65 : memref<!tpu.dma_semaphore, #tpu.memory_space<semaphore_mem>>)
      %dma_wait3A_77 = arith.constant 0 : i32
      %dma_wait3A_78 = arith.constant 0 : i32
      %dma_wait3A_79 = tpu.memref_slice %arg7[%run_scoped3A_20, %dma_wait3A_77, %dma_wait3A_78] : memref<6x125x32xf32, #tpu.memory_space<vmem>> -> memref<1x125x32xf32, #tpu.memory_space<vmem>>
      %dma_wait3A_80 = tpu.memref_squeeze %dma_wait3A_79 : memref<1x125x32xf32, #tpu.memory_space<vmem>> -> memref<125x32xf32, #tpu.memory_space<vmem>>
      %dma_wait3A_81 = arith.constant 0 : i32
      %dma_wait3A_82 = tpu.memref_slice %arg8[%add3A_19, %dma_wait3A_81] : memref<10112x32xf32, #tpu.memory_space<vmem_shared>> -> memref<125x32xf32, #tpu.memory_space<vmem_shared>>
      %dma_wait3A_83 = arith.constant 0 : i32
      %dma_wait3A_84 = tpu.memref_slice %arg8[%add3A_19, %dma_wait3A_83] : memref<10112x32xf32, #tpu.memory_space<vmem_shared>> -> memref<125x32xf32, #tpu.memory_space<vmem_shared>>
      %dma_wait3A_85 = arith.constant 0 : i32
      %dma_wait3A_86 = arith.constant 0 : i32
      %dma_wait3A_87 = tpu.memref_slice %arg7[%run_scoped3A_20, %dma_wait3A_85, %dma_wait3A_86] : memref<6x125x32xf32, #tpu.memory_space<vmem>> -> memref<1x125x32xf32, #tpu.memory_space<vmem>>
      %dma_wait3A_88 = tpu.memref_squeeze %dma_wait3A_87 : memref<1x125x32xf32, #tpu.memory_space<vmem>> -> memref<125x32xf32, #tpu.memory_space<vmem>>
      tpu.wait_dma2 semaphore(%run_scoped3A_65 : memref<!tpu.dma_semaphore, #tpu.memory_space<semaphore_mem>>) src(%dma_wait3A_88 : memref<125x32xf32, #tpu.memory_space<vmem>>) dst(%dma_wait3A_84 : memref<125x32xf32, #tpu.memory_space<vmem_shared>>)
      tpu.yield
    }) : () -> ()
    %add3A_21 = arith.constant 500 : i32
    %add3A_22 = arith.addi %mul3A_2, %add3A_21 : i32
    %run_scoped3A_23 = arith.constant 0 : i32
    "tpu.region"() ({
      %run_scoped3A_65 = tpu.sem_alloc : memref<!tpu.dma_semaphore, #tpu.memory_space<semaphore_mem>>
      %dma_start3A = arith.constant 0 : i32
      %dma_start3A_66 = arith.constant 0 : i32
      %dma_start3A_67 = tpu.memref_slice %arg7[%run_scoped3A_23, %dma_start3A, %dma_start3A_66] : memref<6x125x32xf32, #tpu.memory_space<vmem>> -> memref<1x125x32xf32, #tpu.memory_space<vmem>>
      %dma_start3A_68 = tpu.memref_squeeze %dma_start3A_67 : memref<1x125x32xf32, #tpu.memory_space<vmem>> -> memref<125x32xf32, #tpu.memory_space<vmem>>
      %dma_start3A_69 = arith.constant 0 : i32
      %dma_start3A_70 = tpu.memref_slice %arg8[%add3A_22, %dma_start3A_69] : memref<10112x32xf32, #tpu.memory_space<vmem_shared>> -> memref<125x32xf32, #tpu.memory_space<vmem_shared>>
      %dma_start3A_71 = arith.constant 0 : i32
      %dma_start3A_72 = tpu.memref_slice %arg8[%add3A_22, %dma_start3A_71] : memref<10112x32xf32, #tpu.memory_space<vmem_shared>> -> memref<125x32xf32, #tpu.memory_space<vmem_shared>>
      %dma_start3A_73 = arith.constant 0 : i32
      %dma_start3A_74 = arith.constant 0 : i32
      %dma_start3A_75 = tpu.memref_slice %arg7[%run_scoped3A_23, %dma_start3A_73, %dma_start3A_74] : memref<6x125x32xf32, #tpu.memory_space<vmem>> -> memref<1x125x32xf32, #tpu.memory_space<vmem>>
      %dma_start3A_76 = tpu.memref_squeeze %dma_start3A_75 : memref<1x125x32xf32, #tpu.memory_space<vmem>> -> memref<125x32xf32, #tpu.memory_space<vmem>>
      tpu.enqueue_dma source(%dma_start3A_76 : memref<125x32xf32, #tpu.memory_space<vmem>>) target(%dma_start3A_72 : memref<125x32xf32, #tpu.memory_space<vmem_shared>>) target_semaphore(%run_scoped3A_65 : memref<!tpu.dma_semaphore, #tpu.memory_space<semaphore_mem>>)
      %dma_wait3A_77 = arith.constant 0 : i32
      %dma_wait3A_78 = arith.constant 0 : i32
      %dma_wait3A_79 = tpu.memref_slice %arg7[%run_scoped3A_23, %dma_wait3A_77, %dma_wait3A_78] : memref<6x125x32xf32, #tpu.memory_space<vmem>> -> memref<1x125x32xf32, #tpu.memory_space<vmem>>
      %dma_wait3A_80 = tpu.memref_squeeze %dma_wait3A_79 : memref<1x125x32xf32, #tpu.memory_space<vmem>> -> memref<125x32xf32, #tpu.memory_space<vmem>>
      %dma_wait3A_81 = arith.constant 0 : i32
      %dma_wait3A_82 = tpu.memref_slice %arg8[%add3A_22, %dma_wait3A_81] : memref<10112x32xf32, #tpu.memory_space<vmem_shared>> -> memref<125x32xf32, #tpu.memory_space<vmem_shared>>
      %dma_wait3A_83 = arith.constant 0 : i32
      %dma_wait3A_84 = tpu.memref_slice %arg8[%add3A_22, %dma_wait3A_83] : memref<10112x32xf32, #tpu.memory_space<vmem_shared>> -> memref<125x32xf32, #tpu.memory_space<vmem_shared>>
      %dma_wait3A_85 = arith.constant 0 : i32
      %dma_wait3A_86 = arith.constant 0 : i32
      %dma_wait3A_87 = tpu.memref_slice %arg7[%run_scoped3A_23, %dma_wait3A_85, %dma_wait3A_86] : memref<6x125x32xf32, #tpu.memory_space<vmem>> -> memref<1x125x32xf32, #tpu.memory_space<vmem>>
      %dma_wait3A_88 = tpu.memref_squeeze %dma_wait3A_87 : memref<1x125x32xf32, #tpu.memory_space<vmem>> -> memref<125x32xf32, #tpu.memory_space<vmem>>
      tpu.wait_dma2 semaphore(%run_scoped3A_65 : memref<!tpu.dma_semaphore, #tpu.memory_space<semaphore_mem>>) src(%dma_wait3A_88 : memref<125x32xf32, #tpu.memory_space<vmem>>) dst(%dma_wait3A_84 : memref<125x32xf32, #tpu.memory_space<vmem_shared>>)
      tpu.yield
    }) : () -> ()
    %add3A_24 = arith.constant 625 : i32
    %add3A_25 = arith.addi %mul3A_2, %add3A_24 : i32
    %run_scoped3A_26 = arith.constant 0 : i32
    "tpu.region"() ({
      %run_scoped3A_65 = tpu.sem_alloc : memref<!tpu.dma_semaphore, #tpu.memory_space<semaphore_mem>>
      %dma_start3A = arith.constant 0 : i32
      %dma_start3A_66 = arith.constant 0 : i32
      %dma_start3A_67 = tpu.memref_slice %arg7[%run_scoped3A_26, %dma_start3A, %dma_start3A_66] : memref<6x125x32xf32, #tpu.memory_space<vmem>> -> memref<1x7x32xf32, #tpu.memory_space<vmem>>
      %dma_start3A_68 = tpu.memref_squeeze %dma_start3A_67 : memref<1x7x32xf32, #tpu.memory_space<vmem>> -> memref<7x32xf32, #tpu.memory_space<vmem>>
      %dma_start3A_69 = arith.constant 0 : i32
      %dma_start3A_70 = tpu.memref_slice %arg8[%add3A_25, %dma_start3A_69] : memref<10112x32xf32, #tpu.memory_space<vmem_shared>> -> memref<7x32xf32, #tpu.memory_space<vmem_shared>>
      %dma_start3A_71 = arith.constant 0 : i32
      %dma_start3A_72 = tpu.memref_slice %arg8[%add3A_25, %dma_start3A_71] : memref<10112x32xf32, #tpu.memory_space<vmem_shared>> -> memref<7x32xf32, #tpu.memory_space<vmem_shared>>
      %dma_start3A_73 = arith.constant 0 : i32
      %dma_start3A_74 = arith.constant 0 : i32
      %dma_start3A_75 = tpu.memref_slice %arg7[%run_scoped3A_26, %dma_start3A_73, %dma_start3A_74] : memref<6x125x32xf32, #tpu.memory_space<vmem>> -> memref<1x7x32xf32, #tpu.memory_space<vmem>>
      %dma_start3A_76 = tpu.memref_squeeze %dma_start3A_75 : memref<1x7x32xf32, #tpu.memory_space<vmem>> -> memref<7x32xf32, #tpu.memory_space<vmem>>
      tpu.enqueue_dma source(%dma_start3A_76 : memref<7x32xf32, #tpu.memory_space<vmem>>) target(%dma_start3A_72 : memref<7x32xf32, #tpu.memory_space<vmem_shared>>) target_semaphore(%run_scoped3A_65 : memref<!tpu.dma_semaphore, #tpu.memory_space<semaphore_mem>>)
      %dma_wait3A_77 = arith.constant 0 : i32
      %dma_wait3A_78 = arith.constant 0 : i32
      %dma_wait3A_79 = tpu.memref_slice %arg7[%run_scoped3A_26, %dma_wait3A_77, %dma_wait3A_78] : memref<6x125x32xf32, #tpu.memory_space<vmem>> -> memref<1x7x32xf32, #tpu.memory_space<vmem>>
      %dma_wait3A_80 = tpu.memref_squeeze %dma_wait3A_79 : memref<1x7x32xf32, #tpu.memory_space<vmem>> -> memref<7x32xf32, #tpu.memory_space<vmem>>
      %dma_wait3A_81 = arith.constant 0 : i32
      %dma_wait3A_82 = tpu.memref_slice %arg8[%add3A_25, %dma_wait3A_81] : memref<10112x32xf32, #tpu.memory_space<vmem_shared>> -> memref<7x32xf32, #tpu.memory_space<vmem_shared>>
      %dma_wait3A_83 = arith.constant 0 : i32
      %dma_wait3A_84 = tpu.memref_slice %arg8[%add3A_25, %dma_wait3A_83] : memref<10112x32xf32, #tpu.memory_space<vmem_shared>> -> memref<7x32xf32, #tpu.memory_space<vmem_shared>>
      %dma_wait3A_85 = arith.constant 0 : i32
      %dma_wait3A_86 = arith.constant 0 : i32
      %dma_wait3A_87 = tpu.memref_slice %arg7[%run_scoped3A_26, %dma_wait3A_85, %dma_wait3A_86] : memref<6x125x32xf32, #tpu.memory_space<vmem>> -> memref<1x7x32xf32, #tpu.memory_space<vmem>>
      %dma_wait3A_88 = tpu.memref_squeeze %dma_wait3A_87 : memref<1x7x32xf32, #tpu.memory_space<vmem>> -> memref<7x32xf32, #tpu.memory_space<vmem>>
      tpu.wait_dma2 semaphore(%run_scoped3A_65 : memref<!tpu.dma_semaphore, #tpu.memory_space<semaphore_mem>>) src(%dma_wait3A_88 : memref<7x32xf32, #tpu.memory_space<vmem>>) dst(%dma_wait3A_84 : memref<7x32xf32, #tpu.memory_space<vmem_shared>>)
      tpu.yield
    }) : () -> ()
    %add3A_27 = arith.constant 0 : i32
    %add3A_28 = arith.addi %mul3A_4, %add3A_27 : i32
    %run_scoped3A_29 = arith.constant 0 : i32
    %run_scoped3A_30 = arith.constant 0 : i32
    "tpu.region"() ({
      %run_scoped3A_65 = tpu.sem_alloc : memref<!tpu.dma_semaphore, #tpu.memory_space<semaphore_mem>>
      %dma_start3A = arith.constant 0 : i32
      %dma_start3A_66 = arith.constant 0 : i32
      %dma_start3A_67 = tpu.memref_slice %arg5[%run_scoped3A_30, %dma_start3A, %dma_start3A_66] : memref<2x16x125xi32, #tpu.memory_space<vmem>> -> memref<1x16x125xi32, #tpu.memory_space<vmem>>
      %dma_start3A_68 = tpu.memref_squeeze %dma_start3A_67 : memref<1x16x125xi32, #tpu.memory_space<vmem>> -> memref<16x125xi32, #tpu.memory_space<vmem>>
      %dma_start3A_69 = arith.constant 0 : i32
      %dma_start3A_70 = tpu.memref_slice %arg3[%run_scoped3A_29, %add3A_28, %dma_start3A_69] : memref<2x2560x125xi32, #tpu.memory_space<hbm>> -> memref<1x16x125xi32, #tpu.memory_space<hbm>>
      %dma_start3A_71 = tpu.memref_squeeze %dma_start3A_70 : memref<1x16x125xi32, #tpu.memory_space<hbm>> -> memref<16x125xi32, #tpu.memory_space<hbm>>
      %dma_start3A_72 = arith.constant 0 : i32
      %dma_start3A_73 = arith.constant 0 : i32
      %dma_start3A_74 = tpu.memref_slice %arg5[%run_scoped3A_30, %dma_start3A_72, %dma_start3A_73] : memref<2x16x125xi32, #tpu.memory_space<vmem>> -> memref<1x16x125xi32, #tpu.memory_space<vmem>>
      %dma_start3A_75 = tpu.memref_squeeze %dma_start3A_74 : memref<1x16x125xi32, #tpu.memory_space<vmem>> -> memref<16x125xi32, #tpu.memory_space<vmem>>
      %dma_start3A_76 = arith.constant 0 : i32
      %dma_start3A_77 = tpu.memref_slice %arg3[%run_scoped3A_29, %add3A_28, %dma_start3A_76] : memref<2x2560x125xi32, #tpu.memory_space<hbm>> -> memref<1x16x125xi32, #tpu.memory_space<hbm>>
      %dma_start3A_78 = tpu.memref_squeeze %dma_start3A_77 : memref<1x16x125xi32, #tpu.memory_space<hbm>> -> memref<16x125xi32, #tpu.memory_space<hbm>>
      tpu.enqueue_dma source(%dma_start3A_78 : memref<16x125xi32, #tpu.memory_space<hbm>>) target(%dma_start3A_75 : memref<16x125xi32, #tpu.memory_space<vmem>>) target_semaphore(%run_scoped3A_65 : memref<!tpu.dma_semaphore, #tpu.memory_space<semaphore_mem>>)
      %dma_wait3A_79 = arith.constant 0 : i32
      %dma_wait3A_80 = arith.constant 0 : i32
      %dma_wait3A_81 = tpu.memref_slice %arg5[%run_scoped3A_30, %dma_wait3A_79, %dma_wait3A_80] : memref<2x16x125xi32, #tpu.memory_space<vmem>> -> memref<1x16x125xi32, #tpu.memory_space<vmem>>
      %dma_wait3A_82 = tpu.memref_squeeze %dma_wait3A_81 : memref<1x16x125xi32, #tpu.memory_space<vmem>> -> memref<16x125xi32, #tpu.memory_space<vmem>>
      %dma_wait3A_83 = arith.constant 0 : i32
      %dma_wait3A_84 = tpu.memref_slice %arg3[%run_scoped3A_29, %add3A_28, %dma_wait3A_83] : memref<2x2560x125xi32, #tpu.memory_space<hbm>> -> memref<1x16x125xi32, #tpu.memory_space<hbm>>
      %dma_wait3A_85 = tpu.memref_squeeze %dma_wait3A_84 : memref<1x16x125xi32, #tpu.memory_space<hbm>> -> memref<16x125xi32, #tpu.memory_space<hbm>>
      %dma_wait3A_86 = arith.constant 0 : i32
      %dma_wait3A_87 = arith.constant 0 : i32
      %dma_wait3A_88 = tpu.memref_slice %arg5[%run_scoped3A_30, %dma_wait3A_86, %dma_wait3A_87] : memref<2x16x125xi32, #tpu.memory_space<vmem>> -> memref<1x16x125xi32, #tpu.memory_space<vmem>>
      %dma_wait3A_89 = tpu.memref_squeeze %dma_wait3A_88 : memref<1x16x125xi32, #tpu.memory_space<vmem>> -> memref<16x125xi32, #tpu.memory_space<vmem>>
      %dma_wait3A_90 = arith.constant 0 : i32
      %dma_wait3A_91 = tpu.memref_slice %arg3[%run_scoped3A_29, %add3A_28, %dma_wait3A_90] : memref<2x2560x125xi32, #tpu.memory_space<hbm>> -> memref<1x16x125xi32, #tpu.memory_space<hbm>>
      %dma_wait3A_92 = tpu.memref_squeeze %dma_wait3A_91 : memref<1x16x125xi32, #tpu.memory_space<hbm>> -> memref<16x125xi32, #tpu.memory_space<hbm>>
      tpu.wait_dma2 semaphore(%run_scoped3A_65 : memref<!tpu.dma_semaphore, #tpu.memory_space<semaphore_mem>>) src(%dma_wait3A_92 : memref<16x125xi32, #tpu.memory_space<hbm>>) dst(%dma_wait3A_89 : memref<16x125xi32, #tpu.memory_space<vmem>>)
      tpu.yield
    }) : () -> ()
    %add3A_31 = arith.constant 0 : i32
    %add3A_32 = arith.addi %mul3A_4, %add3A_31 : i32
    %run_scoped3A_33 = arith.constant 1 : i32
    %run_scoped3A_34 = arith.constant 0 : i32
    "tpu.region"() ({
      %run_scoped3A_65 = tpu.sem_alloc : memref<!tpu.dma_semaphore, #tpu.memory_space<semaphore_mem>>
      %dma_start3A = arith.constant 0 : i32
      %dma_start3A_66 = arith.constant 0 : i32
      %dma_start3A_67 = tpu.memref_slice %arg6[%run_scoped3A_34, %dma_start3A, %dma_start3A_66] : memref<2x16x125xi32, #tpu.memory_space<vmem>> -> memref<1x16x125xi32, #tpu.memory_space<vmem>>
      %dma_start3A_68 = tpu.memref_squeeze %dma_start3A_67 : memref<1x16x125xi32, #tpu.memory_space<vmem>> -> memref<16x125xi32, #tpu.memory_space<vmem>>
      %dma_start3A_69 = arith.constant 0 : i32
      %dma_start3A_70 = tpu.memref_slice %arg3[%run_scoped3A_33, %add3A_32, %dma_start3A_69] : memref<2x2560x125xi32, #tpu.memory_space<hbm>> -> memref<1x16x125xi32, #tpu.memory_space<hbm>>
      %dma_start3A_71 = tpu.memref_squeeze %dma_start3A_70 : memref<1x16x125xi32, #tpu.memory_space<hbm>> -> memref<16x125xi32, #tpu.memory_space<hbm>>
      %dma_start3A_72 = arith.constant 0 : i32
      %dma_start3A_73 = arith.constant 0 : i32
      %dma_start3A_74 = tpu.memref_slice %arg6[%run_scoped3A_34, %dma_start3A_72, %dma_start3A_73] : memref<2x16x125xi32, #tpu.memory_space<vmem>> -> memref<1x16x125xi32, #tpu.memory_space<vmem>>
      %dma_start3A_75 = tpu.memref_squeeze %dma_start3A_74 : memref<1x16x125xi32, #tpu.memory_space<vmem>> -> memref<16x125xi32, #tpu.memory_space<vmem>>
      %dma_start3A_76 = arith.constant 0 : i32
      %dma_start3A_77 = tpu.memref_slice %arg3[%run_scoped3A_33, %add3A_32, %dma_start3A_76] : memref<2x2560x125xi32, #tpu.memory_space<hbm>> -> memref<1x16x125xi32, #tpu.memory_space<hbm>>
      %dma_start3A_78 = tpu.memref_squeeze %dma_start3A_77 : memref<1x16x125xi32, #tpu.memory_space<hbm>> -> memref<16x125xi32, #tpu.memory_space<hbm>>
      tpu.enqueue_dma source(%dma_start3A_78 : memref<16x125xi32, #tpu.memory_space<hbm>>) target(%dma_start3A_75 : memref<16x125xi32, #tpu.memory_space<vmem>>) target_semaphore(%run_scoped3A_65 : memref<!tpu.dma_semaphore, #tpu.memory_space<semaphore_mem>>)
      %dma_wait3A_79 = arith.constant 0 : i32
      %dma_wait3A_80 = arith.constant 0 : i32
      %dma_wait3A_81 = tpu.memref_slice %arg6[%run_scoped3A_34, %dma_wait3A_79, %dma_wait3A_80] : memref<2x16x125xi32, #tpu.memory_space<vmem>> -> memref<1x16x125xi32, #tpu.memory_space<vmem>>
      %dma_wait3A_82 = tpu.memref_squeeze %dma_wait3A_81 : memref<1x16x125xi32, #tpu.memory_space<vmem>> -> memref<16x125xi32, #tpu.memory_space<vmem>>
      %dma_wait3A_83 = arith.constant 0 : i32
      %dma_wait3A_84 = tpu.memref_slice %arg3[%run_scoped3A_33, %add3A_32, %dma_wait3A_83] : memref<2x2560x125xi32, #tpu.memory_space<hbm>> -> memref<1x16x125xi32, #tpu.memory_space<hbm>>
      %dma_wait3A_85 = tpu.memref_squeeze %dma_wait3A_84 : memref<1x16x125xi32, #tpu.memory_space<hbm>> -> memref<16x125xi32, #tpu.memory_space<hbm>>
      %dma_wait3A_86 = arith.constant 0 : i32
      %dma_wait3A_87 = arith.constant 0 : i32
      %dma_wait3A_88 = tpu.memref_slice %arg6[%run_scoped3A_34, %dma_wait3A_86, %dma_wait3A_87] : memref<2x16x125xi32, #tpu.memory_space<vmem>> -> memref<1x16x125xi32, #tpu.memory_space<vmem>>
      %dma_wait3A_89 = tpu.memref_squeeze %dma_wait3A_88 : memref<1x16x125xi32, #tpu.memory_space<vmem>> -> memref<16x125xi32, #tpu.memory_space<vmem>>
      %dma_wait3A_90 = arith.constant 0 : i32
      %dma_wait3A_91 = tpu.memref_slice %arg3[%run_scoped3A_33, %add3A_32, %dma_wait3A_90] : memref<2x2560x125xi32, #tpu.memory_space<hbm>> -> memref<1x16x125xi32, #tpu.memory_space<hbm>>
      %dma_wait3A_92 = tpu.memref_squeeze %dma_wait3A_91 : memref<1x16x125xi32, #tpu.memory_space<hbm>> -> memref<16x125xi32, #tpu.memory_space<hbm>>
      tpu.wait_dma2 semaphore(%run_scoped3A_65 : memref<!tpu.dma_semaphore, #tpu.memory_space<semaphore_mem>>) src(%dma_wait3A_92 : memref<16x125xi32, #tpu.memory_space<hbm>>) dst(%dma_wait3A_89 : memref<16x125xi32, #tpu.memory_space<vmem>>)
      tpu.yield
    }) : () -> ()
    %add3A_35 = arith.constant 16 : i32
    %add3A_36 = arith.addi %mul3A_4, %add3A_35 : i32
    %run_scoped3A_37 = arith.constant 0 : i32
    %run_scoped3A_38 = arith.constant 1 : i32
    "tpu.region"() ({
      %run_scoped3A_65 = tpu.sem_alloc : memref<!tpu.dma_semaphore, #tpu.memory_space<semaphore_mem>>
      %dma_start3A = arith.constant 0 : i32
      %dma_start3A_66 = arith.constant 0 : i32
      %dma_start3A_67 = tpu.memref_slice %arg5[%run_scoped3A_38, %dma_start3A, %dma_start3A_66] : memref<2x16x125xi32, #tpu.memory_space<vmem>> -> memref<1x16x125xi32, #tpu.memory_space<vmem>>
      %dma_start3A_68 = tpu.memref_squeeze %dma_start3A_67 : memref<1x16x125xi32, #tpu.memory_space<vmem>> -> memref<16x125xi32, #tpu.memory_space<vmem>>
      %dma_start3A_69 = arith.constant 0 : i32
      %dma_start3A_70 = tpu.memref_slice %arg3[%run_scoped3A_37, %add3A_36, %dma_start3A_69] : memref<2x2560x125xi32, #tpu.memory_space<hbm>> -> memref<1x16x125xi32, #tpu.memory_space<hbm>>
      %dma_start3A_71 = tpu.memref_squeeze %dma_start3A_70 : memref<1x16x125xi32, #tpu.memory_space<hbm>> -> memref<16x125xi32, #tpu.memory_space<hbm>>
      %dma_start3A_72 = arith.constant 0 : i32
      %dma_start3A_73 = arith.constant 0 : i32
      %dma_start3A_74 = tpu.memref_slice %arg5[%run_scoped3A_38, %dma_start3A_72, %dma_start3A_73] : memref<2x16x125xi32, #tpu.memory_space<vmem>> -> memref<1x16x125xi32, #tpu.memory_space<vmem>>
      %dma_start3A_75 = tpu.memref_squeeze %dma_start3A_74 : memref<1x16x125xi32, #tpu.memory_space<vmem>> -> memref<16x125xi32, #tpu.memory_space<vmem>>
      %dma_start3A_76 = arith.constant 0 : i32
      %dma_start3A_77 = tpu.memref_slice %arg3[%run_scoped3A_37, %add3A_36, %dma_start3A_76] : memref<2x2560x125xi32, #tpu.memory_space<hbm>> -> memref<1x16x125xi32, #tpu.memory_space<hbm>>
      %dma_start3A_78 = tpu.memref_squeeze %dma_start3A_77 : memref<1x16x125xi32, #tpu.memory_space<hbm>> -> memref<16x125xi32, #tpu.memory_space<hbm>>
      tpu.enqueue_dma source(%dma_start3A_78 : memref<16x125xi32, #tpu.memory_space<hbm>>) target(%dma_start3A_75 : memref<16x125xi32, #tpu.memory_space<vmem>>) target_semaphore(%run_scoped3A_65 : memref<!tpu.dma_semaphore, #tpu.memory_space<semaphore_mem>>)
      %dma_wait3A_79 = arith.constant 0 : i32
      %dma_wait3A_80 = arith.constant 0 : i32
      %dma_wait3A_81 = tpu.memref_slice %arg5[%run_scoped3A_38, %dma_wait3A_79, %dma_wait3A_80] : memref<2x16x125xi32, #tpu.memory_space<vmem>> -> memref<1x16x125xi32, #tpu.memory_space<vmem>>
      %dma_wait3A_82 = tpu.memref_squeeze %dma_wait3A_81 : memref<1x16x125xi32, #tpu.memory_space<vmem>> -> memref<16x125xi32, #tpu.memory_space<vmem>>
      %dma_wait3A_83 = arith.constant 0 : i32
      %dma_wait3A_84 = tpu.memref_slice %arg3[%run_scoped3A_37, %add3A_36, %dma_wait3A_83] : memref<2x2560x125xi32, #tpu.memory_space<hbm>> -> memref<1x16x125xi32, #tpu.memory_space<hbm>>
      %dma_wait3A_85 = tpu.memref_squeeze %dma_wait3A_84 : memref<1x16x125xi32, #tpu.memory_space<hbm>> -> memref<16x125xi32, #tpu.memory_space<hbm>>
      %dma_wait3A_86 = arith.constant 0 : i32
      %dma_wait3A_87 = arith.constant 0 : i32
      %dma_wait3A_88 = tpu.memref_slice %arg5[%run_scoped3A_38, %dma_wait3A_86, %dma_wait3A_87] : memref<2x16x125xi32, #tpu.memory_space<vmem>> -> memref<1x16x125xi32, #tpu.memory_space<vmem>>
      %dma_wait3A_89 = tpu.memref_squeeze %dma_wait3A_88 : memref<1x16x125xi32, #tpu.memory_space<vmem>> -> memref<16x125xi32, #tpu.memory_space<vmem>>
      %dma_wait3A_90 = arith.constant 0 : i32
      %dma_wait3A_91 = tpu.memref_slice %arg3[%run_scoped3A_37, %add3A_36, %dma_wait3A_90] : memref<2x2560x125xi32, #tpu.memory_space<hbm>> -> memref<1x16x125xi32, #tpu.memory_space<hbm>>
      %dma_wait3A_92 = tpu.memref_squeeze %dma_wait3A_91 : memref<1x16x125xi32, #tpu.memory_space<hbm>> -> memref<16x125xi32, #tpu.memory_space<hbm>>
      tpu.wait_dma2 semaphore(%run_scoped3A_65 : memref<!tpu.dma_semaphore, #tpu.memory_space<semaphore_mem>>) src(%dma_wait3A_92 : memref<16x125xi32, #tpu.memory_space<hbm>>) dst(%dma_wait3A_89 : memref<16x125xi32, #tpu.memory_space<vmem>>)
      tpu.yield
    }) : () -> ()
    %add3A_39 = arith.constant 16 : i32
    %add3A_40 = arith.addi %mul3A_4, %add3A_39 : i32
    %run_scoped3A_41 = arith.constant 1 : i32
    %run_scoped3A_42 = arith.constant 1 : i32
    "tpu.region"() ({
      %run_scoped3A_65 = tpu.sem_alloc : memref<!tpu.dma_semaphore, #tpu.memory_space<semaphore_mem>>
      %dma_start3A = arith.constant 0 : i32
      %dma_start3A_66 = arith.constant 0 : i32
      %dma_start3A_67 = tpu.memref_slice %arg6[%run_scoped3A_42, %dma_start3A, %dma_start3A_66] : memref<2x16x125xi32, #tpu.memory_space<vmem>> -> memref<1x16x125xi32, #tpu.memory_space<vmem>>
      %dma_start3A_68 = tpu.memref_squeeze %dma_start3A_67 : memref<1x16x125xi32, #tpu.memory_space<vmem>> -> memref<16x125xi32, #tpu.memory_space<vmem>>
      %dma_start3A_69 = arith.constant 0 : i32
      %dma_start3A_70 = tpu.memref_slice %arg3[%run_scoped3A_41, %add3A_40, %dma_start3A_69] : memref<2x2560x125xi32, #tpu.memory_space<hbm>> -> memref<1x16x125xi32, #tpu.memory_space<hbm>>
      %dma_start3A_71 = tpu.memref_squeeze %dma_start3A_70 : memref<1x16x125xi32, #tpu.memory_space<hbm>> -> memref<16x125xi32, #tpu.memory_space<hbm>>
      %dma_start3A_72 = arith.constant 0 : i32
      %dma_start3A_73 = arith.constant 0 : i32
      %dma_start3A_74 = tpu.memref_slice %arg6[%run_scoped3A_42, %dma_start3A_72, %dma_start3A_73] : memref<2x16x125xi32, #tpu.memory_space<vmem>> -> memref<1x16x125xi32, #tpu.memory_space<vmem>>
      %dma_start3A_75 = tpu.memref_squeeze %dma_start3A_74 : memref<1x16x125xi32, #tpu.memory_space<vmem>> -> memref<16x125xi32, #tpu.memory_space<vmem>>
      %dma_start3A_76 = arith.constant 0 : i32
      %dma_start3A_77 = tpu.memref_slice %arg3[%run_scoped3A_41, %add3A_40, %dma_start3A_76] : memref<2x2560x125xi32, #tpu.memory_space<hbm>> -> memref<1x16x125xi32, #tpu.memory_space<hbm>>
      %dma_start3A_78 = tpu.memref_squeeze %dma_start3A_77 : memref<1x16x125xi32, #tpu.memory_space<hbm>> -> memref<16x125xi32, #tpu.memory_space<hbm>>
      tpu.enqueue_dma source(%dma_start3A_78 : memref<16x125xi32, #tpu.memory_space<hbm>>) target(%dma_start3A_75 : memref<16x125xi32, #tpu.memory_space<vmem>>) target_semaphore(%run_scoped3A_65 : memref<!tpu.dma_semaphore, #tpu.memory_space<semaphore_mem>>)
      %dma_wait3A_79 = arith.constant 0 : i32
      %dma_wait3A_80 = arith.constant 0 : i32
      %dma_wait3A_81 = tpu.memref_slice %arg6[%run_scoped3A_42, %dma_wait3A_79, %dma_wait3A_80] : memref<2x16x125xi32, #tpu.memory_space<vmem>> -> memref<1x16x125xi32, #tpu.memory_space<vmem>>
      %dma_wait3A_82 = tpu.memref_squeeze %dma_wait3A_81 : memref<1x16x125xi32, #tpu.memory_space<vmem>> -> memref<16x125xi32, #tpu.memory_space<vmem>>
      %dma_wait3A_83 = arith.constant 0 : i32
      %dma_wait3A_84 = tpu.memref_slice %arg3[%run_scoped3A_41, %add3A_40, %dma_wait3A_83] : memref<2x2560x125xi32, #tpu.memory_space<hbm>> -> memref<1x16x125xi32, #tpu.memory_space<hbm>>
      %dma_wait3A_85 = tpu.memref_squeeze %dma_wait3A_84 : memref<1x16x125xi32, #tpu.memory_space<hbm>> -> memref<16x125xi32, #tpu.memory_space<hbm>>
      %dma_wait3A_86 = arith.constant 0 : i32
      %dma_wait3A_87 = arith.constant 0 : i32
      %dma_wait3A_88 = tpu.memref_slice %arg6[%run_scoped3A_42, %dma_wait3A_86, %dma_wait3A_87] : memref<2x16x125xi32, #tpu.memory_space<vmem>> -> memref<1x16x125xi32, #tpu.memory_space<vmem>>
      %dma_wait3A_89 = tpu.memref_squeeze %dma_wait3A_88 : memref<1x16x125xi32, #tpu.memory_space<vmem>> -> memref<16x125xi32, #tpu.memory_space<vmem>>
      %dma_wait3A_90 = arith.constant 0 : i32
      %dma_wait3A_91 = tpu.memref_slice %arg3[%run_scoped3A_41, %add3A_40, %dma_wait3A_90] : memref<2x2560x125xi32, #tpu.memory_space<hbm>> -> memref<1x16x125xi32, #tpu.memory_space<hbm>>
      %dma_wait3A_92 = tpu.memref_squeeze %dma_wait3A_91 : memref<1x16x125xi32, #tpu.memory_space<hbm>> -> memref<16x125xi32, #tpu.memory_space<hbm>>
      tpu.wait_dma2 semaphore(%run_scoped3A_65 : memref<!tpu.dma_semaphore, #tpu.memory_space<semaphore_mem>>) src(%dma_wait3A_92 : memref<16x125xi32, #tpu.memory_space<hbm>>) dst(%dma_wait3A_89 : memref<16x125xi32, #tpu.memory_space<vmem>>)
      tpu.yield
    }) : () -> ()
    %barrier3A = arith.constant 0 : index
    tpu.barrier barrier_id(%barrier3A)
    %scan3A_43 = arith.constant 0 : i32
    %scan3A_44 = arith.constant 0 : i32
    %scan3A_45 = arith.constant 85 : i32
    %scan3A_46 = arith.addi %scan3A_44, %scan3A_45 : i32
    %scan3A_47 = arith.constant 1 : i32
    scf.for %scan3A_65 = %scan3A_44 to %scan3A_46 step %scan3A_47  : i32 {
      %jit3A = arith.constant 6 : i32
      %eq3A = arith.constant 0 : i32
      %eq3A_66 = arith.cmpi eq, %jit3A, %eq3A : i32
      %jit3A_67 = arith.constant 1 : i32
      %select_n3A = arith.select %eq3A_66, %jit3A_67, %jit3A : i32
      %rem3A = arith.remsi %scan3A_65, %select_n3A : i32
      %ne3A = arith.constant 0 : i32
      %ne3A_68 = arith.cmpi ne, %rem3A, %ne3A : i32
      %lt3A = arith.constant 0 : i32
      %lt3A_69 = arith.cmpi slt, %rem3A, %lt3A : i32
      %lt3A_70 = arith.constant 0 : i32
      %lt3A_71 = arith.cmpi slt, %select_n3A, %lt3A_70 : i32
      %ne3A_72 = arith.xori %lt3A_69, %lt3A_71 : i1
      %and3A = arith.andi %ne3A_72, %ne3A_68 : i1
      %add3A_73 = arith.addi %rem3A, %select_n3A : i32
      %select_n3A_74 = arith.select %and3A, %add3A_73, %rem3A : i32
      %jit3A_75 = arith.constant 16 : i32
      %eq3A_76 = arith.constant 0 : i32
      %eq3A_77 = arith.cmpi eq, %jit3A_75, %eq3A_76 : i32
      %jit3A_78 = arith.constant 1 : i32
      %select_n3A_79 = arith.select %eq3A_77, %jit3A_78, %jit3A_75 : i32
      %rem3A_80 = arith.remsi %scan3A_65, %select_n3A_79 : i32
      %ne3A_81 = arith.constant 0 : i32
      %ne3A_82 = arith.cmpi ne, %rem3A_80, %ne3A_81 : i32
      %lt3A_83 = arith.constant 0 : i32
      %lt3A_84 = arith.cmpi slt, %rem3A_80, %lt3A_83 : i32
      %lt3A_85 = arith.constant 0 : i32
      %lt3A_86 = arith.cmpi slt, %select_n3A_79, %lt3A_85 : i32
      %ne3A_87 = arith.xori %lt3A_84, %lt3A_86 : i1
      %and3A_88 = arith.andi %ne3A_87, %ne3A_82 : i1
      %add3A_89 = arith.addi %rem3A_80, %select_n3A_79 : i32
      %select_n3A_90 = arith.select %and3A_88, %add3A_89, %rem3A_80 : i32
      %eq3A_91 = arith.constant 5 : i32
      %eq3A_92 = arith.cmpi eq, %select_n3A_90, %eq3A_91 : i32
      %ge3A = arith.constant 21 : i32
      %ge3A_93 = arith.cmpi sge, %scan3A_65, %ge3A : i32
      %and3A_94 = arith.andi %eq3A_92, %ge3A_93 : i1
      %le3A = arith.constant 53 : i32
      %le3A_95 = arith.cmpi sle, %scan3A_65, %le3A : i32
      %and3A_96 = arith.andi %and3A_94, %le3A_95 : i1
      %convert_element_type3A = arith.extui %and3A_96 : i1 to i32
      %cond3A = arith.constant 0 : i32
      %cond3A_97 = arith.cmpi ne, %convert_element_type3A, %cond3A : i32
      scf.if %cond3A_97 {
        %jit3A_113 = arith.constant 16 : i32
        %div3A = arith.divsi %scan3A_65, %jit3A_113 : i32
        %sign3A = arith.constant 0 : i32
        %sign3A_114 = arith.cmpi sgt, %scan3A_65, %sign3A : i32
        %sign3A_115 = arith.extui %sign3A_114 : i1 to i32
        %sign3A_116 = arith.constant 0 : i32
        %sign3A_117 = arith.cmpi slt, %scan3A_65, %sign3A_116 : i32
        %sign3A_118 = arith.extui %sign3A_117 : i1 to i32
        %sign3A_119 = arith.subi %sign3A_115, %sign3A_118 : i32
        %sign3A_120 = arith.constant 0 : i32
        %sign3A_121 = arith.cmpi sgt, %jit3A_113, %sign3A_120 : i32
        %sign3A_122 = arith.extui %sign3A_121 : i1 to i32
        %sign3A_123 = arith.constant 0 : i32
        %sign3A_124 = arith.cmpi slt, %jit3A_113, %sign3A_123 : i32
        %sign3A_125 = arith.extui %sign3A_124 : i1 to i32
        %sign3A_126 = arith.subi %sign3A_122, %sign3A_125 : i32
        %ne3A_127 = arith.cmpi ne, %sign3A_119, %sign3A_126 : i32
        %rem3A_128 = arith.remsi %scan3A_65, %jit3A_113 : i32
        %ne3A_129 = arith.constant 0 : i32
        %ne3A_130 = arith.cmpi ne, %rem3A_128, %ne3A_129 : i32
        %and3A_131 = arith.andi %ne3A_127, %ne3A_130 : i1
        %sub3A = arith.constant 1 : i32
        %sub3A_132 = arith.subi %div3A, %sub3A : i32
        %select_n3A_133 = arith.select %and3A_131, %sub3A_132, %div3A : i32
        %add3A_134 = arith.constant 1 : i32
        %add3A_135 = arith.addi %select_n3A_133, %add3A_134 : i32
        %jit3A_136 = arith.constant 2 : i32
        %eq3A_137 = arith.constant 0 : i32
        %eq3A_138 = arith.cmpi eq, %jit3A_136, %eq3A_137 : i32
        %jit3A_139 = arith.constant 1 : i32
        %select_n3A_140 = arith.select %eq3A_138, %jit3A_139, %jit3A_136 : i32
        %rem3A_141 = arith.remsi %add3A_135, %select_n3A_140 : i32
        %ne3A_142 = arith.constant 0 : i32
        %ne3A_143 = arith.cmpi ne, %rem3A_141, %ne3A_142 : i32
        %lt3A_144 = arith.constant 0 : i32
        %lt3A_145 = arith.cmpi slt, %rem3A_141, %lt3A_144 : i32
        %lt3A_146 = arith.constant 0 : i32
        %lt3A_147 = arith.cmpi slt, %select_n3A_140, %lt3A_146 : i32
        %ne3A_148 = arith.xori %lt3A_145, %lt3A_147 : i1
        %and3A_149 = arith.andi %ne3A_148, %ne3A_143 : i1
        %add3A_150 = arith.addi %rem3A_141, %select_n3A_140 : i32
        %select_n3A_151 = arith.select %and3A_149, %add3A_150, %rem3A_141 : i32
        %mul3A_152 = arith.constant 16 : i32
        %mul3A_153 = arith.muli %add3A_135, %mul3A_152 : i32
        %add3A_154 = arith.addi %mul3A_4, %mul3A_153 : i32
        %run_scoped3A_155 = arith.constant 0 : i32
        "tpu.region"() ({
          %run_scoped3A_160 = tpu.sem_alloc : memref<!tpu.dma_semaphore, #tpu.memory_space<semaphore_mem>>
          %dma_start3A = arith.constant 0 : i32
          %dma_start3A_161 = arith.constant 0 : i32
          %dma_start3A_162 = tpu.memref_slice %arg5[%select_n3A_151, %dma_start3A, %dma_start3A_161] : memref<2x16x125xi32, #tpu.memory_space<vmem>> -> memref<1x16x125xi32, #tpu.memory_space<vmem>>
          %dma_start3A_163 = tpu.memref_squeeze %dma_start3A_162 : memref<1x16x125xi32, #tpu.memory_space<vmem>> -> memref<16x125xi32, #tpu.memory_space<vmem>>
          %dma_start3A_164 = arith.constant 0 : i32
          %dma_start3A_165 = tpu.memref_slice %arg3[%run_scoped3A_155, %add3A_154, %dma_start3A_164] : memref<2x2560x125xi32, #tpu.memory_space<hbm>> -> memref<1x16x125xi32, #tpu.memory_space<hbm>>
          %dma_start3A_166 = tpu.memref_squeeze %dma_start3A_165 : memref<1x16x125xi32, #tpu.memory_space<hbm>> -> memref<16x125xi32, #tpu.memory_space<hbm>>
          %dma_start3A_167 = arith.constant 0 : i32
          %dma_start3A_168 = arith.constant 0 : i32
          %dma_start3A_169 = tpu.memref_slice %arg5[%select_n3A_151, %dma_start3A_167, %dma_start3A_168] : memref<2x16x125xi32, #tpu.memory_space<vmem>> -> memref<1x16x125xi32, #tpu.memory_space<vmem>>
          %dma_start3A_170 = tpu.memref_squeeze %dma_start3A_169 : memref<1x16x125xi32, #tpu.memory_space<vmem>> -> memref<16x125xi32, #tpu.memory_space<vmem>>
          %dma_start3A_171 = arith.constant 0 : i32
          %dma_start3A_172 = tpu.memref_slice %arg3[%run_scoped3A_155, %add3A_154, %dma_start3A_171] : memref<2x2560x125xi32, #tpu.memory_space<hbm>> -> memref<1x16x125xi32, #tpu.memory_space<hbm>>
          %dma_start3A_173 = tpu.memref_squeeze %dma_start3A_172 : memref<1x16x125xi32, #tpu.memory_space<hbm>> -> memref<16x125xi32, #tpu.memory_space<hbm>>
          tpu.enqueue_dma source(%dma_start3A_173 : memref<16x125xi32, #tpu.memory_space<hbm>>) target(%dma_start3A_170 : memref<16x125xi32, #tpu.memory_space<vmem>>) target_semaphore(%run_scoped3A_160 : memref<!tpu.dma_semaphore, #tpu.memory_space<semaphore_mem>>)
          %dma_wait3A_174 = arith.constant 0 : i32
          %dma_wait3A_175 = arith.constant 0 : i32
          %dma_wait3A_176 = tpu.memref_slice %arg5[%select_n3A_151, %dma_wait3A_174, %dma_wait3A_175] : memref<2x16x125xi32, #tpu.memory_space<vmem>> -> memref<1x16x125xi32, #tpu.memory_space<vmem>>
          %dma_wait3A_177 = tpu.memref_squeeze %dma_wait3A_176 : memref<1x16x125xi32, #tpu.memory_space<vmem>> -> memref<16x125xi32, #tpu.memory_space<vmem>>
          %dma_wait3A_178 = arith.constant 0 : i32
          %dma_wait3A_179 = tpu.memref_slice %arg3[%run_scoped3A_155, %add3A_154, %dma_wait3A_178] : memref<2x2560x125xi32, #tpu.memory_space<hbm>> -> memref<1x16x125xi32, #tpu.memory_space<hbm>>
          %dma_wait3A_180 = tpu.memref_squeeze %dma_wait3A_179 : memref<1x16x125xi32, #tpu.memory_space<hbm>> -> memref<16x125xi32, #tpu.memory_space<hbm>>
          %dma_wait3A_181 = arith.constant 0 : i32
          %dma_wait3A_182 = arith.constant 0 : i32
          %dma_wait3A_183 = tpu.memref_slice %arg5[%select_n3A_151, %dma_wait3A_181, %dma_wait3A_182] : memref<2x16x125xi32, #tpu.memory_space<vmem>> -> memref<1x16x125xi32, #tpu.memory_space<vmem>>
          %dma_wait3A_184 = tpu.memref_squeeze %dma_wait3A_183 : memref<1x16x125xi32, #tpu.memory_space<vmem>> -> memref<16x125xi32, #tpu.memory_space<vmem>>
          %dma_wait3A_185 = arith.constant 0 : i32
          %dma_wait3A_186 = tpu.memref_slice %arg3[%run_scoped3A_155, %add3A_154, %dma_wait3A_185] : memref<2x2560x125xi32, #tpu.memory_space<hbm>> -> memref<1x16x125xi32, #tpu.memory_space<hbm>>
          %dma_wait3A_187 = tpu.memref_squeeze %dma_wait3A_186 : memref<1x16x125xi32, #tpu.memory_space<hbm>> -> memref<16x125xi32, #tpu.memory_space<hbm>>
          tpu.wait_dma2 semaphore(%run_scoped3A_160 : memref<!tpu.dma_semaphore, #tpu.memory_space<semaphore_mem>>) src(%dma_wait3A_187 : memref<16x125xi32, #tpu.memory_space<hbm>>) dst(%dma_wait3A_184 : memref<16x125xi32, #tpu.memory_space<vmem>>)
          tpu.yield
        }) : () -> ()
        %mul3A_156 = arith.constant 16 : i32
        %mul3A_157 = arith.muli %add3A_135, %mul3A_156 : i32
        %add3A_158 = arith.addi %mul3A_4, %mul3A_157 : i32
        %run_scoped3A_159 = arith.constant 1 : i32
        "tpu.region"() ({
          %run_scoped3A_160 = tpu.sem_alloc : memref<!tpu.dma_semaphore, #tpu.memory_space<semaphore_mem>>
          %dma_start3A = arith.constant 0 : i32
          %dma_start3A_161 = arith.constant 0 : i32
          %dma_start3A_162 = tpu.memref_slice %arg6[%select_n3A_151, %dma_start3A, %dma_start3A_161] : memref<2x16x125xi32, #tpu.memory_space<vmem>> -> memref<1x16x125xi32, #tpu.memory_space<vmem>>
          %dma_start3A_163 = tpu.memref_squeeze %dma_start3A_162 : memref<1x16x125xi32, #tpu.memory_space<vmem>> -> memref<16x125xi32, #tpu.memory_space<vmem>>
          %dma_start3A_164 = arith.constant 0 : i32
          %dma_start3A_165 = tpu.memref_slice %arg3[%run_scoped3A_159, %add3A_158, %dma_start3A_164] : memref<2x2560x125xi32, #tpu.memory_space<hbm>> -> memref<1x16x125xi32, #tpu.memory_space<hbm>>
          %dma_start3A_166 = tpu.memref_squeeze %dma_start3A_165 : memref<1x16x125xi32, #tpu.memory_space<hbm>> -> memref<16x125xi32, #tpu.memory_space<hbm>>
          %dma_start3A_167 = arith.constant 0 : i32
          %dma_start3A_168 = arith.constant 0 : i32
          %dma_start3A_169 = tpu.memref_slice %arg6[%select_n3A_151, %dma_start3A_167, %dma_start3A_168] : memref<2x16x125xi32, #tpu.memory_space<vmem>> -> memref<1x16x125xi32, #tpu.memory_space<vmem>>
          %dma_start3A_170 = tpu.memref_squeeze %dma_start3A_169 : memref<1x16x125xi32, #tpu.memory_space<vmem>> -> memref<16x125xi32, #tpu.memory_space<vmem>>
          %dma_start3A_171 = arith.constant 0 : i32
          %dma_start3A_172 = tpu.memref_slice %arg3[%run_scoped3A_159, %add3A_158, %dma_start3A_171] : memref<2x2560x125xi32, #tpu.memory_space<hbm>> -> memref<1x16x125xi32, #tpu.memory_space<hbm>>
          %dma_start3A_173 = tpu.memref_squeeze %dma_start3A_172 : memref<1x16x125xi32, #tpu.memory_space<hbm>> -> memref<16x125xi32, #tpu.memory_space<hbm>>
          tpu.enqueue_dma source(%dma_start3A_173 : memref<16x125xi32, #tpu.memory_space<hbm>>) target(%dma_start3A_170 : memref<16x125xi32, #tpu.memory_space<vmem>>) target_semaphore(%run_scoped3A_160 : memref<!tpu.dma_semaphore, #tpu.memory_space<semaphore_mem>>)
          %dma_wait3A_174 = arith.constant 0 : i32
          %dma_wait3A_175 = arith.constant 0 : i32
          %dma_wait3A_176 = tpu.memref_slice %arg6[%select_n3A_151, %dma_wait3A_174, %dma_wait3A_175] : memref<2x16x125xi32, #tpu.memory_space<vmem>> -> memref<1x16x125xi32, #tpu.memory_space<vmem>>
          %dma_wait3A_177 = tpu.memref_squeeze %dma_wait3A_176 : memref<1x16x125xi32, #tpu.memory_space<vmem>> -> memref<16x125xi32, #tpu.memory_space<vmem>>
          %dma_wait3A_178 = arith.constant 0 : i32
          %dma_wait3A_179 = tpu.memref_slice %arg3[%run_scoped3A_159, %add3A_158, %dma_wait3A_178] : memref<2x2560x125xi32, #tpu.memory_space<hbm>> -> memref<1x16x125xi32, #tpu.memory_space<hbm>>
          %dma_wait3A_180 = tpu.memref_squeeze %dma_wait3A_179 : memref<1x16x125xi32, #tpu.memory_space<hbm>> -> memref<16x125xi32, #tpu.memory_space<hbm>>
          %dma_wait3A_181 = arith.constant 0 : i32
          %dma_wait3A_182 = arith.constant 0 : i32
          %dma_wait3A_183 = tpu.memref_slice %arg6[%select_n3A_151, %dma_wait3A_181, %dma_wait3A_182] : memref<2x16x125xi32, #tpu.memory_space<vmem>> -> memref<1x16x125xi32, #tpu.memory_space<vmem>>
          %dma_wait3A_184 = tpu.memref_squeeze %dma_wait3A_183 : memref<1x16x125xi32, #tpu.memory_space<vmem>> -> memref<16x125xi32, #tpu.memory_space<vmem>>
          %dma_wait3A_185 = arith.constant 0 : i32
          %dma_wait3A_186 = tpu.memref_slice %arg3[%run_scoped3A_159, %add3A_158, %dma_wait3A_185] : memref<2x2560x125xi32, #tpu.memory_space<hbm>> -> memref<1x16x125xi32, #tpu.memory_space<hbm>>
          %dma_wait3A_187 = tpu.memref_squeeze %dma_wait3A_186 : memref<1x16x125xi32, #tpu.memory_space<hbm>> -> memref<16x125xi32, #tpu.memory_space<hbm>>
          tpu.wait_dma2 semaphore(%run_scoped3A_160 : memref<!tpu.dma_semaphore, #tpu.memory_space<semaphore_mem>>) src(%dma_wait3A_187 : memref<16x125xi32, #tpu.memory_space<hbm>>) dst(%dma_wait3A_184 : memref<16x125xi32, #tpu.memory_space<vmem>>)
          tpu.yield
        }) : () -> ()
      } else {
      }
      %ge3A_98 = arith.constant 6 : i32
      %ge3A_99 = arith.cmpi sge, %scan3A_65, %ge3A_98 : i32
      %convert_element_type3A_100 = arith.extui %ge3A_99 : i1 to i32
      %cond3A_101 = arith.constant 0 : i32
      %cond3A_102 = arith.cmpi ne, %convert_element_type3A_100, %cond3A_101 : i32
      scf.if %cond3A_102 {
        %sub3A = arith.constant 6 : i32
        %sub3A_113 = arith.subi %scan3A_65, %sub3A : i32
        %jit3A_114 = arith.constant 16 : i32
        %div3A = arith.divsi %sub3A_113, %jit3A_114 : i32
        %sign3A = arith.constant 0 : i32
        %sign3A_115 = arith.cmpi sgt, %sub3A_113, %sign3A : i32
        %sign3A_116 = arith.extui %sign3A_115 : i1 to i32
        %sign3A_117 = arith.constant 0 : i32
        %sign3A_118 = arith.cmpi slt, %sub3A_113, %sign3A_117 : i32
        %sign3A_119 = arith.extui %sign3A_118 : i1 to i32
        %sign3A_120 = arith.subi %sign3A_116, %sign3A_119 : i32
        %sign3A_121 = arith.constant 0 : i32
        %sign3A_122 = arith.cmpi sgt, %jit3A_114, %sign3A_121 : i32
        %sign3A_123 = arith.extui %sign3A_122 : i1 to i32
        %sign3A_124 = arith.constant 0 : i32
        %sign3A_125 = arith.cmpi slt, %jit3A_114, %sign3A_124 : i32
        %sign3A_126 = arith.extui %sign3A_125 : i1 to i32
        %sign3A_127 = arith.subi %sign3A_123, %sign3A_126 : i32
        %ne3A_128 = arith.cmpi ne, %sign3A_120, %sign3A_127 : i32
        %rem3A_129 = arith.remsi %sub3A_113, %jit3A_114 : i32
        %ne3A_130 = arith.constant 0 : i32
        %ne3A_131 = arith.cmpi ne, %rem3A_129, %ne3A_130 : i32
        %and3A_132 = arith.andi %ne3A_128, %ne3A_131 : i1
        %sub3A_133 = arith.constant 1 : i32
        %sub3A_134 = arith.subi %div3A, %sub3A_133 : i32
        %select_n3A_135 = arith.select %and3A_132, %sub3A_134, %div3A : i32
        %jit3A_136 = arith.constant 2 : i32
        %eq3A_137 = arith.constant 0 : i32
        %eq3A_138 = arith.cmpi eq, %jit3A_136, %eq3A_137 : i32
        %jit3A_139 = arith.constant 1 : i32
        %select_n3A_140 = arith.select %eq3A_138, %jit3A_139, %jit3A_136 : i32
        %rem3A_141 = arith.remsi %select_n3A_135, %select_n3A_140 : i32
        %ne3A_142 = arith.constant 0 : i32
        %ne3A_143 = arith.cmpi ne, %rem3A_141, %ne3A_142 : i32
        %lt3A_144 = arith.constant 0 : i32
        %lt3A_145 = arith.cmpi slt, %rem3A_141, %lt3A_144 : i32
        %lt3A_146 = arith.constant 0 : i32
        %lt3A_147 = arith.cmpi slt, %select_n3A_140, %lt3A_146 : i32
        %ne3A_148 = arith.xori %lt3A_145, %lt3A_147 : i1
        %and3A_149 = arith.andi %ne3A_148, %ne3A_143 : i1
        %add3A_150 = arith.addi %rem3A_141, %select_n3A_140 : i32
        %select_n3A_151 = arith.select %and3A_149, %add3A_150, %rem3A_141 : i32
        %jit3A_152 = arith.constant 16 : i32
        %eq3A_153 = arith.constant 0 : i32
        %eq3A_154 = arith.cmpi eq, %jit3A_152, %eq3A_153 : i32
        %jit3A_155 = arith.constant 1 : i32
        %select_n3A_156 = arith.select %eq3A_154, %jit3A_155, %jit3A_152 : i32
        %rem3A_157 = arith.remsi %sub3A_113, %select_n3A_156 : i32
        %ne3A_158 = arith.constant 0 : i32
        %ne3A_159 = arith.cmpi ne, %rem3A_157, %ne3A_158 : i32
        %lt3A_160 = arith.constant 0 : i32
        %lt3A_161 = arith.cmpi slt, %rem3A_157, %lt3A_160 : i32
        %lt3A_162 = arith.constant 0 : i32
        %lt3A_163 = arith.cmpi slt, %select_n3A_156, %lt3A_162 : i32
        %ne3A_164 = arith.xori %lt3A_161, %lt3A_163 : i1
        %and3A_165 = arith.andi %ne3A_164, %ne3A_159 : i1
        %add3A_166 = arith.addi %rem3A_157, %select_n3A_156 : i32
        %select_n3A_167 = arith.select %and3A_165, %add3A_166, %rem3A_157 : i32
        %dma_wait3A_168 = arith.constant 0 : i32
        %dma_wait3A_169 = arith.constant 0 : i32
        %dma_wait3A_170 = tpu.memref_slice %arg7[%select_n3A_74, %dma_wait3A_168, %dma_wait3A_169] : memref<6x125x32xf32, #tpu.memory_space<vmem>> -> memref<1x125x32xf32, #tpu.memory_space<vmem>>
        %dma_wait3A_171 = tpu.memref_squeeze %dma_wait3A_170 : memref<1x125x32xf32, #tpu.memory_space<vmem>> -> memref<125x32xf32, #tpu.memory_space<vmem>>
        %dma_wait3A_172 = arith.constant 0 : i32
        %dma_wait3A_173 = tpu.memref_slice %arg6[%select_n3A_151, %select_n3A_167, %dma_wait3A_172] : memref<2x16x125xi32, #tpu.memory_space<vmem>> -> memref<1x1x125xi32, #tpu.memory_space<vmem>>
        %dma_wait3A_174 = tpu.memref_squeeze %dma_wait3A_173 : memref<1x1x125xi32, #tpu.memory_space<vmem>> -> memref<125xi32, #tpu.memory_space<vmem>>
        %dma_wait3A_175 = arith.constant 0 : i32
        %dma_wait3A_176 = arith.constant 0 : i32
        %dma_wait3A_177 = tpu.memref_slice %arg8[%dma_wait3A_175, %dma_wait3A_176] : memref<10112x32xf32, #tpu.memory_space<vmem_shared>> -> memref<10112x32xf32, #tpu.memory_space<vmem_shared>>
        %dma_wait3A_178 = tpu.memref_slice %arg10[%select_n3A_74] : memref<6x!tpu.dma_semaphore, #tpu.memory_space<semaphore_mem>> -> memref<1x!tpu.dma_semaphore, #tpu.memory_space<semaphore_mem>>
        %dma_wait3A_179 = tpu.memref_squeeze %dma_wait3A_178 : memref<1x!tpu.dma_semaphore, #tpu.memory_space<semaphore_mem>> -> memref<!tpu.dma_semaphore, #tpu.memory_space<semaphore_mem>>
        tpu.wait_indirect_dma semaphore(%dma_wait3A_179 : memref<!tpu.dma_semaphore, #tpu.memory_space<semaphore_mem>>) src(%dma_wait3A_171 : memref<125x32xf32, #tpu.memory_space<vmem>>) dst(%dma_wait3A_177 : memref<10112x32xf32, #tpu.memory_space<vmem_shared>>)
      } else {
      }
      %lt3A_103 = arith.constant 80 : i32
      %lt3A_104 = arith.cmpi slt, %scan3A_65, %lt3A_103 : i32
      %convert_element_type3A_105 = arith.extui %lt3A_104 : i1 to i32
      %cond3A_106 = arith.constant 0 : i32
      %cond3A_107 = arith.cmpi ne, %convert_element_type3A_105, %cond3A_106 : i32
      scf.if %cond3A_107 {
        %jit3A_113 = arith.constant 16 : i32
        %div3A = arith.divsi %scan3A_65, %jit3A_113 : i32
        %sign3A = arith.constant 0 : i32
        %sign3A_114 = arith.cmpi sgt, %scan3A_65, %sign3A : i32
        %sign3A_115 = arith.extui %sign3A_114 : i1 to i32
        %sign3A_116 = arith.constant 0 : i32
        %sign3A_117 = arith.cmpi slt, %scan3A_65, %sign3A_116 : i32
        %sign3A_118 = arith.extui %sign3A_117 : i1 to i32
        %sign3A_119 = arith.subi %sign3A_115, %sign3A_118 : i32
        %sign3A_120 = arith.constant 0 : i32
        %sign3A_121 = arith.cmpi sgt, %jit3A_113, %sign3A_120 : i32
        %sign3A_122 = arith.extui %sign3A_121 : i1 to i32
        %sign3A_123 = arith.constant 0 : i32
        %sign3A_124 = arith.cmpi slt, %jit3A_113, %sign3A_123 : i32
        %sign3A_125 = arith.extui %sign3A_124 : i1 to i32
        %sign3A_126 = arith.subi %sign3A_122, %sign3A_125 : i32
        %ne3A_127 = arith.cmpi ne, %sign3A_119, %sign3A_126 : i32
        %rem3A_128 = arith.remsi %scan3A_65, %jit3A_113 : i32
        %ne3A_129 = arith.constant 0 : i32
        %ne3A_130 = arith.cmpi ne, %rem3A_128, %ne3A_129 : i32
        %and3A_131 = arith.andi %ne3A_127, %ne3A_130 : i1
        %sub3A = arith.constant 1 : i32
        %sub3A_132 = arith.subi %div3A, %sub3A : i32
        %select_n3A_133 = arith.select %and3A_131, %sub3A_132, %div3A : i32
        %jit3A_134 = arith.constant 2 : i32
        %eq3A_135 = arith.constant 0 : i32
        %eq3A_136 = arith.cmpi eq, %jit3A_134, %eq3A_135 : i32
        %jit3A_137 = arith.constant 1 : i32
        %select_n3A_138 = arith.select %eq3A_136, %jit3A_137, %jit3A_134 : i32
        %rem3A_139 = arith.remsi %select_n3A_133, %select_n3A_138 : i32
        %ne3A_140 = arith.constant 0 : i32
        %ne3A_141 = arith.cmpi ne, %rem3A_139, %ne3A_140 : i32
        %lt3A_142 = arith.constant 0 : i32
        %lt3A_143 = arith.cmpi slt, %rem3A_139, %lt3A_142 : i32
        %lt3A_144 = arith.constant 0 : i32
        %lt3A_145 = arith.cmpi slt, %select_n3A_138, %lt3A_144 : i32
        %ne3A_146 = arith.xori %lt3A_143, %lt3A_145 : i1
        %and3A_147 = arith.andi %ne3A_146, %ne3A_141 : i1
        %add3A_148 = arith.addi %rem3A_139, %select_n3A_138 : i32
        %select_n3A_149 = arith.select %and3A_147, %add3A_148, %rem3A_139 : i32
        %jit3A_150 = arith.constant 16 : i32
        %eq3A_151 = arith.constant 0 : i32
        %eq3A_152 = arith.cmpi eq, %jit3A_150, %eq3A_151 : i32
        %jit3A_153 = arith.constant 1 : i32
        %select_n3A_154 = arith.select %eq3A_152, %jit3A_153, %jit3A_150 : i32
        %rem3A_155 = arith.remsi %scan3A_65, %select_n3A_154 : i32
        %ne3A_156 = arith.constant 0 : i32
        %ne3A_157 = arith.cmpi ne, %rem3A_155, %ne3A_156 : i32
        %lt3A_158 = arith.constant 0 : i32
        %lt3A_159 = arith.cmpi slt, %rem3A_155, %lt3A_158 : i32
        %lt3A_160 = arith.constant 0 : i32
        %lt3A_161 = arith.cmpi slt, %select_n3A_154, %lt3A_160 : i32
        %ne3A_162 = arith.xori %lt3A_159, %lt3A_161 : i1
        %and3A_163 = arith.andi %ne3A_162, %ne3A_157 : i1
        %add3A_164 = arith.addi %rem3A_155, %select_n3A_154 : i32
        %select_n3A_165 = arith.select %and3A_163, %add3A_164, %rem3A_155 : i32
        %dma_start3A = arith.constant 0 : i32
        %dma_start3A_166 = arith.constant 0 : i32
        %dma_start3A_167 = tpu.memref_slice %arg7[%select_n3A_74, %dma_start3A, %dma_start3A_166] : memref<6x125x32xf32, #tpu.memory_space<vmem>> -> memref<1x125x32xf32, #tpu.memory_space<vmem>>
        %dma_start3A_168 = tpu.memref_squeeze %dma_start3A_167 : memref<1x125x32xf32, #tpu.memory_space<vmem>> -> memref<125x32xf32, #tpu.memory_space<vmem>>
        %dma_start3A_169 = arith.constant 0 : i32
        %dma_start3A_170 = tpu.memref_slice %arg5[%select_n3A_149, %select_n3A_165, %dma_start3A_169] : memref<2x16x125xi32, #tpu.memory_space<vmem>> -> memref<1x1x125xi32, #tpu.memory_space<vmem>>
        %dma_start3A_171 = tpu.memref_squeeze %dma_start3A_170 : memref<1x1x125xi32, #tpu.memory_space<vmem>> -> memref<125xi32, #tpu.memory_space<vmem>>
        %dma_start3A_172 = arith.constant 0 : i32
        %dma_start3A_173 = arith.constant 0 : i32
        %dma_start3A_174 = tpu.memref_slice %arg2[%dma_start3A_172, %dma_start3A_173] : memref<10112x32xf32, #tpu.memory_space<hbm>> -> memref<10112x32xf32, #tpu.memory_space<hbm>>
        %dma_start3A_175 = tpu.memref_slice %arg9[%select_n3A_74] : memref<6x!tpu.dma_semaphore, #tpu.memory_space<semaphore_mem>> -> memref<1x!tpu.dma_semaphore, #tpu.memory_space<semaphore_mem>>
        %dma_start3A_176 = tpu.memref_squeeze %dma_start3A_175 : memref<1x!tpu.dma_semaphore, #tpu.memory_space<semaphore_mem>> -> memref<!tpu.dma_semaphore, #tpu.memory_space<semaphore_mem>>
        tpu.enqueue_indirect_dma source(%dma_start3A_174 : memref<10112x32xf32, #tpu.memory_space<hbm>>) target(%dma_start3A_168 : memref<125x32xf32, #tpu.memory_space<vmem>>) offsets(%dma_start3A_171 : memref<125xi32, #tpu.memory_space<vmem>>) semaphore(%dma_start3A_176 : memref<!tpu.dma_semaphore, #tpu.memory_space<semaphore_mem>>)
      } else {
      }
      %ge3A_108 = arith.constant 5 : i32
      %ge3A_109 = arith.cmpi sge, %scan3A_65, %ge3A_108 : i32
      %convert_element_type3A_110 = arith.extui %ge3A_109 : i1 to i32
      %cond3A_111 = arith.constant 0 : i32
      %cond3A_112 = arith.cmpi ne, %convert_element_type3A_110, %cond3A_111 : i32
      scf.if %cond3A_112 {
        %sub3A = arith.constant 5 : i32
        %sub3A_113 = arith.subi %scan3A_65, %sub3A : i32
        %jit3A_114 = arith.constant 6 : i32
        %eq3A_115 = arith.constant 0 : i32
        %eq3A_116 = arith.cmpi eq, %jit3A_114, %eq3A_115 : i32
        %jit3A_117 = arith.constant 1 : i32
        %select_n3A_118 = arith.select %eq3A_116, %jit3A_117, %jit3A_114 : i32
        %rem3A_119 = arith.remsi %sub3A_113, %select_n3A_118 : i32
        %ne3A_120 = arith.constant 0 : i32
        %ne3A_121 = arith.cmpi ne, %rem3A_119, %ne3A_120 : i32
        %lt3A_122 = arith.constant 0 : i32
        %lt3A_123 = arith.cmpi slt, %rem3A_119, %lt3A_122 : i32
        %lt3A_124 = arith.constant 0 : i32
        %lt3A_125 = arith.cmpi slt, %select_n3A_118, %lt3A_124 : i32
        %ne3A_126 = arith.xori %lt3A_123, %lt3A_125 : i1
        %and3A_127 = arith.andi %ne3A_126, %ne3A_121 : i1
        %add3A_128 = arith.addi %rem3A_119, %select_n3A_118 : i32
        %select_n3A_129 = arith.select %and3A_127, %add3A_128, %rem3A_119 : i32
        %jit3A_130 = arith.constant 16 : i32
        %div3A = arith.divsi %sub3A_113, %jit3A_130 : i32
        %sign3A = arith.constant 0 : i32
        %sign3A_131 = arith.cmpi sgt, %sub3A_113, %sign3A : i32
        %sign3A_132 = arith.extui %sign3A_131 : i1 to i32
        %sign3A_133 = arith.constant 0 : i32
        %sign3A_134 = arith.cmpi slt, %sub3A_113, %sign3A_133 : i32
        %sign3A_135 = arith.extui %sign3A_134 : i1 to i32
        %sign3A_136 = arith.subi %sign3A_132, %sign3A_135 : i32
        %sign3A_137 = arith.constant 0 : i32
        %sign3A_138 = arith.cmpi sgt, %jit3A_130, %sign3A_137 : i32
        %sign3A_139 = arith.extui %sign3A_138 : i1 to i32
        %sign3A_140 = arith.constant 0 : i32
        %sign3A_141 = arith.cmpi slt, %jit3A_130, %sign3A_140 : i32
        %sign3A_142 = arith.extui %sign3A_141 : i1 to i32
        %sign3A_143 = arith.subi %sign3A_139, %sign3A_142 : i32
        %ne3A_144 = arith.cmpi ne, %sign3A_136, %sign3A_143 : i32
        %rem3A_145 = arith.remsi %sub3A_113, %jit3A_130 : i32
        %ne3A_146 = arith.constant 0 : i32
        %ne3A_147 = arith.cmpi ne, %rem3A_145, %ne3A_146 : i32
        %and3A_148 = arith.andi %ne3A_144, %ne3A_147 : i1
        %sub3A_149 = arith.constant 1 : i32
        %sub3A_150 = arith.subi %div3A, %sub3A_149 : i32
        %select_n3A_151 = arith.select %and3A_148, %sub3A_150, %div3A : i32
        %jit3A_152 = arith.constant 2 : i32
        %eq3A_153 = arith.constant 0 : i32
        %eq3A_154 = arith.cmpi eq, %jit3A_152, %eq3A_153 : i32
        %jit3A_155 = arith.constant 1 : i32
        %select_n3A_156 = arith.select %eq3A_154, %jit3A_155, %jit3A_152 : i32
        %rem3A_157 = arith.remsi %select_n3A_151, %select_n3A_156 : i32
        %ne3A_158 = arith.constant 0 : i32
        %ne3A_159 = arith.cmpi ne, %rem3A_157, %ne3A_158 : i32
        %lt3A_160 = arith.constant 0 : i32
        %lt3A_161 = arith.cmpi slt, %rem3A_157, %lt3A_160 : i32
        %lt3A_162 = arith.constant 0 : i32
        %lt3A_163 = arith.cmpi slt, %select_n3A_156, %lt3A_162 : i32
        %ne3A_164 = arith.xori %lt3A_161, %lt3A_163 : i1
        %and3A_165 = arith.andi %ne3A_164, %ne3A_159 : i1
        %add3A_166 = arith.addi %rem3A_157, %select_n3A_156 : i32
        %select_n3A_167 = arith.select %and3A_165, %add3A_166, %rem3A_157 : i32
        %jit3A_168 = arith.constant 16 : i32
        %eq3A_169 = arith.constant 0 : i32
        %eq3A_170 = arith.cmpi eq, %jit3A_168, %eq3A_169 : i32
        %jit3A_171 = arith.constant 1 : i32
        %select_n3A_172 = arith.select %eq3A_170, %jit3A_171, %jit3A_168 : i32
        %rem3A_173 = arith.remsi %sub3A_113, %select_n3A_172 : i32
        %ne3A_174 = arith.constant 0 : i32
        %ne3A_175 = arith.cmpi ne, %rem3A_173, %ne3A_174 : i32
        %lt3A_176 = arith.constant 0 : i32
        %lt3A_177 = arith.cmpi slt, %rem3A_173, %lt3A_176 : i32
        %lt3A_178 = arith.constant 0 : i32
        %lt3A_179 = arith.cmpi slt, %select_n3A_172, %lt3A_178 : i32
        %ne3A_180 = arith.xori %lt3A_177, %lt3A_179 : i1
        %and3A_181 = arith.andi %ne3A_180, %ne3A_175 : i1
        %add3A_182 = arith.addi %rem3A_173, %select_n3A_172 : i32
        %select_n3A_183 = arith.select %and3A_181, %add3A_182, %rem3A_173 : i32
        %dma_wait3A_184 = arith.constant 0 : i32
        %dma_wait3A_185 = arith.constant 0 : i32
        %dma_wait3A_186 = tpu.memref_slice %arg7[%select_n3A_129, %dma_wait3A_184, %dma_wait3A_185] : memref<6x125x32xf32, #tpu.memory_space<vmem>> -> memref<1x125x32xf32, #tpu.memory_space<vmem>>
        %dma_wait3A_187 = tpu.memref_squeeze %dma_wait3A_186 : memref<1x125x32xf32, #tpu.memory_space<vmem>> -> memref<125x32xf32, #tpu.memory_space<vmem>>
        %dma_wait3A_188 = arith.constant 0 : i32
        %dma_wait3A_189 = tpu.memref_slice %arg5[%select_n3A_167, %select_n3A_183, %dma_wait3A_188] : memref<2x16x125xi32, #tpu.memory_space<vmem>> -> memref<1x1x125xi32, #tpu.memory_space<vmem>>
        %dma_wait3A_190 = tpu.memref_squeeze %dma_wait3A_189 : memref<1x1x125xi32, #tpu.memory_space<vmem>> -> memref<125xi32, #tpu.memory_space<vmem>>
        %dma_wait3A_191 = arith.constant 0 : i32
        %dma_wait3A_192 = arith.constant 0 : i32
        %dma_wait3A_193 = tpu.memref_slice %arg2[%dma_wait3A_191, %dma_wait3A_192] : memref<10112x32xf32, #tpu.memory_space<hbm>> -> memref<10112x32xf32, #tpu.memory_space<hbm>>
        %dma_wait3A_194 = tpu.memref_slice %arg9[%select_n3A_129] : memref<6x!tpu.dma_semaphore, #tpu.memory_space<semaphore_mem>> -> memref<1x!tpu.dma_semaphore, #tpu.memory_space<semaphore_mem>>
        %dma_wait3A_195 = tpu.memref_squeeze %dma_wait3A_194 : memref<1x!tpu.dma_semaphore, #tpu.memory_space<semaphore_mem>> -> memref<!tpu.dma_semaphore, #tpu.memory_space<semaphore_mem>>
        tpu.wait_indirect_dma semaphore(%dma_wait3A_195 : memref<!tpu.dma_semaphore, #tpu.memory_space<semaphore_mem>>) src(%dma_wait3A_193 : memref<10112x32xf32, #tpu.memory_space<hbm>>) dst(%dma_wait3A_187 : memref<125x32xf32, #tpu.memory_space<vmem>>)
        %jit3A_196 = arith.constant 16 : i32
        %div3A_197 = arith.divsi %sub3A_113, %jit3A_196 : i32
        %sign3A_198 = arith.constant 0 : i32
        %sign3A_199 = arith.cmpi sgt, %sub3A_113, %sign3A_198 : i32
        %sign3A_200 = arith.extui %sign3A_199 : i1 to i32
        %sign3A_201 = arith.constant 0 : i32
        %sign3A_202 = arith.cmpi slt, %sub3A_113, %sign3A_201 : i32
        %sign3A_203 = arith.extui %sign3A_202 : i1 to i32
        %sign3A_204 = arith.subi %sign3A_200, %sign3A_203 : i32
        %sign3A_205 = arith.constant 0 : i32
        %sign3A_206 = arith.cmpi sgt, %jit3A_196, %sign3A_205 : i32
        %sign3A_207 = arith.extui %sign3A_206 : i1 to i32
        %sign3A_208 = arith.constant 0 : i32
        %sign3A_209 = arith.cmpi slt, %jit3A_196, %sign3A_208 : i32
        %sign3A_210 = arith.extui %sign3A_209 : i1 to i32
        %sign3A_211 = arith.subi %sign3A_207, %sign3A_210 : i32
        %ne3A_212 = arith.cmpi ne, %sign3A_204, %sign3A_211 : i32
        %rem3A_213 = arith.remsi %sub3A_113, %jit3A_196 : i32
        %ne3A_214 = arith.constant 0 : i32
        %ne3A_215 = arith.cmpi ne, %rem3A_213, %ne3A_214 : i32
        %and3A_216 = arith.andi %ne3A_212, %ne3A_215 : i1
        %sub3A_217 = arith.constant 1 : i32
        %sub3A_218 = arith.subi %div3A_197, %sub3A_217 : i32
        %select_n3A_219 = arith.select %and3A_216, %sub3A_218, %div3A_197 : i32
        %jit3A_220 = arith.constant 2 : i32
        %eq3A_221 = arith.constant 0 : i32
        %eq3A_222 = arith.cmpi eq, %jit3A_220, %eq3A_221 : i32
        %jit3A_223 = arith.constant 1 : i32
        %select_n3A_224 = arith.select %eq3A_222, %jit3A_223, %jit3A_220 : i32
        %rem3A_225 = arith.remsi %select_n3A_219, %select_n3A_224 : i32
        %ne3A_226 = arith.constant 0 : i32
        %ne3A_227 = arith.cmpi ne, %rem3A_225, %ne3A_226 : i32
        %lt3A_228 = arith.constant 0 : i32
        %lt3A_229 = arith.cmpi slt, %rem3A_225, %lt3A_228 : i32
        %lt3A_230 = arith.constant 0 : i32
        %lt3A_231 = arith.cmpi slt, %select_n3A_224, %lt3A_230 : i32
        %ne3A_232 = arith.xori %lt3A_229, %lt3A_231 : i1
        %and3A_233 = arith.andi %ne3A_232, %ne3A_227 : i1
        %add3A_234 = arith.addi %rem3A_225, %select_n3A_224 : i32
        %select_n3A_235 = arith.select %and3A_233, %add3A_234, %rem3A_225 : i32
        %jit3A_236 = arith.constant 16 : i32
        %eq3A_237 = arith.constant 0 : i32
        %eq3A_238 = arith.cmpi eq, %jit3A_236, %eq3A_237 : i32
        %jit3A_239 = arith.constant 1 : i32
        %select_n3A_240 = arith.select %eq3A_238, %jit3A_239, %jit3A_236 : i32
        %rem3A_241 = arith.remsi %sub3A_113, %select_n3A_240 : i32
        %ne3A_242 = arith.constant 0 : i32
        %ne3A_243 = arith.cmpi ne, %rem3A_241, %ne3A_242 : i32
        %lt3A_244 = arith.constant 0 : i32
        %lt3A_245 = arith.cmpi slt, %rem3A_241, %lt3A_244 : i32
        %lt3A_246 = arith.constant 0 : i32
        %lt3A_247 = arith.cmpi slt, %select_n3A_240, %lt3A_246 : i32
        %ne3A_248 = arith.xori %lt3A_245, %lt3A_247 : i1
        %and3A_249 = arith.andi %ne3A_248, %ne3A_243 : i1
        %add3A_250 = arith.addi %rem3A_241, %select_n3A_240 : i32
        %select_n3A_251 = arith.select %and3A_249, %add3A_250, %rem3A_241 : i32
        %dma_start3A = arith.constant 0 : i32
        %dma_start3A_252 = arith.constant 0 : i32
        %dma_start3A_253 = tpu.memref_slice %arg7[%select_n3A_129, %dma_start3A, %dma_start3A_252] : memref<6x125x32xf32, #tpu.memory_space<vmem>> -> memref<1x125x32xf32, #tpu.memory_space<vmem>>
        %dma_start3A_254 = tpu.memref_squeeze %dma_start3A_253 : memref<1x125x32xf32, #tpu.memory_space<vmem>> -> memref<125x32xf32, #tpu.memory_space<vmem>>
        %dma_start3A_255 = arith.constant 0 : i32
        %dma_start3A_256 = tpu.memref_slice %arg6[%select_n3A_235, %select_n3A_251, %dma_start3A_255] : memref<2x16x125xi32, #tpu.memory_space<vmem>> -> memref<1x1x125xi32, #tpu.memory_space<vmem>>
        %dma_start3A_257 = tpu.memref_squeeze %dma_start3A_256 : memref<1x1x125xi32, #tpu.memory_space<vmem>> -> memref<125xi32, #tpu.memory_space<vmem>>
        %dma_start3A_258 = arith.constant 0 : i32
        %dma_start3A_259 = arith.constant 0 : i32
        %dma_start3A_260 = tpu.memref_slice %arg8[%dma_start3A_258, %dma_start3A_259] : memref<10112x32xf32, #tpu.memory_space<vmem_shared>> -> memref<10112x32xf32, #tpu.memory_space<vmem_shared>>
        %dma_start3A_261 = tpu.memref_slice %arg10[%select_n3A_129] : memref<6x!tpu.dma_semaphore, #tpu.memory_space<semaphore_mem>> -> memref<1x!tpu.dma_semaphore, #tpu.memory_space<semaphore_mem>>
        %dma_start3A_262 = tpu.memref_squeeze %dma_start3A_261 : memref<1x!tpu.dma_semaphore, #tpu.memory_space<semaphore_mem>> -> memref<!tpu.dma_semaphore, #tpu.memory_space<semaphore_mem>>
        tpu.enqueue_indirect_dma source(%dma_start3A_254 : memref<125x32xf32, #tpu.memory_space<vmem>>) target(%dma_start3A_260 : memref<10112x32xf32, #tpu.memory_space<vmem_shared>>) offsets(%dma_start3A_257 : memref<125xi32, #tpu.memory_space<vmem>>) semaphore(%dma_start3A_262 : memref<!tpu.dma_semaphore, #tpu.memory_space<semaphore_mem>>) {add = true}
      } else {
      }
    }
    %scan3A_48 = arith.constant 85 : i32
    %dma_wait3A = arith.constant 1 : i32
    %dma_wait3A_49 = arith.constant 0 : i32
    %dma_wait3A_50 = arith.constant 15 : i32
    %dma_wait3A_51 = arith.constant 1 : i32
    %dma_wait3A_52 = arith.constant 0 : i32
    %dma_wait3A_53 = arith.constant 0 : i32
    %dma_wait3A_54 = tpu.memref_slice %arg7[%dma_wait3A, %dma_wait3A_52, %dma_wait3A_53] : memref<6x125x32xf32, #tpu.memory_space<vmem>> -> memref<1x125x32xf32, #tpu.memory_space<vmem>>
    %dma_wait3A_55 = tpu.memref_squeeze %dma_wait3A_54 : memref<1x125x32xf32, #tpu.memory_space<vmem>> -> memref<125x32xf32, #tpu.memory_space<vmem>>
    %dma_wait3A_56 = arith.constant 0 : i32
    %dma_wait3A_57 = tpu.memref_slice %arg6[%dma_wait3A_49, %dma_wait3A_50, %dma_wait3A_56] : memref<2x16x125xi32, #tpu.memory_space<vmem>> -> memref<1x1x125xi32, #tpu.memory_space<vmem>>
    %dma_wait3A_58 = tpu.memref_squeeze %dma_wait3A_57 : memref<1x1x125xi32, #tpu.memory_space<vmem>> -> memref<125xi32, #tpu.memory_space<vmem>>
    %dma_wait3A_59 = arith.constant 0 : i32
    %dma_wait3A_60 = arith.constant 0 : i32
    %dma_wait3A_61 = tpu.memref_slice %arg8[%dma_wait3A_59, %dma_wait3A_60] : memref<10112x32xf32, #tpu.memory_space<vmem_shared>> -> memref<10112x32xf32, #tpu.memory_space<vmem_shared>>
    %dma_wait3A_62 = tpu.memref_slice %arg10[%dma_wait3A_51] : memref<6x!tpu.dma_semaphore, #tpu.memory_space<semaphore_mem>> -> memref<1x!tpu.dma_semaphore, #tpu.memory_space<semaphore_mem>>
    %dma_wait3A_63 = tpu.memref_squeeze %dma_wait3A_62 : memref<1x!tpu.dma_semaphore, #tpu.memory_space<semaphore_mem>> -> memref<!tpu.dma_semaphore, #tpu.memory_space<semaphore_mem>>
    tpu.wait_indirect_dma semaphore(%dma_wait3A_63 : memref<!tpu.dma_semaphore, #tpu.memory_space<semaphore_mem>>) src(%dma_wait3A_55 : memref<125x32xf32, #tpu.memory_space<vmem>>) dst(%dma_wait3A_61 : memref<10112x32xf32, #tpu.memory_space<vmem_shared>>)
    %barrier3A_64 = arith.constant 0 : index
    tpu.barrier barrier_id(%barrier3A_64)
    "tpu.region"() ({
      %run_scoped3A_65 = tpu.sem_alloc : memref<!tpu.dma_semaphore, #tpu.memory_space<semaphore_mem>>
      %dma_start3A = arith.constant 0 : i32
      %dma_start3A_66 = tpu.memref_slice %arg4[%arg0, %mul3A_2, %dma_start3A] : memref<2x10112x32xf32, #tpu.memory_space<hbm>> -> memref<1x632x32xf32, #tpu.memory_space<hbm>>
      %dma_start3A_67 = tpu.memref_squeeze %dma_start3A_66 : memref<1x632x32xf32, #tpu.memory_space<hbm>> -> memref<632x32xf32, #tpu.memory_space<hbm>>
      %dma_start3A_68 = arith.constant 0 : i32
      %dma_start3A_69 = tpu.memref_slice %arg8[%mul3A_2, %dma_start3A_68] : memref<10112x32xf32, #tpu.memory_space<vmem_shared>> -> memref<632x32xf32, #tpu.memory_space<vmem_shared>>
      tpu.enqueue_dma source(%dma_start3A_69 : memref<632x32xf32, #tpu.memory_space<vmem_shared>>) target(%dma_start3A_67 : memref<632x32xf32, #tpu.memory_space<hbm>>) target_semaphore(%run_scoped3A_65 : memref<!tpu.dma_semaphore, #tpu.memory_space<semaphore_mem>>)
      %dma_wait3A_70 = arith.constant 0 : i32
      %dma_wait3A_71 = tpu.memref_slice %arg4[%arg0, %mul3A_2, %dma_wait3A_70] : memref<2x10112x32xf32, #tpu.memory_space<hbm>> -> memref<1x632x32xf32, #tpu.memory_space<hbm>>
      %dma_wait3A_72 = tpu.memref_squeeze %dma_wait3A_71 : memref<1x632x32xf32, #tpu.memory_space<hbm>> -> memref<632x32xf32, #tpu.memory_space<hbm>>
      %dma_wait3A_73 = arith.constant 0 : i32
      %dma_wait3A_74 = tpu.memref_slice %arg8[%mul3A_2, %dma_wait3A_73] : memref<10112x32xf32, #tpu.memory_space<vmem_shared>> -> memref<632x32xf32, #tpu.memory_space<vmem_shared>>
      tpu.wait_dma2 semaphore(%run_scoped3A_65 : memref<!tpu.dma_semaphore, #tpu.memory_space<semaphore_mem>>) src(%dma_wait3A_74 : memref<632x32xf32, #tpu.memory_space<vmem_shared>>) dst(%dma_wait3A_72 : memref<632x32xf32, #tpu.memory_space<hbm>>)
      tpu.yield
    }) : () -> ()
    return
  }
}

#map = affine_map<(d0, d1) -> (0, 0)>
#map1 = affine_map<(d0, d1) -> (0, 0, 0)>
module attributes {stable_mosaic.version = 14 : i64} {
  func.func @k(%arg0: i32, %arg1: i32, %arg2: memref<10112x128xf32, #tpu.memory_space<hbm>>, %arg3: memref<2x4000x80xi32, #tpu.memory_space<hbm>>, %arg4: memref<2x10112x128xf32, #tpu.memory_space<hbm>>, %arg5: memref<2x25x80xi32, #tpu.memory_space<vmem>>, %arg6: memref<2x25x80xi32, #tpu.memory_space<vmem>>, %arg7: memref<4x80x128xf32, #tpu.memory_space<vmem>>, %arg8: memref<10112x128xf32, #tpu.memory_space<vmem_shared>>, %arg9: memref<4x!tpu.dma_semaphore, #tpu.memory_space<semaphore_mem>>, %arg10: memref<4x!tpu.dma_semaphore, #tpu.memory_space<semaphore_mem>>) attributes {dimension_semantics = [#tpu.dimension_semantics<core_parallel>, #tpu.dimension_semantics<subcore_parallel>], iteration_bounds = array<i64: 2, 16>, scalar_prefetch = 0 : i64, scratch_operands = 6 : i64, tpu.core_type = #tpu.core_type<sc_vector_subcore>, window_params = [{transform_indices = #map}, {transform_indices = #map1}, {transform_indices = #map1}]} {
    %mul3A = arith.constant 2 : i32
    %mul3A_0 = arith.muli %arg1, %mul3A : i32
    %add3A = arith.addi %mul3A_0, %arg0 : i32
    %mul3A_1 = arith.constant 632 : i32
    %mul3A_2 = arith.muli %arg1, %mul3A_1 : i32
    %mul3A_3 = arith.constant 125 : i32
    %mul3A_4 = arith.muli %add3A, %mul3A_3 : i32
    %scan3A = arith.constant 0 : i32
    %scan3A_5 = arith.constant 0 : i32
    %scan3A_6 = arith.constant 640 : i32
    %scan3A_7 = arith.addi %scan3A_5, %scan3A_6 : i32
    %scan3A_8 = arith.constant 1 : i32
    scf.for %scan3A_71 = %scan3A_5 to %scan3A_7 step %scan3A_8  : i32 {
      %jit3A = arith.constant 8 : i32
      %div3A = arith.divsi %scan3A_71, %jit3A : i32
      %sign3A = arith.constant 0 : i32
      %sign3A_72 = arith.cmpi sgt, %scan3A_71, %sign3A : i32
      %sign3A_73 = arith.extui %sign3A_72 : i1 to i32
      %sign3A_74 = arith.constant 0 : i32
      %sign3A_75 = arith.cmpi slt, %scan3A_71, %sign3A_74 : i32
      %sign3A_76 = arith.extui %sign3A_75 : i1 to i32
      %sign3A_77 = arith.subi %sign3A_73, %sign3A_76 : i32
      %sign3A_78 = arith.constant 0 : i32
      %sign3A_79 = arith.cmpi sgt, %jit3A, %sign3A_78 : i32
      %sign3A_80 = arith.extui %sign3A_79 : i1 to i32
      %sign3A_81 = arith.constant 0 : i32
      %sign3A_82 = arith.cmpi slt, %jit3A, %sign3A_81 : i32
      %sign3A_83 = arith.extui %sign3A_82 : i1 to i32
      %sign3A_84 = arith.subi %sign3A_80, %sign3A_83 : i32
      %ne3A = arith.cmpi ne, %sign3A_77, %sign3A_84 : i32
      %rem3A = arith.remsi %scan3A_71, %jit3A : i32
      %ne3A_85 = arith.constant 0 : i32
      %ne3A_86 = arith.cmpi ne, %rem3A, %ne3A_85 : i32
      %and3A = arith.andi %ne3A, %ne3A_86 : i1
      %sub3A = arith.constant 1 : i32
      %sub3A_87 = arith.subi %div3A, %sub3A : i32
      %select_n3A = arith.select %and3A, %sub3A_87, %div3A : i32
      %jit3A_88 = arith.constant 8 : i32
      %eq3A = arith.constant 0 : i32
      %eq3A_89 = arith.cmpi eq, %jit3A_88, %eq3A : i32
      %jit3A_90 = arith.constant 1 : i32
      %select_n3A_91 = arith.select %eq3A_89, %jit3A_90, %jit3A_88 : i32
      %rem3A_92 = arith.remsi %scan3A_71, %select_n3A_91 : i32
      %ne3A_93 = arith.constant 0 : i32
      %ne3A_94 = arith.cmpi ne, %rem3A_92, %ne3A_93 : i32
      %lt3A = arith.constant 0 : i32
      %lt3A_95 = arith.cmpi slt, %rem3A_92, %lt3A : i32
      %lt3A_96 = arith.constant 0 : i32
      %lt3A_97 = arith.cmpi slt, %select_n3A_91, %lt3A_96 : i32
      %ne3A_98 = arith.xori %lt3A_95, %lt3A_97 : i1
      %and3A_99 = arith.andi %ne3A_98, %ne3A_94 : i1
      %add3A_100 = arith.addi %rem3A_92, %select_n3A_91 : i32
      %select_n3A_101 = arith.select %and3A_99, %add3A_100, %rem3A_92 : i32
      %mul3A_102 = arith.constant 16 : i32
      %mul3A_103 = arith.muli %select_n3A_101, %mul3A_102 : i32
      %broadcast_in_dim3A = arith.constant 0.000000e+00 : f32
      %broadcast_in_dim3A_104 = vector.broadcast %broadcast_in_dim3A : f32 to vector<16xf32>
      %swap3A = arith.constant 0 : i32
      %swap3A_105 = arith.index_cast %swap3A : i32 to index
      %swap3A_106 = arith.index_cast %select_n3A : i32 to index
      %swap3A_107 = arith.index_cast %mul3A_103 : i32 to index
      %swap3A_108 = tpu.vector_load %arg7[%swap3A_105, %swap3A_106, %swap3A_107] {strides = array<i32>} : memref<4x80x128xf32, #tpu.memory_space<vmem>>, vector<1x1x16xf32>,
      %swap3A_109 = vector.shape_cast %swap3A_108 : vector<1x1x16xf32> to vector<16xf32>
      %swap3A_110 = vector.shape_cast %broadcast_in_dim3A_104 : vector<16xf32> to vector<1x1x16xf32>
      tpu.vector_store %arg7[%swap3A_105, %swap3A_106, %swap3A_107], %swap3A_110 {strides = array<i32>} : memref<4x80x128xf32, #tpu.memory_space<vmem>>, vector<1x1x16xf32>,
    }
    %scan3A_9 = arith.constant 640 : i32
    %add3A_10 = arith.constant 0 : i32
    %add3A_11 = arith.addi %mul3A_2, %add3A_10 : i32
    %run_scoped3A = arith.constant 0 : i32
    "tpu.region"() ({
      %run_scoped3A_71 = tpu.sem_alloc : memref<!tpu.dma_semaphore, #tpu.memory_space<semaphore_mem>>
      %dma_start3A = arith.constant 0 : i32
      %dma_start3A_72 = arith.constant 0 : i32
      %dma_start3A_73 = tpu.memref_slice %arg7[%run_scoped3A, %dma_start3A, %dma_start3A_72] : memref<4x80x128xf32, #tpu.memory_space<vmem>> -> memref<1x80x128xf32, #tpu.memory_space<vmem>>
      %dma_start3A_74 = tpu.memref_squeeze %dma_start3A_73 : memref<1x80x128xf32, #tpu.memory_space<vmem>> -> memref<80x128xf32, #tpu.memory_space<vmem>>
      %dma_start3A_75 = arith.constant 0 : i32
      %dma_start3A_76 = tpu.memref_slice %arg8[%add3A_11, %dma_start3A_75] : memref<10112x128xf32, #tpu.memory_space<vmem_shared>> -> memref<80x128xf32, #tpu.memory_space<vmem_shared>>
      %dma_start3A_77 = arith.constant 0 : i32
      %dma_start3A_78 = tpu.memref_slice %arg8[%add3A_11, %dma_start3A_77] : memref<10112x128xf32, #tpu.memory_space<vmem_shared>> -> memref<80x128xf32, #tpu.memory_space<vmem_shared>>
      %dma_start3A_79 = arith.constant 0 : i32
      %dma_start3A_80 = arith.constant 0 : i32
      %dma_start3A_81 = tpu.memref_slice %arg7[%run_scoped3A, %dma_start3A_79, %dma_start3A_80] : memref<4x80x128xf32, #tpu.memory_space<vmem>> -> memref<1x80x128xf32, #tpu.memory_space<vmem>>
      %dma_start3A_82 = tpu.memref_squeeze %dma_start3A_81 : memref<1x80x128xf32, #tpu.memory_space<vmem>> -> memref<80x128xf32, #tpu.memory_space<vmem>>
      tpu.enqueue_dma source(%dma_start3A_82 : memref<80x128xf32, #tpu.memory_space<vmem>>) target(%dma_start3A_78 : memref<80x128xf32, #tpu.memory_space<vmem_shared>>) target_semaphore(%run_scoped3A_71 : memref<!tpu.dma_semaphore, #tpu.memory_space<semaphore_mem>>)
      %dma_wait3A_83 = arith.constant 0 : i32
      %dma_wait3A_84 = arith.constant 0 : i32
      %dma_wait3A_85 = tpu.memref_slice %arg7[%run_scoped3A, %dma_wait3A_83, %dma_wait3A_84] : memref<4x80x128xf32, #tpu.memory_space<vmem>> -> memref<1x80x128xf32, #tpu.memory_space<vmem>>
      %dma_wait3A_86 = tpu.memref_squeeze %dma_wait3A_85 : memref<1x80x128xf32, #tpu.memory_space<vmem>> -> memref<80x128xf32, #tpu.memory_space<vmem>>
      %dma_wait3A_87 = arith.constant 0 : i32
      %dma_wait3A_88 = tpu.memref_slice %arg8[%add3A_11, %dma_wait3A_87] : memref<10112x128xf32, #tpu.memory_space<vmem_shared>> -> memref<80x128xf32, #tpu.memory_space<vmem_shared>>
      %dma_wait3A_89 = arith.constant 0 : i32
      %dma_wait3A_90 = tpu.memref_slice %arg8[%add3A_11, %dma_wait3A_89] : memref<10112x128xf32, #tpu.memory_space<vmem_shared>> -> memref<80x128xf32, #tpu.memory_space<vmem_shared>>
      %dma_wait3A_91 = arith.constant 0 : i32
      %dma_wait3A_92 = arith.constant 0 : i32
      %dma_wait3A_93 = tpu.memref_slice %arg7[%run_scoped3A, %dma_wait3A_91, %dma_wait3A_92] : memref<4x80x128xf32, #tpu.memory_space<vmem>> -> memref<1x80x128xf32, #tpu.memory_space<vmem>>
      %dma_wait3A_94 = tpu.memref_squeeze %dma_wait3A_93 : memref<1x80x128xf32, #tpu.memory_space<vmem>> -> memref<80x128xf32, #tpu.memory_space<vmem>>
      tpu.wait_dma2 semaphore(%run_scoped3A_71 : memref<!tpu.dma_semaphore, #tpu.memory_space<semaphore_mem>>) src(%dma_wait3A_94 : memref<80x128xf32, #tpu.memory_space<vmem>>) dst(%dma_wait3A_90 : memref<80x128xf32, #tpu.memory_space<vmem_shared>>)
      tpu.yield
    }) : () -> ()
    %add3A_12 = arith.constant 80 : i32
    %add3A_13 = arith.addi %mul3A_2, %add3A_12 : i32
    %run_scoped3A_14 = arith.constant 0 : i32
    "tpu.region"() ({
      %run_scoped3A_71 = tpu.sem_alloc : memref<!tpu.dma_semaphore, #tpu.memory_space<semaphore_mem>>
      %dma_start3A = arith.constant 0 : i32
      %dma_start3A_72 = arith.constant 0 : i32
      %dma_start3A_73 = tpu.memref_slice %arg7[%run_scoped3A_14, %dma_start3A, %dma_start3A_72] : memref<4x80x128xf32, #tpu.memory_space<vmem>> -> memref<1x80x128xf32, #tpu.memory_space<vmem>>
      %dma_start3A_74 = tpu.memref_squeeze %dma_start3A_73 : memref<1x80x128xf32, #tpu.memory_space<vmem>> -> memref<80x128xf32, #tpu.memory_space<vmem>>
      %dma_start3A_75 = arith.constant 0 : i32
      %dma_start3A_76 = tpu.memref_slice %arg8[%add3A_13, %dma_start3A_75] : memref<10112x128xf32, #tpu.memory_space<vmem_shared>> -> memref<80x128xf32, #tpu.memory_space<vmem_shared>>
      %dma_start3A_77 = arith.constant 0 : i32
      %dma_start3A_78 = tpu.memref_slice %arg8[%add3A_13, %dma_start3A_77] : memref<10112x128xf32, #tpu.memory_space<vmem_shared>> -> memref<80x128xf32, #tpu.memory_space<vmem_shared>>
      %dma_start3A_79 = arith.constant 0 : i32
      %dma_start3A_80 = arith.constant 0 : i32
      %dma_start3A_81 = tpu.memref_slice %arg7[%run_scoped3A_14, %dma_start3A_79, %dma_start3A_80] : memref<4x80x128xf32, #tpu.memory_space<vmem>> -> memref<1x80x128xf32, #tpu.memory_space<vmem>>
      %dma_start3A_82 = tpu.memref_squeeze %dma_start3A_81 : memref<1x80x128xf32, #tpu.memory_space<vmem>> -> memref<80x128xf32, #tpu.memory_space<vmem>>
      tpu.enqueue_dma source(%dma_start3A_82 : memref<80x128xf32, #tpu.memory_space<vmem>>) target(%dma_start3A_78 : memref<80x128xf32, #tpu.memory_space<vmem_shared>>) target_semaphore(%run_scoped3A_71 : memref<!tpu.dma_semaphore, #tpu.memory_space<semaphore_mem>>)
      %dma_wait3A_83 = arith.constant 0 : i32
      %dma_wait3A_84 = arith.constant 0 : i32
      %dma_wait3A_85 = tpu.memref_slice %arg7[%run_scoped3A_14, %dma_wait3A_83, %dma_wait3A_84] : memref<4x80x128xf32, #tpu.memory_space<vmem>> -> memref<1x80x128xf32, #tpu.memory_space<vmem>>
      %dma_wait3A_86 = tpu.memref_squeeze %dma_wait3A_85 : memref<1x80x128xf32, #tpu.memory_space<vmem>> -> memref<80x128xf32, #tpu.memory_space<vmem>>
      %dma_wait3A_87 = arith.constant 0 : i32
      %dma_wait3A_88 = tpu.memref_slice %arg8[%add3A_13, %dma_wait3A_87] : memref<10112x128xf32, #tpu.memory_space<vmem_shared>> -> memref<80x128xf32, #tpu.memory_space<vmem_shared>>
      %dma_wait3A_89 = arith.constant 0 : i32
      %dma_wait3A_90 = tpu.memref_slice %arg8[%add3A_13, %dma_wait3A_89] : memref<10112x128xf32, #tpu.memory_space<vmem_shared>> -> memref<80x128xf32, #tpu.memory_space<vmem_shared>>
      %dma_wait3A_91 = arith.constant 0 : i32
      %dma_wait3A_92 = arith.constant 0 : i32
      %dma_wait3A_93 = tpu.memref_slice %arg7[%run_scoped3A_14, %dma_wait3A_91, %dma_wait3A_92] : memref<4x80x128xf32, #tpu.memory_space<vmem>> -> memref<1x80x128xf32, #tpu.memory_space<vmem>>
      %dma_wait3A_94 = tpu.memref_squeeze %dma_wait3A_93 : memref<1x80x128xf32, #tpu.memory_space<vmem>> -> memref<80x128xf32, #tpu.memory_space<vmem>>
      tpu.wait_dma2 semaphore(%run_scoped3A_71 : memref<!tpu.dma_semaphore, #tpu.memory_space<semaphore_mem>>) src(%dma_wait3A_94 : memref<80x128xf32, #tpu.memory_space<vmem>>) dst(%dma_wait3A_90 : memref<80x128xf32, #tpu.memory_space<vmem_shared>>)
      tpu.yield
    }) : () -> ()
    %add3A_15 = arith.constant 160 : i32
    %add3A_16 = arith.addi %mul3A_2, %add3A_15 : i32
    %run_scoped3A_17 = arith.constant 0 : i32
    "tpu.region"() ({
      %run_scoped3A_71 = tpu.sem_alloc : memref<!tpu.dma_semaphore, #tpu.memory_space<semaphore_mem>>
      %dma_start3A = arith.constant 0 : i32
      %dma_start3A_72 = arith.constant 0 : i32
      %dma_start3A_73 = tpu.memref_slice %arg7[%run_scoped3A_17, %dma_start3A, %dma_start3A_72] : memref<4x80x128xf32, #tpu.memory_space<vmem>> -> memref<1x80x128xf32, #tpu.memory_space<vmem>>
      %dma_start3A_74 = tpu.memref_squeeze %dma_start3A_73 : memref<1x80x128xf32, #tpu.memory_space<vmem>> -> memref<80x128xf32, #tpu.memory_space<vmem>>
      %dma_start3A_75 = arith.constant 0 : i32
      %dma_start3A_76 = tpu.memref_slice %arg8[%add3A_16, %dma_start3A_75] : memref<10112x128xf32, #tpu.memory_space<vmem_shared>> -> memref<80x128xf32, #tpu.memory_space<vmem_shared>>
      %dma_start3A_77 = arith.constant 0 : i32
      %dma_start3A_78 = tpu.memref_slice %arg8[%add3A_16, %dma_start3A_77] : memref<10112x128xf32, #tpu.memory_space<vmem_shared>> -> memref<80x128xf32, #tpu.memory_space<vmem_shared>>
      %dma_start3A_79 = arith.constant 0 : i32
      %dma_start3A_80 = arith.constant 0 : i32
      %dma_start3A_81 = tpu.memref_slice %arg7[%run_scoped3A_17, %dma_start3A_79, %dma_start3A_80] : memref<4x80x128xf32, #tpu.memory_space<vmem>> -> memref<1x80x128xf32, #tpu.memory_space<vmem>>
      %dma_start3A_82 = tpu.memref_squeeze %dma_start3A_81 : memref<1x80x128xf32, #tpu.memory_space<vmem>> -> memref<80x128xf32, #tpu.memory_space<vmem>>
      tpu.enqueue_dma source(%dma_start3A_82 : memref<80x128xf32, #tpu.memory_space<vmem>>) target(%dma_start3A_78 : memref<80x128xf32, #tpu.memory_space<vmem_shared>>) target_semaphore(%run_scoped3A_71 : memref<!tpu.dma_semaphore, #tpu.memory_space<semaphore_mem>>)
      %dma_wait3A_83 = arith.constant 0 : i32
      %dma_wait3A_84 = arith.constant 0 : i32
      %dma_wait3A_85 = tpu.memref_slice %arg7[%run_scoped3A_17, %dma_wait3A_83, %dma_wait3A_84] : memref<4x80x128xf32, #tpu.memory_space<vmem>> -> memref<1x80x128xf32, #tpu.memory_space<vmem>>
      %dma_wait3A_86 = tpu.memref_squeeze %dma_wait3A_85 : memref<1x80x128xf32, #tpu.memory_space<vmem>> -> memref<80x128xf32, #tpu.memory_space<vmem>>
      %dma_wait3A_87 = arith.constant 0 : i32
      %dma_wait3A_88 = tpu.memref_slice %arg8[%add3A_16, %dma_wait3A_87] : memref<10112x128xf32, #tpu.memory_space<vmem_shared>> -> memref<80x128xf32, #tpu.memory_space<vmem_shared>>
      %dma_wait3A_89 = arith.constant 0 : i32
      %dma_wait3A_90 = tpu.memref_slice %arg8[%add3A_16, %dma_wait3A_89] : memref<10112x128xf32, #tpu.memory_space<vmem_shared>> -> memref<80x128xf32, #tpu.memory_space<vmem_shared>>
      %dma_wait3A_91 = arith.constant 0 : i32
      %dma_wait3A_92 = arith.constant 0 : i32
      %dma_wait3A_93 = tpu.memref_slice %arg7[%run_scoped3A_17, %dma_wait3A_91, %dma_wait3A_92] : memref<4x80x128xf32, #tpu.memory_space<vmem>> -> memref<1x80x128xf32, #tpu.memory_space<vmem>>
      %dma_wait3A_94 = tpu.memref_squeeze %dma_wait3A_93 : memref<1x80x128xf32, #tpu.memory_space<vmem>> -> memref<80x128xf32, #tpu.memory_space<vmem>>
      tpu.wait_dma2 semaphore(%run_scoped3A_71 : memref<!tpu.dma_semaphore, #tpu.memory_space<semaphore_mem>>) src(%dma_wait3A_94 : memref<80x128xf32, #tpu.memory_space<vmem>>) dst(%dma_wait3A_90 : memref<80x128xf32, #tpu.memory_space<vmem_shared>>)
      tpu.yield
    }) : () -> ()
    %add3A_18 = arith.constant 240 : i32
    %add3A_19 = arith.addi %mul3A_2, %add3A_18 : i32
    %run_scoped3A_20 = arith.constant 0 : i32
    "tpu.region"() ({
      %run_scoped3A_71 = tpu.sem_alloc : memref<!tpu.dma_semaphore, #tpu.memory_space<semaphore_mem>>
      %dma_start3A = arith.constant 0 : i32
      %dma_start3A_72 = arith.constant 0 : i32
      %dma_start3A_73 = tpu.memref_slice %arg7[%run_scoped3A_20, %dma_start3A, %dma_start3A_72] : memref<4x80x128xf32, #tpu.memory_space<vmem>> -> memref<1x80x128xf32, #tpu.memory_space<vmem>>
      %dma_start3A_74 = tpu.memref_squeeze %dma_start3A_73 : memref<1x80x128xf32, #tpu.memory_space<vmem>> -> memref<80x128xf32, #tpu.memory_space<vmem>>
      %dma_start3A_75 = arith.constant 0 : i32
      %dma_start3A_76 = tpu.memref_slice %arg8[%add3A_19, %dma_start3A_75] : memref<10112x128xf32, #tpu.memory_space<vmem_shared>> -> memref<80x128xf32, #tpu.memory_space<vmem_shared>>
      %dma_start3A_77 = arith.constant 0 : i32
      %dma_start3A_78 = tpu.memref_slice %arg8[%add3A_19, %dma_start3A_77] : memref<10112x128xf32, #tpu.memory_space<vmem_shared>> -> memref<80x128xf32, #tpu.memory_space<vmem_shared>>
      %dma_start3A_79 = arith.constant 0 : i32
      %dma_start3A_80 = arith.constant 0 : i32
      %dma_start3A_81 = tpu.memref_slice %arg7[%run_scoped3A_20, %dma_start3A_79, %dma_start3A_80] : memref<4x80x128xf32, #tpu.memory_space<vmem>> -> memref<1x80x128xf32, #tpu.memory_space<vmem>>
      %dma_start3A_82 = tpu.memref_squeeze %dma_start3A_81 : memref<1x80x128xf32, #tpu.memory_space<vmem>> -> memref<80x128xf32, #tpu.memory_space<vmem>>
      tpu.enqueue_dma source(%dma_start3A_82 : memref<80x128xf32, #tpu.memory_space<vmem>>) target(%dma_start3A_78 : memref<80x128xf32, #tpu.memory_space<vmem_shared>>) target_semaphore(%run_scoped3A_71 : memref<!tpu.dma_semaphore, #tpu.memory_space<semaphore_mem>>)
      %dma_wait3A_83 = arith.constant 0 : i32
      %dma_wait3A_84 = arith.constant 0 : i32
      %dma_wait3A_85 = tpu.memref_slice %arg7[%run_scoped3A_20, %dma_wait3A_83, %dma_wait3A_84] : memref<4x80x128xf32, #tpu.memory_space<vmem>> -> memref<1x80x128xf32, #tpu.memory_space<vmem>>
      %dma_wait3A_86 = tpu.memref_squeeze %dma_wait3A_85 : memref<1x80x128xf32, #tpu.memory_space<vmem>> -> memref<80x128xf32, #tpu.memory_space<vmem>>
      %dma_wait3A_87 = arith.constant 0 : i32
      %dma_wait3A_88 = tpu.memref_slice %arg8[%add3A_19, %dma_wait3A_87] : memref<10112x128xf32, #tpu.memory_space<vmem_shared>> -> memref<80x128xf32, #tpu.memory_space<vmem_shared>>
      %dma_wait3A_89 = arith.constant 0 : i32
      %dma_wait3A_90 = tpu.memref_slice %arg8[%add3A_19, %dma_wait3A_89] : memref<10112x128xf32, #tpu.memory_space<vmem_shared>> -> memref<80x128xf32, #tpu.memory_space<vmem_shared>>
      %dma_wait3A_91 = arith.constant 0 : i32
      %dma_wait3A_92 = arith.constant 0 : i32
      %dma_wait3A_93 = tpu.memref_slice %arg7[%run_scoped3A_20, %dma_wait3A_91, %dma_wait3A_92] : memref<4x80x128xf32, #tpu.memory_space<vmem>> -> memref<1x80x128xf32, #tpu.memory_space<vmem>>
      %dma_wait3A_94 = tpu.memref_squeeze %dma_wait3A_93 : memref<1x80x128xf32, #tpu.memory_space<vmem>> -> memref<80x128xf32, #tpu.memory_space<vmem>>
      tpu.wait_dma2 semaphore(%run_scoped3A_71 : memref<!tpu.dma_semaphore, #tpu.memory_space<semaphore_mem>>) src(%dma_wait3A_94 : memref<80x128xf32, #tpu.memory_space<vmem>>) dst(%dma_wait3A_90 : memref<80x128xf32, #tpu.memory_space<vmem_shared>>)
      tpu.yield
    }) : () -> ()
    %add3A_21 = arith.constant 320 : i32
    %add3A_22 = arith.addi %mul3A_2, %add3A_21 : i32
    %run_scoped3A_23 = arith.constant 0 : i32
    "tpu.region"() ({
      %run_scoped3A_71 = tpu.sem_alloc : memref<!tpu.dma_semaphore, #tpu.memory_space<semaphore_mem>>
      %dma_start3A = arith.constant 0 : i32
      %dma_start3A_72 = arith.constant 0 : i32
      %dma_start3A_73 = tpu.memref_slice %arg7[%run_scoped3A_23, %dma_start3A, %dma_start3A_72] : memref<4x80x128xf32, #tpu.memory_space<vmem>> -> memref<1x80x128xf32, #tpu.memory_space<vmem>>
      %dma_start3A_74 = tpu.memref_squeeze %dma_start3A_73 : memref<1x80x128xf32, #tpu.memory_space<vmem>> -> memref<80x128xf32, #tpu.memory_space<vmem>>
      %dma_start3A_75 = arith.constant 0 : i32
      %dma_start3A_76 = tpu.memref_slice %arg8[%add3A_22, %dma_start3A_75] : memref<10112x128xf32, #tpu.memory_space<vmem_shared>> -> memref<80x128xf32, #tpu.memory_space<vmem_shared>>
      %dma_start3A_77 = arith.constant 0 : i32
      %dma_start3A_78 = tpu.memref_slice %arg8[%add3A_22, %dma_start3A_77] : memref<10112x128xf32, #tpu.memory_space<vmem_shared>> -> memref<80x128xf32, #tpu.memory_space<vmem_shared>>
      %dma_start3A_79 = arith.constant 0 : i32
      %dma_start3A_80 = arith.constant 0 : i32
      %dma_start3A_81 = tpu.memref_slice %arg7[%run_scoped3A_23, %dma_start3A_79, %dma_start3A_80] : memref<4x80x128xf32, #tpu.memory_space<vmem>> -> memref<1x80x128xf32, #tpu.memory_space<vmem>>
      %dma_start3A_82 = tpu.memref_squeeze %dma_start3A_81 : memref<1x80x128xf32, #tpu.memory_space<vmem>> -> memref<80x128xf32, #tpu.memory_space<vmem>>
      tpu.enqueue_dma source(%dma_start3A_82 : memref<80x128xf32, #tpu.memory_space<vmem>>) target(%dma_start3A_78 : memref<80x128xf32, #tpu.memory_space<vmem_shared>>) target_semaphore(%run_scoped3A_71 : memref<!tpu.dma_semaphore, #tpu.memory_space<semaphore_mem>>)
      %dma_wait3A_83 = arith.constant 0 : i32
      %dma_wait3A_84 = arith.constant 0 : i32
      %dma_wait3A_85 = tpu.memref_slice %arg7[%run_scoped3A_23, %dma_wait3A_83, %dma_wait3A_84] : memref<4x80x128xf32, #tpu.memory_space<vmem>> -> memref<1x80x128xf32, #tpu.memory_space<vmem>>
      %dma_wait3A_86 = tpu.memref_squeeze %dma_wait3A_85 : memref<1x80x128xf32, #tpu.memory_space<vmem>> -> memref<80x128xf32, #tpu.memory_space<vmem>>
      %dma_wait3A_87 = arith.constant 0 : i32
      %dma_wait3A_88 = tpu.memref_slice %arg8[%add3A_22, %dma_wait3A_87] : memref<10112x128xf32, #tpu.memory_space<vmem_shared>> -> memref<80x128xf32, #tpu.memory_space<vmem_shared>>
      %dma_wait3A_89 = arith.constant 0 : i32
      %dma_wait3A_90 = tpu.memref_slice %arg8[%add3A_22, %dma_wait3A_89] : memref<10112x128xf32, #tpu.memory_space<vmem_shared>> -> memref<80x128xf32, #tpu.memory_space<vmem_shared>>
      %dma_wait3A_91 = arith.constant 0 : i32
      %dma_wait3A_92 = arith.constant 0 : i32
      %dma_wait3A_93 = tpu.memref_slice %arg7[%run_scoped3A_23, %dma_wait3A_91, %dma_wait3A_92] : memref<4x80x128xf32, #tpu.memory_space<vmem>> -> memref<1x80x128xf32, #tpu.memory_space<vmem>>
      %dma_wait3A_94 = tpu.memref_squeeze %dma_wait3A_93 : memref<1x80x128xf32, #tpu.memory_space<vmem>> -> memref<80x128xf32, #tpu.memory_space<vmem>>
      tpu.wait_dma2 semaphore(%run_scoped3A_71 : memref<!tpu.dma_semaphore, #tpu.memory_space<semaphore_mem>>) src(%dma_wait3A_94 : memref<80x128xf32, #tpu.memory_space<vmem>>) dst(%dma_wait3A_90 : memref<80x128xf32, #tpu.memory_space<vmem_shared>>)
      tpu.yield
    }) : () -> ()
    %add3A_24 = arith.constant 400 : i32
    %add3A_25 = arith.addi %mul3A_2, %add3A_24 : i32
    %run_scoped3A_26 = arith.constant 0 : i32
    "tpu.region"() ({
      %run_scoped3A_71 = tpu.sem_alloc : memref<!tpu.dma_semaphore, #tpu.memory_space<semaphore_mem>>
      %dma_start3A = arith.constant 0 : i32
      %dma_start3A_72 = arith.constant 0 : i32
      %dma_start3A_73 = tpu.memref_slice %arg7[%run_scoped3A_26, %dma_start3A, %dma_start3A_72] : memref<4x80x128xf32, #tpu.memory_space<vmem>> -> memref<1x80x128xf32, #tpu.memory_space<vmem>>
      %dma_start3A_74 = tpu.memref_squeeze %dma_start3A_73 : memref<1x80x128xf32, #tpu.memory_space<vmem>> -> memref<80x128xf32, #tpu.memory_space<vmem>>
      %dma_start3A_75 = arith.constant 0 : i32
      %dma_start3A_76 = tpu.memref_slice %arg8[%add3A_25, %dma_start3A_75] : memref<10112x128xf32, #tpu.memory_space<vmem_shared>> -> memref<80x128xf32, #tpu.memory_space<vmem_shared>>
      %dma_start3A_77 = arith.constant 0 : i32
      %dma_start3A_78 = tpu.memref_slice %arg8[%add3A_25, %dma_start3A_77] : memref<10112x128xf32, #tpu.memory_space<vmem_shared>> -> memref<80x128xf32, #tpu.memory_space<vmem_shared>>
      %dma_start3A_79 = arith.constant 0 : i32
      %dma_start3A_80 = arith.constant 0 : i32
      %dma_start3A_81 = tpu.memref_slice %arg7[%run_scoped3A_26, %dma_start3A_79, %dma_start3A_80] : memref<4x80x128xf32, #tpu.memory_space<vmem>> -> memref<1x80x128xf32, #tpu.memory_space<vmem>>
      %dma_start3A_82 = tpu.memref_squeeze %dma_start3A_81 : memref<1x80x128xf32, #tpu.memory_space<vmem>> -> memref<80x128xf32, #tpu.memory_space<vmem>>
      tpu.enqueue_dma source(%dma_start3A_82 : memref<80x128xf32, #tpu.memory_space<vmem>>) target(%dma_start3A_78 : memref<80x128xf32, #tpu.memory_space<vmem_shared>>) target_semaphore(%run_scoped3A_71 : memref<!tpu.dma_semaphore, #tpu.memory_space<semaphore_mem>>)
      %dma_wait3A_83 = arith.constant 0 : i32
      %dma_wait3A_84 = arith.constant 0 : i32
      %dma_wait3A_85 = tpu.memref_slice %arg7[%run_scoped3A_26, %dma_wait3A_83, %dma_wait3A_84] : memref<4x80x128xf32, #tpu.memory_space<vmem>> -> memref<1x80x128xf32, #tpu.memory_space<vmem>>
      %dma_wait3A_86 = tpu.memref_squeeze %dma_wait3A_85 : memref<1x80x128xf32, #tpu.memory_space<vmem>> -> memref<80x128xf32, #tpu.memory_space<vmem>>
      %dma_wait3A_87 = arith.constant 0 : i32
      %dma_wait3A_88 = tpu.memref_slice %arg8[%add3A_25, %dma_wait3A_87] : memref<10112x128xf32, #tpu.memory_space<vmem_shared>> -> memref<80x128xf32, #tpu.memory_space<vmem_shared>>
      %dma_wait3A_89 = arith.constant 0 : i32
      %dma_wait3A_90 = tpu.memref_slice %arg8[%add3A_25, %dma_wait3A_89] : memref<10112x128xf32, #tpu.memory_space<vmem_shared>> -> memref<80x128xf32, #tpu.memory_space<vmem_shared>>
      %dma_wait3A_91 = arith.constant 0 : i32
      %dma_wait3A_92 = arith.constant 0 : i32
      %dma_wait3A_93 = tpu.memref_slice %arg7[%run_scoped3A_26, %dma_wait3A_91, %dma_wait3A_92] : memref<4x80x128xf32, #tpu.memory_space<vmem>> -> memref<1x80x128xf32, #tpu.memory_space<vmem>>
      %dma_wait3A_94 = tpu.memref_squeeze %dma_wait3A_93 : memref<1x80x128xf32, #tpu.memory_space<vmem>> -> memref<80x128xf32, #tpu.memory_space<vmem>>
      tpu.wait_dma2 semaphore(%run_scoped3A_71 : memref<!tpu.dma_semaphore, #tpu.memory_space<semaphore_mem>>) src(%dma_wait3A_94 : memref<80x128xf32, #tpu.memory_space<vmem>>) dst(%dma_wait3A_90 : memref<80x128xf32, #tpu.memory_space<vmem_shared>>)
      tpu.yield
    }) : () -> ()
    %add3A_27 = arith.constant 480 : i32
    %add3A_28 = arith.addi %mul3A_2, %add3A_27 : i32
    %run_scoped3A_29 = arith.constant 0 : i32
    "tpu.region"() ({
      %run_scoped3A_71 = tpu.sem_alloc : memref<!tpu.dma_semaphore, #tpu.memory_space<semaphore_mem>>
      %dma_start3A = arith.constant 0 : i32
      %dma_start3A_72 = arith.constant 0 : i32
      %dma_start3A_73 = tpu.memref_slice %arg7[%run_scoped3A_29, %dma_start3A, %dma_start3A_72] : memref<4x80x128xf32, #tpu.memory_space<vmem>> -> memref<1x80x128xf32, #tpu.memory_space<vmem>>
      %dma_start3A_74 = tpu.memref_squeeze %dma_start3A_73 : memref<1x80x128xf32, #tpu.memory_space<vmem>> -> memref<80x128xf32, #tpu.memory_space<vmem>>
      %dma_start3A_75 = arith.constant 0 : i32
      %dma_start3A_76 = tpu.memref_slice %arg8[%add3A_28, %dma_start3A_75] : memref<10112x128xf32, #tpu.memory_space<vmem_shared>> -> memref<80x128xf32, #tpu.memory_space<vmem_shared>>
      %dma_start3A_77 = arith.constant 0 : i32
      %dma_start3A_78 = tpu.memref_slice %arg8[%add3A_28, %dma_start3A_77] : memref<10112x128xf32, #tpu.memory_space<vmem_shared>> -> memref<80x128xf32, #tpu.memory_space<vmem_shared>>
      %dma_start3A_79 = arith.constant 0 : i32
      %dma_start3A_80 = arith.constant 0 : i32
      %dma_start3A_81 = tpu.memref_slice %arg7[%run_scoped3A_29, %dma_start3A_79, %dma_start3A_80] : memref<4x80x128xf32, #tpu.memory_space<vmem>> -> memref<1x80x128xf32, #tpu.memory_space<vmem>>
      %dma_start3A_82 = tpu.memref_squeeze %dma_start3A_81 : memref<1x80x128xf32, #tpu.memory_space<vmem>> -> memref<80x128xf32, #tpu.memory_space<vmem>>
      tpu.enqueue_dma source(%dma_start3A_82 : memref<80x128xf32, #tpu.memory_space<vmem>>) target(%dma_start3A_78 : memref<80x128xf32, #tpu.memory_space<vmem_shared>>) target_semaphore(%run_scoped3A_71 : memref<!tpu.dma_semaphore, #tpu.memory_space<semaphore_mem>>)
      %dma_wait3A_83 = arith.constant 0 : i32
      %dma_wait3A_84 = arith.constant 0 : i32
      %dma_wait3A_85 = tpu.memref_slice %arg7[%run_scoped3A_29, %dma_wait3A_83, %dma_wait3A_84] : memref<4x80x128xf32, #tpu.memory_space<vmem>> -> memref<1x80x128xf32, #tpu.memory_space<vmem>>
      %dma_wait3A_86 = tpu.memref_squeeze %dma_wait3A_85 : memref<1x80x128xf32, #tpu.memory_space<vmem>> -> memref<80x128xf32, #tpu.memory_space<vmem>>
      %dma_wait3A_87 = arith.constant 0 : i32
      %dma_wait3A_88 = tpu.memref_slice %arg8[%add3A_28, %dma_wait3A_87] : memref<10112x128xf32, #tpu.memory_space<vmem_shared>> -> memref<80x128xf32, #tpu.memory_space<vmem_shared>>
      %dma_wait3A_89 = arith.constant 0 : i32
      %dma_wait3A_90 = tpu.memref_slice %arg8[%add3A_28, %dma_wait3A_89] : memref<10112x128xf32, #tpu.memory_space<vmem_shared>> -> memref<80x128xf32, #tpu.memory_space<vmem_shared>>
      %dma_wait3A_91 = arith.constant 0 : i32
      %dma_wait3A_92 = arith.constant 0 : i32
      %dma_wait3A_93 = tpu.memref_slice %arg7[%run_scoped3A_29, %dma_wait3A_91, %dma_wait3A_92] : memref<4x80x128xf32, #tpu.memory_space<vmem>> -> memref<1x80x128xf32, #tpu.memory_space<vmem>>
      %dma_wait3A_94 = tpu.memref_squeeze %dma_wait3A_93 : memref<1x80x128xf32, #tpu.memory_space<vmem>> -> memref<80x128xf32, #tpu.memory_space<vmem>>
      tpu.wait_dma2 semaphore(%run_scoped3A_71 : memref<!tpu.dma_semaphore, #tpu.memory_space<semaphore_mem>>) src(%dma_wait3A_94 : memref<80x128xf32, #tpu.memory_space<vmem>>) dst(%dma_wait3A_90 : memref<80x128xf32, #tpu.memory_space<vmem_shared>>)
      tpu.yield
    }) : () -> ()
    %add3A_30 = arith.constant 560 : i32
    %add3A_31 = arith.addi %mul3A_2, %add3A_30 : i32
    %run_scoped3A_32 = arith.constant 0 : i32
    "tpu.region"() ({
      %run_scoped3A_71 = tpu.sem_alloc : memref<!tpu.dma_semaphore, #tpu.memory_space<semaphore_mem>>
      %dma_start3A = arith.constant 0 : i32
      %dma_start3A_72 = arith.constant 0 : i32
      %dma_start3A_73 = tpu.memref_slice %arg7[%run_scoped3A_32, %dma_start3A, %dma_start3A_72] : memref<4x80x128xf32, #tpu.memory_space<vmem>> -> memref<1x72x128xf32, #tpu.memory_space<vmem>>
      %dma_start3A_74 = tpu.memref_squeeze %dma_start3A_73 : memref<1x72x128xf32, #tpu.memory_space<vmem>> -> memref<72x128xf32, #tpu.memory_space<vmem>>
      %dma_start3A_75 = arith.constant 0 : i32
      %dma_start3A_76 = tpu.memref_slice %arg8[%add3A_31, %dma_start3A_75] : memref<10112x128xf32, #tpu.memory_space<vmem_shared>> -> memref<72x128xf32, #tpu.memory_space<vmem_shared>>
      %dma_start3A_77 = arith.constant 0 : i32
      %dma_start3A_78 = tpu.memref_slice %arg8[%add3A_31, %dma_start3A_77] : memref<10112x128xf32, #tpu.memory_space<vmem_shared>> -> memref<72x128xf32, #tpu.memory_space<vmem_shared>>
      %dma_start3A_79 = arith.constant 0 : i32
      %dma_start3A_80 = arith.constant 0 : i32
      %dma_start3A_81 = tpu.memref_slice %arg7[%run_scoped3A_32, %dma_start3A_79, %dma_start3A_80] : memref<4x80x128xf32, #tpu.memory_space<vmem>> -> memref<1x72x128xf32, #tpu.memory_space<vmem>>
      %dma_start3A_82 = tpu.memref_squeeze %dma_start3A_81 : memref<1x72x128xf32, #tpu.memory_space<vmem>> -> memref<72x128xf32, #tpu.memory_space<vmem>>
      tpu.enqueue_dma source(%dma_start3A_82 : memref<72x128xf32, #tpu.memory_space<vmem>>) target(%dma_start3A_78 : memref<72x128xf32, #tpu.memory_space<vmem_shared>>) target_semaphore(%run_scoped3A_71 : memref<!tpu.dma_semaphore, #tpu.memory_space<semaphore_mem>>)
      %dma_wait3A_83 = arith.constant 0 : i32
      %dma_wait3A_84 = arith.constant 0 : i32
      %dma_wait3A_85 = tpu.memref_slice %arg7[%run_scoped3A_32, %dma_wait3A_83, %dma_wait3A_84] : memref<4x80x128xf32, #tpu.memory_space<vmem>> -> memref<1x72x128xf32, #tpu.memory_space<vmem>>
      %dma_wait3A_86 = tpu.memref_squeeze %dma_wait3A_85 : memref<1x72x128xf32, #tpu.memory_space<vmem>> -> memref<72x128xf32, #tpu.memory_space<vmem>>
      %dma_wait3A_87 = arith.constant 0 : i32
      %dma_wait3A_88 = tpu.memref_slice %arg8[%add3A_31, %dma_wait3A_87] : memref<10112x128xf32, #tpu.memory_space<vmem_shared>> -> memref<72x128xf32, #tpu.memory_space<vmem_shared>>
      %dma_wait3A_89 = arith.constant 0 : i32
      %dma_wait3A_90 = tpu.memref_slice %arg8[%add3A_31, %dma_wait3A_89] : memref<10112x128xf32, #tpu.memory_space<vmem_shared>> -> memref<72x128xf32, #tpu.memory_space<vmem_shared>>
      %dma_wait3A_91 = arith.constant 0 : i32
      %dma_wait3A_92 = arith.constant 0 : i32
      %dma_wait3A_93 = tpu.memref_slice %arg7[%run_scoped3A_32, %dma_wait3A_91, %dma_wait3A_92] : memref<4x80x128xf32, #tpu.memory_space<vmem>> -> memref<1x72x128xf32, #tpu.memory_space<vmem>>
      %dma_wait3A_94 = tpu.memref_squeeze %dma_wait3A_93 : memref<1x72x128xf32, #tpu.memory_space<vmem>> -> memref<72x128xf32, #tpu.memory_space<vmem>>
      tpu.wait_dma2 semaphore(%run_scoped3A_71 : memref<!tpu.dma_semaphore, #tpu.memory_space<semaphore_mem>>) src(%dma_wait3A_94 : memref<72x128xf32, #tpu.memory_space<vmem>>) dst(%dma_wait3A_90 : memref<72x128xf32, #tpu.memory_space<vmem_shared>>)
      tpu.yield
    }) : () -> ()
    %add3A_33 = arith.constant 0 : i32
    %add3A_34 = arith.addi %mul3A_4, %add3A_33 : i32
    %run_scoped3A_35 = arith.constant 0 : i32
    %run_scoped3A_36 = arith.constant 0 : i32
    "tpu.region"() ({
      %run_scoped3A_71 = tpu.sem_alloc : memref<!tpu.dma_semaphore, #tpu.memory_space<semaphore_mem>>
      %dma_start3A = arith.constant 0 : i32
      %dma_start3A_72 = arith.constant 0 : i32
      %dma_start3A_73 = tpu.memref_slice %arg5[%run_scoped3A_36, %dma_start3A, %dma_start3A_72] : memref<2x25x80xi32, #tpu.memory_space<vmem>> -> memref<1x25x80xi32, #tpu.memory_space<vmem>>
      %dma_start3A_74 = tpu.memref_squeeze %dma_start3A_73 : memref<1x25x80xi32, #tpu.memory_space<vmem>> -> memref<25x80xi32, #tpu.memory_space<vmem>>
      %dma_start3A_75 = arith.constant 0 : i32
      %dma_start3A_76 = tpu.memref_slice %arg3[%run_scoped3A_35, %add3A_34, %dma_start3A_75] : memref<2x4000x80xi32, #tpu.memory_space<hbm>> -> memref<1x25x80xi32, #tpu.memory_space<hbm>>
      %dma_start3A_77 = tpu.memref_squeeze %dma_start3A_76 : memref<1x25x80xi32, #tpu.memory_space<hbm>> -> memref<25x80xi32, #tpu.memory_space<hbm>>
      %dma_start3A_78 = arith.constant 0 : i32
      %dma_start3A_79 = arith.constant 0 : i32
      %dma_start3A_80 = tpu.memref_slice %arg5[%run_scoped3A_36, %dma_start3A_78, %dma_start3A_79] : memref<2x25x80xi32, #tpu.memory_space<vmem>> -> memref<1x25x80xi32, #tpu.memory_space<vmem>>
      %dma_start3A_81 = tpu.memref_squeeze %dma_start3A_80 : memref<1x25x80xi32, #tpu.memory_space<vmem>> -> memref<25x80xi32, #tpu.memory_space<vmem>>
      %dma_start3A_82 = arith.constant 0 : i32
      %dma_start3A_83 = tpu.memref_slice %arg3[%run_scoped3A_35, %add3A_34, %dma_start3A_82] : memref<2x4000x80xi32, #tpu.memory_space<hbm>> -> memref<1x25x80xi32, #tpu.memory_space<hbm>>
      %dma_start3A_84 = tpu.memref_squeeze %dma_start3A_83 : memref<1x25x80xi32, #tpu.memory_space<hbm>> -> memref<25x80xi32, #tpu.memory_space<hbm>>
      tpu.enqueue_dma source(%dma_start3A_84 : memref<25x80xi32, #tpu.memory_space<hbm>>) target(%dma_start3A_81 : memref<25x80xi32, #tpu.memory_space<vmem>>) target_semaphore(%run_scoped3A_71 : memref<!tpu.dma_semaphore, #tpu.memory_space<semaphore_mem>>)
      %dma_wait3A_85 = arith.constant 0 : i32
      %dma_wait3A_86 = arith.constant 0 : i32
      %dma_wait3A_87 = tpu.memref_slice %arg5[%run_scoped3A_36, %dma_wait3A_85, %dma_wait3A_86] : memref<2x25x80xi32, #tpu.memory_space<vmem>> -> memref<1x25x80xi32, #tpu.memory_space<vmem>>
      %dma_wait3A_88 = tpu.memref_squeeze %dma_wait3A_87 : memref<1x25x80xi32, #tpu.memory_space<vmem>> -> memref<25x80xi32, #tpu.memory_space<vmem>>
      %dma_wait3A_89 = arith.constant 0 : i32
      %dma_wait3A_90 = tpu.memref_slice %arg3[%run_scoped3A_35, %add3A_34, %dma_wait3A_89] : memref<2x4000x80xi32, #tpu.memory_space<hbm>> -> memref<1x25x80xi32, #tpu.memory_space<hbm>>
      %dma_wait3A_91 = tpu.memref_squeeze %dma_wait3A_90 : memref<1x25x80xi32, #tpu.memory_space<hbm>> -> memref<25x80xi32, #tpu.memory_space<hbm>>
      %dma_wait3A_92 = arith.constant 0 : i32
      %dma_wait3A_93 = arith.constant 0 : i32
      %dma_wait3A_94 = tpu.memref_slice %arg5[%run_scoped3A_36, %dma_wait3A_92, %dma_wait3A_93] : memref<2x25x80xi32, #tpu.memory_space<vmem>> -> memref<1x25x80xi32, #tpu.memory_space<vmem>>
      %dma_wait3A_95 = tpu.memref_squeeze %dma_wait3A_94 : memref<1x25x80xi32, #tpu.memory_space<vmem>> -> memref<25x80xi32, #tpu.memory_space<vmem>>
      %dma_wait3A_96 = arith.constant 0 : i32
      %dma_wait3A_97 = tpu.memref_slice %arg3[%run_scoped3A_35, %add3A_34, %dma_wait3A_96] : memref<2x4000x80xi32, #tpu.memory_space<hbm>> -> memref<1x25x80xi32, #tpu.memory_space<hbm>>
      %dma_wait3A_98 = tpu.memref_squeeze %dma_wait3A_97 : memref<1x25x80xi32, #tpu.memory_space<hbm>> -> memref<25x80xi32, #tpu.memory_space<hbm>>
      tpu.wait_dma2 semaphore(%run_scoped3A_71 : memref<!tpu.dma_semaphore, #tpu.memory_space<semaphore_mem>>) src(%dma_wait3A_98 : memref<25x80xi32, #tpu.memory_space<hbm>>) dst(%dma_wait3A_95 : memref<25x80xi32, #tpu.memory_space<vmem>>)
      tpu.yield
    }) : () -> ()
    %add3A_37 = arith.constant 0 : i32
    %add3A_38 = arith.addi %mul3A_4, %add3A_37 : i32
    %run_scoped3A_39 = arith.constant 1 : i32
    %run_scoped3A_40 = arith.constant 0 : i32
    "tpu.region"() ({
      %run_scoped3A_71 = tpu.sem_alloc : memref<!tpu.dma_semaphore, #tpu.memory_space<semaphore_mem>>
      %dma_start3A = arith.constant 0 : i32
      %dma_start3A_72 = arith.constant 0 : i32
      %dma_start3A_73 = tpu.memref_slice %arg6[%run_scoped3A_40, %dma_start3A, %dma_start3A_72] : memref<2x25x80xi32, #tpu.memory_space<vmem>> -> memref<1x25x80xi32, #tpu.memory_space<vmem>>
      %dma_start3A_74 = tpu.memref_squeeze %dma_start3A_73 : memref<1x25x80xi32, #tpu.memory_space<vmem>> -> memref<25x80xi32, #tpu.memory_space<vmem>>
      %dma_start3A_75 = arith.constant 0 : i32
      %dma_start3A_76 = tpu.memref_slice %arg3[%run_scoped3A_39, %add3A_38, %dma_start3A_75] : memref<2x4000x80xi32, #tpu.memory_space<hbm>> -> memref<1x25x80xi32, #tpu.memory_space<hbm>>
      %dma_start3A_77 = tpu.memref_squeeze %dma_start3A_76 : memref<1x25x80xi32, #tpu.memory_space<hbm>> -> memref<25x80xi32, #tpu.memory_space<hbm>>
      %dma_start3A_78 = arith.constant 0 : i32
      %dma_start3A_79 = arith.constant 0 : i32
      %dma_start3A_80 = tpu.memref_slice %arg6[%run_scoped3A_40, %dma_start3A_78, %dma_start3A_79] : memref<2x25x80xi32, #tpu.memory_space<vmem>> -> memref<1x25x80xi32, #tpu.memory_space<vmem>>
      %dma_start3A_81 = tpu.memref_squeeze %dma_start3A_80 : memref<1x25x80xi32, #tpu.memory_space<vmem>> -> memref<25x80xi32, #tpu.memory_space<vmem>>
      %dma_start3A_82 = arith.constant 0 : i32
      %dma_start3A_83 = tpu.memref_slice %arg3[%run_scoped3A_39, %add3A_38, %dma_start3A_82] : memref<2x4000x80xi32, #tpu.memory_space<hbm>> -> memref<1x25x80xi32, #tpu.memory_space<hbm>>
      %dma_start3A_84 = tpu.memref_squeeze %dma_start3A_83 : memref<1x25x80xi32, #tpu.memory_space<hbm>> -> memref<25x80xi32, #tpu.memory_space<hbm>>
      tpu.enqueue_dma source(%dma_start3A_84 : memref<25x80xi32, #tpu.memory_space<hbm>>) target(%dma_start3A_81 : memref<25x80xi32, #tpu.memory_space<vmem>>) target_semaphore(%run_scoped3A_71 : memref<!tpu.dma_semaphore, #tpu.memory_space<semaphore_mem>>)
      %dma_wait3A_85 = arith.constant 0 : i32
      %dma_wait3A_86 = arith.constant 0 : i32
      %dma_wait3A_87 = tpu.memref_slice %arg6[%run_scoped3A_40, %dma_wait3A_85, %dma_wait3A_86] : memref<2x25x80xi32, #tpu.memory_space<vmem>> -> memref<1x25x80xi32, #tpu.memory_space<vmem>>
      %dma_wait3A_88 = tpu.memref_squeeze %dma_wait3A_87 : memref<1x25x80xi32, #tpu.memory_space<vmem>> -> memref<25x80xi32, #tpu.memory_space<vmem>>
      %dma_wait3A_89 = arith.constant 0 : i32
      %dma_wait3A_90 = tpu.memref_slice %arg3[%run_scoped3A_39, %add3A_38, %dma_wait3A_89] : memref<2x4000x80xi32, #tpu.memory_space<hbm>> -> memref<1x25x80xi32, #tpu.memory_space<hbm>>
      %dma_wait3A_91 = tpu.memref_squeeze %dma_wait3A_90 : memref<1x25x80xi32, #tpu.memory_space<hbm>> -> memref<25x80xi32, #tpu.memory_space<hbm>>
      %dma_wait3A_92 = arith.constant 0 : i32
      %dma_wait3A_93 = arith.constant 0 : i32
      %dma_wait3A_94 = tpu.memref_slice %arg6[%run_scoped3A_40, %dma_wait3A_92, %dma_wait3A_93] : memref<2x25x80xi32, #tpu.memory_space<vmem>> -> memref<1x25x80xi32, #tpu.memory_space<vmem>>
      %dma_wait3A_95 = tpu.memref_squeeze %dma_wait3A_94 : memref<1x25x80xi32, #tpu.memory_space<vmem>> -> memref<25x80xi32, #tpu.memory_space<vmem>>
      %dma_wait3A_96 = arith.constant 0 : i32
      %dma_wait3A_97 = tpu.memref_slice %arg3[%run_scoped3A_39, %add3A_38, %dma_wait3A_96] : memref<2x4000x80xi32, #tpu.memory_space<hbm>> -> memref<1x25x80xi32, #tpu.memory_space<hbm>>
      %dma_wait3A_98 = tpu.memref_squeeze %dma_wait3A_97 : memref<1x25x80xi32, #tpu.memory_space<hbm>> -> memref<25x80xi32, #tpu.memory_space<hbm>>
      tpu.wait_dma2 semaphore(%run_scoped3A_71 : memref<!tpu.dma_semaphore, #tpu.memory_space<semaphore_mem>>) src(%dma_wait3A_98 : memref<25x80xi32, #tpu.memory_space<hbm>>) dst(%dma_wait3A_95 : memref<25x80xi32, #tpu.memory_space<vmem>>)
      tpu.yield
    }) : () -> ()
    %add3A_41 = arith.constant 25 : i32
    %add3A_42 = arith.addi %mul3A_4, %add3A_41 : i32
    %run_scoped3A_43 = arith.constant 0 : i32
    %run_scoped3A_44 = arith.constant 1 : i32
    "tpu.region"() ({
      %run_scoped3A_71 = tpu.sem_alloc : memref<!tpu.dma_semaphore, #tpu.memory_space<semaphore_mem>>
      %dma_start3A = arith.constant 0 : i32
      %dma_start3A_72 = arith.constant 0 : i32
      %dma_start3A_73 = tpu.memref_slice %arg5[%run_scoped3A_44, %dma_start3A, %dma_start3A_72] : memref<2x25x80xi32, #tpu.memory_space<vmem>> -> memref<1x25x80xi32, #tpu.memory_space<vmem>>
      %dma_start3A_74 = tpu.memref_squeeze %dma_start3A_73 : memref<1x25x80xi32, #tpu.memory_space<vmem>> -> memref<25x80xi32, #tpu.memory_space<vmem>>
      %dma_start3A_75 = arith.constant 0 : i32
      %dma_start3A_76 = tpu.memref_slice %arg3[%run_scoped3A_43, %add3A_42, %dma_start3A_75] : memref<2x4000x80xi32, #tpu.memory_space<hbm>> -> memref<1x25x80xi32, #tpu.memory_space<hbm>>
      %dma_start3A_77 = tpu.memref_squeeze %dma_start3A_76 : memref<1x25x80xi32, #tpu.memory_space<hbm>> -> memref<25x80xi32, #tpu.memory_space<hbm>>
      %dma_start3A_78 = arith.constant 0 : i32
      %dma_start3A_79 = arith.constant 0 : i32
      %dma_start3A_80 = tpu.memref_slice %arg5[%run_scoped3A_44, %dma_start3A_78, %dma_start3A_79] : memref<2x25x80xi32, #tpu.memory_space<vmem>> -> memref<1x25x80xi32, #tpu.memory_space<vmem>>
      %dma_start3A_81 = tpu.memref_squeeze %dma_start3A_80 : memref<1x25x80xi32, #tpu.memory_space<vmem>> -> memref<25x80xi32, #tpu.memory_space<vmem>>
      %dma_start3A_82 = arith.constant 0 : i32
      %dma_start3A_83 = tpu.memref_slice %arg3[%run_scoped3A_43, %add3A_42, %dma_start3A_82] : memref<2x4000x80xi32, #tpu.memory_space<hbm>> -> memref<1x25x80xi32, #tpu.memory_space<hbm>>
      %dma_start3A_84 = tpu.memref_squeeze %dma_start3A_83 : memref<1x25x80xi32, #tpu.memory_space<hbm>> -> memref<25x80xi32, #tpu.memory_space<hbm>>
      tpu.enqueue_dma source(%dma_start3A_84 : memref<25x80xi32, #tpu.memory_space<hbm>>) target(%dma_start3A_81 : memref<25x80xi32, #tpu.memory_space<vmem>>) target_semaphore(%run_scoped3A_71 : memref<!tpu.dma_semaphore, #tpu.memory_space<semaphore_mem>>)
      %dma_wait3A_85 = arith.constant 0 : i32
      %dma_wait3A_86 = arith.constant 0 : i32
      %dma_wait3A_87 = tpu.memref_slice %arg5[%run_scoped3A_44, %dma_wait3A_85, %dma_wait3A_86] : memref<2x25x80xi32, #tpu.memory_space<vmem>> -> memref<1x25x80xi32, #tpu.memory_space<vmem>>
      %dma_wait3A_88 = tpu.memref_squeeze %dma_wait3A_87 : memref<1x25x80xi32, #tpu.memory_space<vmem>> -> memref<25x80xi32, #tpu.memory_space<vmem>>
      %dma_wait3A_89 = arith.constant 0 : i32
      %dma_wait3A_90 = tpu.memref_slice %arg3[%run_scoped3A_43, %add3A_42, %dma_wait3A_89] : memref<2x4000x80xi32, #tpu.memory_space<hbm>> -> memref<1x25x80xi32, #tpu.memory_space<hbm>>
      %dma_wait3A_91 = tpu.memref_squeeze %dma_wait3A_90 : memref<1x25x80xi32, #tpu.memory_space<hbm>> -> memref<25x80xi32, #tpu.memory_space<hbm>>
      %dma_wait3A_92 = arith.constant 0 : i32
      %dma_wait3A_93 = arith.constant 0 : i32
      %dma_wait3A_94 = tpu.memref_slice %arg5[%run_scoped3A_44, %dma_wait3A_92, %dma_wait3A_93] : memref<2x25x80xi32, #tpu.memory_space<vmem>> -> memref<1x25x80xi32, #tpu.memory_space<vmem>>
      %dma_wait3A_95 = tpu.memref_squeeze %dma_wait3A_94 : memref<1x25x80xi32, #tpu.memory_space<vmem>> -> memref<25x80xi32, #tpu.memory_space<vmem>>
      %dma_wait3A_96 = arith.constant 0 : i32
      %dma_wait3A_97 = tpu.memref_slice %arg3[%run_scoped3A_43, %add3A_42, %dma_wait3A_96] : memref<2x4000x80xi32, #tpu.memory_space<hbm>> -> memref<1x25x80xi32, #tpu.memory_space<hbm>>
      %dma_wait3A_98 = tpu.memref_squeeze %dma_wait3A_97 : memref<1x25x80xi32, #tpu.memory_space<hbm>> -> memref<25x80xi32, #tpu.memory_space<hbm>>
      tpu.wait_dma2 semaphore(%run_scoped3A_71 : memref<!tpu.dma_semaphore, #tpu.memory_space<semaphore_mem>>) src(%dma_wait3A_98 : memref<25x80xi32, #tpu.memory_space<hbm>>) dst(%dma_wait3A_95 : memref<25x80xi32, #tpu.memory_space<vmem>>)
      tpu.yield
    }) : () -> ()
    %add3A_45 = arith.constant 25 : i32
    %add3A_46 = arith.addi %mul3A_4, %add3A_45 : i32
    %run_scoped3A_47 = arith.constant 1 : i32
    %run_scoped3A_48 = arith.constant 1 : i32
    "tpu.region"() ({
      %run_scoped3A_71 = tpu.sem_alloc : memref<!tpu.dma_semaphore, #tpu.memory_space<semaphore_mem>>
      %dma_start3A = arith.constant 0 : i32
      %dma_start3A_72 = arith.constant 0 : i32
      %dma_start3A_73 = tpu.memref_slice %arg6[%run_scoped3A_48, %dma_start3A, %dma_start3A_72] : memref<2x25x80xi32, #tpu.memory_space<vmem>> -> memref<1x25x80xi32, #tpu.memory_space<vmem>>
      %dma_start3A_74 = tpu.memref_squeeze %dma_start3A_73 : memref<1x25x80xi32, #tpu.memory_space<vmem>> -> memref<25x80xi32, #tpu.memory_space<vmem>>
      %dma_start3A_75 = arith.constant 0 : i32
      %dma_start3A_76 = tpu.memref_slice %arg3[%run_scoped3A_47, %add3A_46, %dma_start3A_75] : memref<2x4000x80xi32, #tpu.memory_space<hbm>> -> memref<1x25x80xi32, #tpu.memory_space<hbm>>
      %dma_start3A_77 = tpu.memref_squeeze %dma_start3A_76 : memref<1x25x80xi32, #tpu.memory_space<hbm>> -> memref<25x80xi32, #tpu.memory_space<hbm>>
      %dma_start3A_78 = arith.constant 0 : i32
      %dma_start3A_79 = arith.constant 0 : i32
      %dma_start3A_80 = tpu.memref_slice %arg6[%run_scoped3A_48, %dma_start3A_78, %dma_start3A_79] : memref<2x25x80xi32, #tpu.memory_space<vmem>> -> memref<1x25x80xi32, #tpu.memory_space<vmem>>
      %dma_start3A_81 = tpu.memref_squeeze %dma_start3A_80 : memref<1x25x80xi32, #tpu.memory_space<vmem>> -> memref<25x80xi32, #tpu.memory_space<vmem>>
      %dma_start3A_82 = arith.constant 0 : i32
      %dma_start3A_83 = tpu.memref_slice %arg3[%run_scoped3A_47, %add3A_46, %dma_start3A_82] : memref<2x4000x80xi32, #tpu.memory_space<hbm>> -> memref<1x25x80xi32, #tpu.memory_space<hbm>>
      %dma_start3A_84 = tpu.memref_squeeze %dma_start3A_83 : memref<1x25x80xi32, #tpu.memory_space<hbm>> -> memref<25x80xi32, #tpu.memory_space<hbm>>
      tpu.enqueue_dma source(%dma_start3A_84 : memref<25x80xi32, #tpu.memory_space<hbm>>) target(%dma_start3A_81 : memref<25x80xi32, #tpu.memory_space<vmem>>) target_semaphore(%run_scoped3A_71 : memref<!tpu.dma_semaphore, #tpu.memory_space<semaphore_mem>>)
      %dma_wait3A_85 = arith.constant 0 : i32
      %dma_wait3A_86 = arith.constant 0 : i32
      %dma_wait3A_87 = tpu.memref_slice %arg6[%run_scoped3A_48, %dma_wait3A_85, %dma_wait3A_86] : memref<2x25x80xi32, #tpu.memory_space<vmem>> -> memref<1x25x80xi32, #tpu.memory_space<vmem>>
      %dma_wait3A_88 = tpu.memref_squeeze %dma_wait3A_87 : memref<1x25x80xi32, #tpu.memory_space<vmem>> -> memref<25x80xi32, #tpu.memory_space<vmem>>
      %dma_wait3A_89 = arith.constant 0 : i32
      %dma_wait3A_90 = tpu.memref_slice %arg3[%run_scoped3A_47, %add3A_46, %dma_wait3A_89] : memref<2x4000x80xi32, #tpu.memory_space<hbm>> -> memref<1x25x80xi32, #tpu.memory_space<hbm>>
      %dma_wait3A_91 = tpu.memref_squeeze %dma_wait3A_90 : memref<1x25x80xi32, #tpu.memory_space<hbm>> -> memref<25x80xi32, #tpu.memory_space<hbm>>
      %dma_wait3A_92 = arith.constant 0 : i32
      %dma_wait3A_93 = arith.constant 0 : i32
      %dma_wait3A_94 = tpu.memref_slice %arg6[%run_scoped3A_48, %dma_wait3A_92, %dma_wait3A_93] : memref<2x25x80xi32, #tpu.memory_space<vmem>> -> memref<1x25x80xi32, #tpu.memory_space<vmem>>
      %dma_wait3A_95 = tpu.memref_squeeze %dma_wait3A_94 : memref<1x25x80xi32, #tpu.memory_space<vmem>> -> memref<25x80xi32, #tpu.memory_space<vmem>>
      %dma_wait3A_96 = arith.constant 0 : i32
      %dma_wait3A_97 = tpu.memref_slice %arg3[%run_scoped3A_47, %add3A_46, %dma_wait3A_96] : memref<2x4000x80xi32, #tpu.memory_space<hbm>> -> memref<1x25x80xi32, #tpu.memory_space<hbm>>
      %dma_wait3A_98 = tpu.memref_squeeze %dma_wait3A_97 : memref<1x25x80xi32, #tpu.memory_space<hbm>> -> memref<25x80xi32, #tpu.memory_space<hbm>>
      tpu.wait_dma2 semaphore(%run_scoped3A_71 : memref<!tpu.dma_semaphore, #tpu.memory_space<semaphore_mem>>) src(%dma_wait3A_98 : memref<25x80xi32, #tpu.memory_space<hbm>>) dst(%dma_wait3A_95 : memref<25x80xi32, #tpu.memory_space<vmem>>)
      tpu.yield
    }) : () -> ()
    %barrier3A = arith.constant 0 : index
    tpu.barrier barrier_id(%barrier3A)
    %scan3A_49 = arith.constant 0 : i32
    %scan3A_50 = arith.constant 0 : i32
    %scan3A_51 = arith.constant 128 : i32
    %scan3A_52 = arith.addi %scan3A_50, %scan3A_51 : i32
    %scan3A_53 = arith.constant 1 : i32
    scf.for %scan3A_71 = %scan3A_50 to %scan3A_52 step %scan3A_53  : i32 {
      %jit3A = arith.constant 4 : i32
      %eq3A = arith.constant 0 : i32
      %eq3A_72 = arith.cmpi eq, %jit3A, %eq3A : i32
      %jit3A_73 = arith.constant 1 : i32
      %select_n3A = arith.select %eq3A_72, %jit3A_73, %jit3A : i32
      %rem3A = arith.remsi %scan3A_71, %select_n3A : i32
      %ne3A = arith.constant 0 : i32
      %ne3A_74 = arith.cmpi ne, %rem3A, %ne3A : i32
      %lt3A = arith.constant 0 : i32
      %lt3A_75 = arith.cmpi slt, %rem3A, %lt3A : i32
      %lt3A_76 = arith.constant 0 : i32
      %lt3A_77 = arith.cmpi slt, %select_n3A, %lt3A_76 : i32
      %ne3A_78 = arith.xori %lt3A_75, %lt3A_77 : i1
      %and3A = arith.andi %ne3A_78, %ne3A_74 : i1
      %add3A_79 = arith.addi %rem3A, %select_n3A : i32
      %select_n3A_80 = arith.select %and3A, %add3A_79, %rem3A : i32
      %jit3A_81 = arith.constant 25 : i32
      %eq3A_82 = arith.constant 0 : i32
      %eq3A_83 = arith.cmpi eq, %jit3A_81, %eq3A_82 : i32
      %jit3A_84 = arith.constant 1 : i32
      %select_n3A_85 = arith.select %eq3A_83, %jit3A_84, %jit3A_81 : i32
      %rem3A_86 = arith.remsi %scan3A_71, %select_n3A_85 : i32
      %ne3A_87 = arith.constant 0 : i32
      %ne3A_88 = arith.cmpi ne, %rem3A_86, %ne3A_87 : i32
      %lt3A_89 = arith.constant 0 : i32
      %lt3A_90 = arith.cmpi slt, %rem3A_86, %lt3A_89 : i32
      %lt3A_91 = arith.constant 0 : i32
      %lt3A_92 = arith.cmpi slt, %select_n3A_85, %lt3A_91 : i32
      %ne3A_93 = arith.xori %lt3A_90, %lt3A_92 : i1
      %and3A_94 = arith.andi %ne3A_93, %ne3A_88 : i1
      %add3A_95 = arith.addi %rem3A_86, %select_n3A_85 : i32
      %select_n3A_96 = arith.select %and3A_94, %add3A_95, %rem3A_86 : i32
      %eq3A_97 = arith.constant 5 : i32
      %eq3A_98 = arith.cmpi eq, %select_n3A_96, %eq3A_97 : i32
      %ge3A = arith.constant 30 : i32
      %ge3A_99 = arith.cmpi sge, %scan3A_71, %ge3A : i32
      %and3A_100 = arith.andi %eq3A_98, %ge3A_99 : i1
      %le3A = arith.constant 80 : i32
      %le3A_101 = arith.cmpi sle, %scan3A_71, %le3A : i32
      %and3A_102 = arith.andi %and3A_100, %le3A_101 : i1
      %convert_element_type3A = arith.extui %and3A_102 : i1 to i32
      %cond3A = arith.constant 0 : i32
      %cond3A_103 = arith.cmpi ne, %convert_element_type3A, %cond3A : i32
      scf.if %cond3A_103 {
        %jit3A_119 = arith.constant 25 : i32
        %div3A = arith.divsi %scan3A_71, %jit3A_119 : i32
        %sign3A = arith.constant 0 : i32
        %sign3A_120 = arith.cmpi sgt, %scan3A_71, %sign3A : i32
        %sign3A_121 = arith.extui %sign3A_120 : i1 to i32
        %sign3A_122 = arith.constant 0 : i32
        %sign3A_123 = arith.cmpi slt, %scan3A_71, %sign3A_122 : i32
        %sign3A_124 = arith.extui %sign3A_123 : i1 to i32
        %sign3A_125 = arith.subi %sign3A_121, %sign3A_124 : i32
        %sign3A_126 = arith.constant 0 : i32
        %sign3A_127 = arith.cmpi sgt, %jit3A_119, %sign3A_126 : i32
        %sign3A_128 = arith.extui %sign3A_127 : i1 to i32
        %sign3A_129 = arith.constant 0 : i32
        %sign3A_130 = arith.cmpi slt, %jit3A_119, %sign3A_129 : i32
        %sign3A_131 = arith.extui %sign3A_130 : i1 to i32
        %sign3A_132 = arith.subi %sign3A_128, %sign3A_131 : i32
        %ne3A_133 = arith.cmpi ne, %sign3A_125, %sign3A_132 : i32
        %rem3A_134 = arith.remsi %scan3A_71, %jit3A_119 : i32
        %ne3A_135 = arith.constant 0 : i32
        %ne3A_136 = arith.cmpi ne, %rem3A_134, %ne3A_135 : i32
        %and3A_137 = arith.andi %ne3A_133, %ne3A_136 : i1
        %sub3A = arith.constant 1 : i32
        %sub3A_138 = arith.subi %div3A, %sub3A : i32
        %select_n3A_139 = arith.select %and3A_137, %sub3A_138, %div3A : i32
        %add3A_140 = arith.constant 1 : i32
        %add3A_141 = arith.addi %select_n3A_139, %add3A_140 : i32
        %jit3A_142 = arith.constant 2 : i32
        %eq3A_143 = arith.constant 0 : i32
        %eq3A_144 = arith.cmpi eq, %jit3A_142, %eq3A_143 : i32
        %jit3A_145 = arith.constant 1 : i32
        %select_n3A_146 = arith.select %eq3A_144, %jit3A_145, %jit3A_142 : i32
        %rem3A_147 = arith.remsi %add3A_141, %select_n3A_146 : i32
        %ne3A_148 = arith.constant 0 : i32
        %ne3A_149 = arith.cmpi ne, %rem3A_147, %ne3A_148 : i32
        %lt3A_150 = arith.constant 0 : i32
        %lt3A_151 = arith.cmpi slt, %rem3A_147, %lt3A_150 : i32
        %lt3A_152 = arith.constant 0 : i32
        %lt3A_153 = arith.cmpi slt, %select_n3A_146, %lt3A_152 : i32
        %ne3A_154 = arith.xori %lt3A_151, %lt3A_153 : i1
        %and3A_155 = arith.andi %ne3A_154, %ne3A_149 : i1
        %add3A_156 = arith.addi %rem3A_147, %select_n3A_146 : i32
        %select_n3A_157 = arith.select %and3A_155, %add3A_156, %rem3A_147 : i32
        %mul3A_158 = arith.constant 25 : i32
        %mul3A_159 = arith.muli %add3A_141, %mul3A_158 : i32
        %add3A_160 = arith.addi %mul3A_4, %mul3A_159 : i32
        %run_scoped3A_161 = arith.constant 0 : i32
        "tpu.region"() ({
          %run_scoped3A_166 = tpu.sem_alloc : memref<!tpu.dma_semaphore, #tpu.memory_space<semaphore_mem>>
          %dma_start3A = arith.constant 0 : i32
          %dma_start3A_167 = arith.constant 0 : i32
          %dma_start3A_168 = tpu.memref_slice %arg5[%select_n3A_157, %dma_start3A, %dma_start3A_167] : memref<2x25x80xi32, #tpu.memory_space<vmem>> -> memref<1x25x80xi32, #tpu.memory_space<vmem>>
          %dma_start3A_169 = tpu.memref_squeeze %dma_start3A_168 : memref<1x25x80xi32, #tpu.memory_space<vmem>> -> memref<25x80xi32, #tpu.memory_space<vmem>>
          %dma_start3A_170 = arith.constant 0 : i32
          %dma_start3A_171 = tpu.memref_slice %arg3[%run_scoped3A_161, %add3A_160, %dma_start3A_170] : memref<2x4000x80xi32, #tpu.memory_space<hbm>> -> memref<1x25x80xi32, #tpu.memory_space<hbm>>
          %dma_start3A_172 = tpu.memref_squeeze %dma_start3A_171 : memref<1x25x80xi32, #tpu.memory_space<hbm>> -> memref<25x80xi32, #tpu.memory_space<hbm>>
          %dma_start3A_173 = arith.constant 0 : i32
          %dma_start3A_174 = arith.constant 0 : i32
          %dma_start3A_175 = tpu.memref_slice %arg5[%select_n3A_157, %dma_start3A_173, %dma_start3A_174] : memref<2x25x80xi32, #tpu.memory_space<vmem>> -> memref<1x25x80xi32, #tpu.memory_space<vmem>>
          %dma_start3A_176 = tpu.memref_squeeze %dma_start3A_175 : memref<1x25x80xi32, #tpu.memory_space<vmem>> -> memref<25x80xi32, #tpu.memory_space<vmem>>
          %dma_start3A_177 = arith.constant 0 : i32
          %dma_start3A_178 = tpu.memref_slice %arg3[%run_scoped3A_161, %add3A_160, %dma_start3A_177] : memref<2x4000x80xi32, #tpu.memory_space<hbm>> -> memref<1x25x80xi32, #tpu.memory_space<hbm>>
          %dma_start3A_179 = tpu.memref_squeeze %dma_start3A_178 : memref<1x25x80xi32, #tpu.memory_space<hbm>> -> memref<25x80xi32, #tpu.memory_space<hbm>>
          tpu.enqueue_dma source(%dma_start3A_179 : memref<25x80xi32, #tpu.memory_space<hbm>>) target(%dma_start3A_176 : memref<25x80xi32, #tpu.memory_space<vmem>>) target_semaphore(%run_scoped3A_166 : memref<!tpu.dma_semaphore, #tpu.memory_space<semaphore_mem>>)
          %dma_wait3A_180 = arith.constant 0 : i32
          %dma_wait3A_181 = arith.constant 0 : i32
          %dma_wait3A_182 = tpu.memref_slice %arg5[%select_n3A_157, %dma_wait3A_180, %dma_wait3A_181] : memref<2x25x80xi32, #tpu.memory_space<vmem>> -> memref<1x25x80xi32, #tpu.memory_space<vmem>>
          %dma_wait3A_183 = tpu.memref_squeeze %dma_wait3A_182 : memref<1x25x80xi32, #tpu.memory_space<vmem>> -> memref<25x80xi32, #tpu.memory_space<vmem>>
          %dma_wait3A_184 = arith.constant 0 : i32
          %dma_wait3A_185 = tpu.memref_slice %arg3[%run_scoped3A_161, %add3A_160, %dma_wait3A_184] : memref<2x4000x80xi32, #tpu.memory_space<hbm>> -> memref<1x25x80xi32, #tpu.memory_space<hbm>>
          %dma_wait3A_186 = tpu.memref_squeeze %dma_wait3A_185 : memref<1x25x80xi32, #tpu.memory_space<hbm>> -> memref<25x80xi32, #tpu.memory_space<hbm>>
          %dma_wait3A_187 = arith.constant 0 : i32
          %dma_wait3A_188 = arith.constant 0 : i32
          %dma_wait3A_189 = tpu.memref_slice %arg5[%select_n3A_157, %dma_wait3A_187, %dma_wait3A_188] : memref<2x25x80xi32, #tpu.memory_space<vmem>> -> memref<1x25x80xi32, #tpu.memory_space<vmem>>
          %dma_wait3A_190 = tpu.memref_squeeze %dma_wait3A_189 : memref<1x25x80xi32, #tpu.memory_space<vmem>> -> memref<25x80xi32, #tpu.memory_space<vmem>>
          %dma_wait3A_191 = arith.constant 0 : i32
          %dma_wait3A_192 = tpu.memref_slice %arg3[%run_scoped3A_161, %add3A_160, %dma_wait3A_191] : memref<2x4000x80xi32, #tpu.memory_space<hbm>> -> memref<1x25x80xi32, #tpu.memory_space<hbm>>
          %dma_wait3A_193 = tpu.memref_squeeze %dma_wait3A_192 : memref<1x25x80xi32, #tpu.memory_space<hbm>> -> memref<25x80xi32, #tpu.memory_space<hbm>>
          tpu.wait_dma2 semaphore(%run_scoped3A_166 : memref<!tpu.dma_semaphore, #tpu.memory_space<semaphore_mem>>) src(%dma_wait3A_193 : memref<25x80xi32, #tpu.memory_space<hbm>>) dst(%dma_wait3A_190 : memref<25x80xi32, #tpu.memory_space<vmem>>)
          tpu.yield
        }) : () -> ()
        %mul3A_162 = arith.constant 25 : i32
        %mul3A_163 = arith.muli %add3A_141, %mul3A_162 : i32
        %add3A_164 = arith.addi %mul3A_4, %mul3A_163 : i32
        %run_scoped3A_165 = arith.constant 1 : i32
        "tpu.region"() ({
          %run_scoped3A_166 = tpu.sem_alloc : memref<!tpu.dma_semaphore, #tpu.memory_space<semaphore_mem>>
          %dma_start3A = arith.constant 0 : i32
          %dma_start3A_167 = arith.constant 0 : i32
          %dma_start3A_168 = tpu.memref_slice %arg6[%select_n3A_157, %dma_start3A, %dma_start3A_167] : memref<2x25x80xi32, #tpu.memory_space<vmem>> -> memref<1x25x80xi32, #tpu.memory_space<vmem>>
          %dma_start3A_169 = tpu.memref_squeeze %dma_start3A_168 : memref<1x25x80xi32, #tpu.memory_space<vmem>> -> memref<25x80xi32, #tpu.memory_space<vmem>>
          %dma_start3A_170 = arith.constant 0 : i32
          %dma_start3A_171 = tpu.memref_slice %arg3[%run_scoped3A_165, %add3A_164, %dma_start3A_170] : memref<2x4000x80xi32, #tpu.memory_space<hbm>> -> memref<1x25x80xi32, #tpu.memory_space<hbm>>
          %dma_start3A_172 = tpu.memref_squeeze %dma_start3A_171 : memref<1x25x80xi32, #tpu.memory_space<hbm>> -> memref<25x80xi32, #tpu.memory_space<hbm>>
          %dma_start3A_173 = arith.constant 0 : i32
          %dma_start3A_174 = arith.constant 0 : i32
          %dma_start3A_175 = tpu.memref_slice %arg6[%select_n3A_157, %dma_start3A_173, %dma_start3A_174] : memref<2x25x80xi32, #tpu.memory_space<vmem>> -> memref<1x25x80xi32, #tpu.memory_space<vmem>>
          %dma_start3A_176 = tpu.memref_squeeze %dma_start3A_175 : memref<1x25x80xi32, #tpu.memory_space<vmem>> -> memref<25x80xi32, #tpu.memory_space<vmem>>
          %dma_start3A_177 = arith.constant 0 : i32
          %dma_start3A_178 = tpu.memref_slice %arg3[%run_scoped3A_165, %add3A_164, %dma_start3A_177] : memref<2x4000x80xi32, #tpu.memory_space<hbm>> -> memref<1x25x80xi32, #tpu.memory_space<hbm>>
          %dma_start3A_179 = tpu.memref_squeeze %dma_start3A_178 : memref<1x25x80xi32, #tpu.memory_space<hbm>> -> memref<25x80xi32, #tpu.memory_space<hbm>>
          tpu.enqueue_dma source(%dma_start3A_179 : memref<25x80xi32, #tpu.memory_space<hbm>>) target(%dma_start3A_176 : memref<25x80xi32, #tpu.memory_space<vmem>>) target_semaphore(%run_scoped3A_166 : memref<!tpu.dma_semaphore, #tpu.memory_space<semaphore_mem>>)
          %dma_wait3A_180 = arith.constant 0 : i32
          %dma_wait3A_181 = arith.constant 0 : i32
          %dma_wait3A_182 = tpu.memref_slice %arg6[%select_n3A_157, %dma_wait3A_180, %dma_wait3A_181] : memref<2x25x80xi32, #tpu.memory_space<vmem>> -> memref<1x25x80xi32, #tpu.memory_space<vmem>>
          %dma_wait3A_183 = tpu.memref_squeeze %dma_wait3A_182 : memref<1x25x80xi32, #tpu.memory_space<vmem>> -> memref<25x80xi32, #tpu.memory_space<vmem>>
          %dma_wait3A_184 = arith.constant 0 : i32
          %dma_wait3A_185 = tpu.memref_slice %arg3[%run_scoped3A_165, %add3A_164, %dma_wait3A_184] : memref<2x4000x80xi32, #tpu.memory_space<hbm>> -> memref<1x25x80xi32, #tpu.memory_space<hbm>>
          %dma_wait3A_186 = tpu.memref_squeeze %dma_wait3A_185 : memref<1x25x80xi32, #tpu.memory_space<hbm>> -> memref<25x80xi32, #tpu.memory_space<hbm>>
          %dma_wait3A_187 = arith.constant 0 : i32
          %dma_wait3A_188 = arith.constant 0 : i32
          %dma_wait3A_189 = tpu.memref_slice %arg6[%select_n3A_157, %dma_wait3A_187, %dma_wait3A_188] : memref<2x25x80xi32, #tpu.memory_space<vmem>> -> memref<1x25x80xi32, #tpu.memory_space<vmem>>
          %dma_wait3A_190 = tpu.memref_squeeze %dma_wait3A_189 : memref<1x25x80xi32, #tpu.memory_space<vmem>> -> memref<25x80xi32, #tpu.memory_space<vmem>>
          %dma_wait3A_191 = arith.constant 0 : i32
          %dma_wait3A_192 = tpu.memref_slice %arg3[%run_scoped3A_165, %add3A_164, %dma_wait3A_191] : memref<2x4000x80xi32, #tpu.memory_space<hbm>> -> memref<1x25x80xi32, #tpu.memory_space<hbm>>
          %dma_wait3A_193 = tpu.memref_squeeze %dma_wait3A_192 : memref<1x25x80xi32, #tpu.memory_space<hbm>> -> memref<25x80xi32, #tpu.memory_space<hbm>>
          tpu.wait_dma2 semaphore(%run_scoped3A_166 : memref<!tpu.dma_semaphore, #tpu.memory_space<semaphore_mem>>) src(%dma_wait3A_193 : memref<25x80xi32, #tpu.memory_space<hbm>>) dst(%dma_wait3A_190 : memref<25x80xi32, #tpu.memory_space<vmem>>)
          tpu.yield
        }) : () -> ()
      } else {
      }
      %ge3A_104 = arith.constant 4 : i32
      %ge3A_105 = arith.cmpi sge, %scan3A_71, %ge3A_104 : i32
      %convert_element_type3A_106 = arith.extui %ge3A_105 : i1 to i32
      %cond3A_107 = arith.constant 0 : i32
      %cond3A_108 = arith.cmpi ne, %convert_element_type3A_106, %cond3A_107 : i32
      scf.if %cond3A_108 {
        %sub3A = arith.constant 4 : i32
        %sub3A_119 = arith.subi %scan3A_71, %sub3A : i32
        %jit3A_120 = arith.constant 25 : i32
        %div3A = arith.divsi %sub3A_119, %jit3A_120 : i32
        %sign3A = arith.constant 0 : i32
        %sign3A_121 = arith.cmpi sgt, %sub3A_119, %sign3A : i32
        %sign3A_122 = arith.extui %sign3A_121 : i1 to i32
        %sign3A_123 = arith.constant 0 : i32
        %sign3A_124 = arith.cmpi slt, %sub3A_119, %sign3A_123 : i32
        %sign3A_125 = arith.extui %sign3A_124 : i1 to i32
        %sign3A_126 = arith.subi %sign3A_122, %sign3A_125 : i32
        %sign3A_127 = arith.constant 0 : i32
        %sign3A_128 = arith.cmpi sgt, %jit3A_120, %sign3A_127 : i32
        %sign3A_129 = arith.extui %sign3A_128 : i1 to i32
        %sign3A_130 = arith.constant 0 : i32
        %sign3A_131 = arith.cmpi slt, %jit3A_120, %sign3A_130 : i32
        %sign3A_132 = arith.extui %sign3A_131 : i1 to i32
        %sign3A_133 = arith.subi %sign3A_129, %sign3A_132 : i32
        %ne3A_134 = arith.cmpi ne, %sign3A_126, %sign3A_133 : i32
        %rem3A_135 = arith.remsi %sub3A_119, %jit3A_120 : i32
        %ne3A_136 = arith.constant 0 : i32
        %ne3A_137 = arith.cmpi ne, %rem3A_135, %ne3A_136 : i32
        %and3A_138 = arith.andi %ne3A_134, %ne3A_137 : i1
        %sub3A_139 = arith.constant 1 : i32
        %sub3A_140 = arith.subi %div3A, %sub3A_139 : i32
        %select_n3A_141 = arith.select %and3A_138, %sub3A_140, %div3A : i32
        %jit3A_142 = arith.constant 2 : i32
        %eq3A_143 = arith.constant 0 : i32
        %eq3A_144 = arith.cmpi eq, %jit3A_142, %eq3A_143 : i32
        %jit3A_145 = arith.constant 1 : i32
        %select_n3A_146 = arith.select %eq3A_144, %jit3A_145, %jit3A_142 : i32
        %rem3A_147 = arith.remsi %select_n3A_141, %select_n3A_146 : i32
        %ne3A_148 = arith.constant 0 : i32
        %ne3A_149 = arith.cmpi ne, %rem3A_147, %ne3A_148 : i32
        %lt3A_150 = arith.constant 0 : i32
        %lt3A_151 = arith.cmpi slt, %rem3A_147, %lt3A_150 : i32
        %lt3A_152 = arith.constant 0 : i32
        %lt3A_153 = arith.cmpi slt, %select_n3A_146, %lt3A_152 : i32
        %ne3A_154 = arith.xori %lt3A_151, %lt3A_153 : i1
        %and3A_155 = arith.andi %ne3A_154, %ne3A_149 : i1
        %add3A_156 = arith.addi %rem3A_147, %select_n3A_146 : i32
        %select_n3A_157 = arith.select %and3A_155, %add3A_156, %rem3A_147 : i32
        %jit3A_158 = arith.constant 25 : i32
        %eq3A_159 = arith.constant 0 : i32
        %eq3A_160 = arith.cmpi eq, %jit3A_158, %eq3A_159 : i32
        %jit3A_161 = arith.constant 1 : i32
        %select_n3A_162 = arith.select %eq3A_160, %jit3A_161, %jit3A_158 : i32
        %rem3A_163 = arith.remsi %sub3A_119, %select_n3A_162 : i32
        %ne3A_164 = arith.constant 0 : i32
        %ne3A_165 = arith.cmpi ne, %rem3A_163, %ne3A_164 : i32
        %lt3A_166 = arith.constant 0 : i32
        %lt3A_167 = arith.cmpi slt, %rem3A_163, %lt3A_166 : i32
        %lt3A_168 = arith.constant 0 : i32
        %lt3A_169 = arith.cmpi slt, %select_n3A_162, %lt3A_168 : i32
        %ne3A_170 = arith.xori %lt3A_167, %lt3A_169 : i1
        %and3A_171 = arith.andi %ne3A_170, %ne3A_165 : i1
        %add3A_172 = arith.addi %rem3A_163, %select_n3A_162 : i32
        %select_n3A_173 = arith.select %and3A_171, %add3A_172, %rem3A_163 : i32
        %dma_wait3A_174 = arith.constant 0 : i32
        %dma_wait3A_175 = arith.constant 0 : i32
        %dma_wait3A_176 = tpu.memref_slice %arg7[%select_n3A_80, %dma_wait3A_174, %dma_wait3A_175] : memref<4x80x128xf32, #tpu.memory_space<vmem>> -> memref<1x80x128xf32, #tpu.memory_space<vmem>>
        %dma_wait3A_177 = tpu.memref_squeeze %dma_wait3A_176 : memref<1x80x128xf32, #tpu.memory_space<vmem>> -> memref<80x128xf32, #tpu.memory_space<vmem>>
        %dma_wait3A_178 = arith.constant 0 : i32
        %dma_wait3A_179 = tpu.memref_slice %arg6[%select_n3A_157, %select_n3A_173, %dma_wait3A_178] : memref<2x25x80xi32, #tpu.memory_space<vmem>> -> memref<1x1x80xi32, #tpu.memory_space<vmem>>
        %dma_wait3A_180 = tpu.memref_squeeze %dma_wait3A_179 : memref<1x1x80xi32, #tpu.memory_space<vmem>> -> memref<80xi32, #tpu.memory_space<vmem>>
        %dma_wait3A_181 = arith.constant 0 : i32
        %dma_wait3A_182 = arith.constant 0 : i32
        %dma_wait3A_183 = tpu.memref_slice %arg8[%dma_wait3A_181, %dma_wait3A_182] : memref<10112x128xf32, #tpu.memory_space<vmem_shared>> -> memref<10112x128xf32, #tpu.memory_space<vmem_shared>>
        %dma_wait3A_184 = tpu.memref_slice %arg10[%select_n3A_80] : memref<4x!tpu.dma_semaphore, #tpu.memory_space<semaphore_mem>> -> memref<1x!tpu.dma_semaphore, #tpu.memory_space<semaphore_mem>>
        %dma_wait3A_185 = tpu.memref_squeeze %dma_wait3A_184 : memref<1x!tpu.dma_semaphore, #tpu.memory_space<semaphore_mem>> -> memref<!tpu.dma_semaphore, #tpu.memory_space<semaphore_mem>>
        tpu.wait_indirect_dma semaphore(%dma_wait3A_185 : memref<!tpu.dma_semaphore, #tpu.memory_space<semaphore_mem>>) src(%dma_wait3A_177 : memref<80x128xf32, #tpu.memory_space<vmem>>) dst(%dma_wait3A_183 : memref<10112x128xf32, #tpu.memory_space<vmem_shared>>)
      } else {
      }
      %lt3A_109 = arith.constant 125 : i32
      %lt3A_110 = arith.cmpi slt, %scan3A_71, %lt3A_109 : i32
      %convert_element_type3A_111 = arith.extui %lt3A_110 : i1 to i32
      %cond3A_112 = arith.constant 0 : i32
      %cond3A_113 = arith.cmpi ne, %convert_element_type3A_111, %cond3A_112 : i32
      scf.if %cond3A_113 {
        %jit3A_119 = arith.constant 25 : i32
        %div3A = arith.divsi %scan3A_71, %jit3A_119 : i32
        %sign3A = arith.constant 0 : i32
        %sign3A_120 = arith.cmpi sgt, %scan3A_71, %sign3A : i32
        %sign3A_121 = arith.extui %sign3A_120 : i1 to i32
        %sign3A_122 = arith.constant 0 : i32
        %sign3A_123 = arith.cmpi slt, %scan3A_71, %sign3A_122 : i32
        %sign3A_124 = arith.extui %sign3A_123 : i1 to i32
        %sign3A_125 = arith.subi %sign3A_121, %sign3A_124 : i32
        %sign3A_126 = arith.constant 0 : i32
        %sign3A_127 = arith.cmpi sgt, %jit3A_119, %sign3A_126 : i32
        %sign3A_128 = arith.extui %sign3A_127 : i1 to i32
        %sign3A_129 = arith.constant 0 : i32
        %sign3A_130 = arith.cmpi slt, %jit3A_119, %sign3A_129 : i32
        %sign3A_131 = arith.extui %sign3A_130 : i1 to i32
        %sign3A_132 = arith.subi %sign3A_128, %sign3A_131 : i32
        %ne3A_133 = arith.cmpi ne, %sign3A_125, %sign3A_132 : i32
        %rem3A_134 = arith.remsi %scan3A_71, %jit3A_119 : i32
        %ne3A_135 = arith.constant 0 : i32
        %ne3A_136 = arith.cmpi ne, %rem3A_134, %ne3A_135 : i32
        %and3A_137 = arith.andi %ne3A_133, %ne3A_136 : i1
        %sub3A = arith.constant 1 : i32
        %sub3A_138 = arith.subi %div3A, %sub3A : i32
        %select_n3A_139 = arith.select %and3A_137, %sub3A_138, %div3A : i32
        %jit3A_140 = arith.constant 2 : i32
        %eq3A_141 = arith.constant 0 : i32
        %eq3A_142 = arith.cmpi eq, %jit3A_140, %eq3A_141 : i32
        %jit3A_143 = arith.constant 1 : i32
        %select_n3A_144 = arith.select %eq3A_142, %jit3A_143, %jit3A_140 : i32
        %rem3A_145 = arith.remsi %select_n3A_139, %select_n3A_144 : i32
        %ne3A_146 = arith.constant 0 : i32
        %ne3A_147 = arith.cmpi ne, %rem3A_145, %ne3A_146 : i32
        %lt3A_148 = arith.constant 0 : i32
        %lt3A_149 = arith.cmpi slt, %rem3A_145, %lt3A_148 : i32
        %lt3A_150 = arith.constant 0 : i32
        %lt3A_151 = arith.cmpi slt, %select_n3A_144, %lt3A_150 : i32
        %ne3A_152 = arith.xori %lt3A_149, %lt3A_151 : i1
        %and3A_153 = arith.andi %ne3A_152, %ne3A_147 : i1
        %add3A_154 = arith.addi %rem3A_145, %select_n3A_144 : i32
        %select_n3A_155 = arith.select %and3A_153, %add3A_154, %rem3A_145 : i32
        %jit3A_156 = arith.constant 25 : i32
        %eq3A_157 = arith.constant 0 : i32
        %eq3A_158 = arith.cmpi eq, %jit3A_156, %eq3A_157 : i32
        %jit3A_159 = arith.constant 1 : i32
        %select_n3A_160 = arith.select %eq3A_158, %jit3A_159, %jit3A_156 : i32
        %rem3A_161 = arith.remsi %scan3A_71, %select_n3A_160 : i32
        %ne3A_162 = arith.constant 0 : i32
        %ne3A_163 = arith.cmpi ne, %rem3A_161, %ne3A_162 : i32
        %lt3A_164 = arith.constant 0 : i32
        %lt3A_165 = arith.cmpi slt, %rem3A_161, %lt3A_164 : i32
        %lt3A_166 = arith.constant 0 : i32
        %lt3A_167 = arith.cmpi slt, %select_n3A_160, %lt3A_166 : i32
        %ne3A_168 = arith.xori %lt3A_165, %lt3A_167 : i1
        %and3A_169 = arith.andi %ne3A_168, %ne3A_163 : i1
        %add3A_170 = arith.addi %rem3A_161, %select_n3A_160 : i32
        %select_n3A_171 = arith.select %and3A_169, %add3A_170, %rem3A_161 : i32
        %dma_start3A = arith.constant 0 : i32
        %dma_start3A_172 = arith.constant 0 : i32
        %dma_start3A_173 = tpu.memref_slice %arg7[%select_n3A_80, %dma_start3A, %dma_start3A_172] : memref<4x80x128xf32, #tpu.memory_space<vmem>> -> memref<1x80x128xf32, #tpu.memory_space<vmem>>
        %dma_start3A_174 = tpu.memref_squeeze %dma_start3A_173 : memref<1x80x128xf32, #tpu.memory_space<vmem>> -> memref<80x128xf32, #tpu.memory_space<vmem>>
        %dma_start3A_175 = arith.constant 0 : i32
        %dma_start3A_176 = tpu.memref_slice %arg5[%select_n3A_155, %select_n3A_171, %dma_start3A_175] : memref<2x25x80xi32, #tpu.memory_space<vmem>> -> memref<1x1x80xi32, #tpu.memory_space<vmem>>
        %dma_start3A_177 = tpu.memref_squeeze %dma_start3A_176 : memref<1x1x80xi32, #tpu.memory_space<vmem>> -> memref<80xi32, #tpu.memory_space<vmem>>
        %dma_start3A_178 = arith.constant 0 : i32
        %dma_start3A_179 = arith.constant 0 : i32
        %dma_start3A_180 = tpu.memref_slice %arg2[%dma_start3A_178, %dma_start3A_179] : memref<10112x128xf32, #tpu.memory_space<hbm>> -> memref<10112x128xf32, #tpu.memory_space<hbm>>
        %dma_start3A_181 = tpu.memref_slice %arg9[%select_n3A_80] : memref<4x!tpu.dma_semaphore, #tpu.memory_space<semaphore_mem>> -> memref<1x!tpu.dma_semaphore, #tpu.memory_space<semaphore_mem>>
        %dma_start3A_182 = tpu.memref_squeeze %dma_start3A_181 : memref<1x!tpu.dma_semaphore, #tpu.memory_space<semaphore_mem>> -> memref<!tpu.dma_semaphore, #tpu.memory_space<semaphore_mem>>
        tpu.enqueue_indirect_dma source(%dma_start3A_180 : memref<10112x128xf32, #tpu.memory_space<hbm>>) target(%dma_start3A_174 : memref<80x128xf32, #tpu.memory_space<vmem>>) offsets(%dma_start3A_177 : memref<80xi32, #tpu.memory_space<vmem>>) semaphore(%dma_start3A_182 : memref<!tpu.dma_semaphore, #tpu.memory_space<semaphore_mem>>)
      } else {
      }
      %ge3A_114 = arith.constant 3 : i32
      %ge3A_115 = arith.cmpi sge, %scan3A_71, %ge3A_114 : i32
      %convert_element_type3A_116 = arith.extui %ge3A_115 : i1 to i32
      %cond3A_117 = arith.constant 0 : i32
      %cond3A_118 = arith.cmpi ne, %convert_element_type3A_116, %cond3A_117 : i32
      scf.if %cond3A_118 {
        %sub3A = arith.constant 3 : i32
        %sub3A_119 = arith.subi %scan3A_71, %sub3A : i32
        %jit3A_120 = arith.constant 4 : i32
        %eq3A_121 = arith.constant 0 : i32
        %eq3A_122 = arith.cmpi eq, %jit3A_120, %eq3A_121 : i32
        %jit3A_123 = arith.constant 1 : i32
        %select_n3A_124 = arith.select %eq3A_122, %jit3A_123, %jit3A_120 : i32
        %rem3A_125 = arith.remsi %sub3A_119, %select_n3A_124 : i32
        %ne3A_126 = arith.constant 0 : i32
        %ne3A_127 = arith.cmpi ne, %rem3A_125, %ne3A_126 : i32
        %lt3A_128 = arith.constant 0 : i32
        %lt3A_129 = arith.cmpi slt, %rem3A_125, %lt3A_128 : i32
        %lt3A_130 = arith.constant 0 : i32
        %lt3A_131 = arith.cmpi slt, %select_n3A_124, %lt3A_130 : i32
        %ne3A_132 = arith.xori %lt3A_129, %lt3A_131 : i1
        %and3A_133 = arith.andi %ne3A_132, %ne3A_127 : i1
        %add3A_134 = arith.addi %rem3A_125, %select_n3A_124 : i32
        %select_n3A_135 = arith.select %and3A_133, %add3A_134, %rem3A_125 : i32
        %jit3A_136 = arith.constant 25 : i32
        %div3A = arith.divsi %sub3A_119, %jit3A_136 : i32
        %sign3A = arith.constant 0 : i32
        %sign3A_137 = arith.cmpi sgt, %sub3A_119, %sign3A : i32
        %sign3A_138 = arith.extui %sign3A_137 : i1 to i32
        %sign3A_139 = arith.constant 0 : i32
        %sign3A_140 = arith.cmpi slt, %sub3A_119, %sign3A_139 : i32
        %sign3A_141 = arith.extui %sign3A_140 : i1 to i32
        %sign3A_142 = arith.subi %sign3A_138, %sign3A_141 : i32
        %sign3A_143 = arith.constant 0 : i32
        %sign3A_144 = arith.cmpi sgt, %jit3A_136, %sign3A_143 : i32
        %sign3A_145 = arith.extui %sign3A_144 : i1 to i32
        %sign3A_146 = arith.constant 0 : i32
        %sign3A_147 = arith.cmpi slt, %jit3A_136, %sign3A_146 : i32
        %sign3A_148 = arith.extui %sign3A_147 : i1 to i32
        %sign3A_149 = arith.subi %sign3A_145, %sign3A_148 : i32
        %ne3A_150 = arith.cmpi ne, %sign3A_142, %sign3A_149 : i32
        %rem3A_151 = arith.remsi %sub3A_119, %jit3A_136 : i32
        %ne3A_152 = arith.constant 0 : i32
        %ne3A_153 = arith.cmpi ne, %rem3A_151, %ne3A_152 : i32
        %and3A_154 = arith.andi %ne3A_150, %ne3A_153 : i1
        %sub3A_155 = arith.constant 1 : i32
        %sub3A_156 = arith.subi %div3A, %sub3A_155 : i32
        %select_n3A_157 = arith.select %and3A_154, %sub3A_156, %div3A : i32
        %jit3A_158 = arith.constant 2 : i32
        %eq3A_159 = arith.constant 0 : i32
        %eq3A_160 = arith.cmpi eq, %jit3A_158, %eq3A_159 : i32
        %jit3A_161 = arith.constant 1 : i32
        %select_n3A_162 = arith.select %eq3A_160, %jit3A_161, %jit3A_158 : i32
        %rem3A_163 = arith.remsi %select_n3A_157, %select_n3A_162 : i32
        %ne3A_164 = arith.constant 0 : i32
        %ne3A_165 = arith.cmpi ne, %rem3A_163, %ne3A_164 : i32
        %lt3A_166 = arith.constant 0 : i32
        %lt3A_167 = arith.cmpi slt, %rem3A_163, %lt3A_166 : i32
        %lt3A_168 = arith.constant 0 : i32
        %lt3A_169 = arith.cmpi slt, %select_n3A_162, %lt3A_168 : i32
        %ne3A_170 = arith.xori %lt3A_167, %lt3A_169 : i1
        %and3A_171 = arith.andi %ne3A_170, %ne3A_165 : i1
        %add3A_172 = arith.addi %rem3A_163, %select_n3A_162 : i32
        %select_n3A_173 = arith.select %and3A_171, %add3A_172, %rem3A_163 : i32
        %jit3A_174 = arith.constant 25 : i32
        %eq3A_175 = arith.constant 0 : i32
        %eq3A_176 = arith.cmpi eq, %jit3A_174, %eq3A_175 : i32
        %jit3A_177 = arith.constant 1 : i32
        %select_n3A_178 = arith.select %eq3A_176, %jit3A_177, %jit3A_174 : i32
        %rem3A_179 = arith.remsi %sub3A_119, %select_n3A_178 : i32
        %ne3A_180 = arith.constant 0 : i32
        %ne3A_181 = arith.cmpi ne, %rem3A_179, %ne3A_180 : i32
        %lt3A_182 = arith.constant 0 : i32
        %lt3A_183 = arith.cmpi slt, %rem3A_179, %lt3A_182 : i32
        %lt3A_184 = arith.constant 0 : i32
        %lt3A_185 = arith.cmpi slt, %select_n3A_178, %lt3A_184 : i32
        %ne3A_186 = arith.xori %lt3A_183, %lt3A_185 : i1
        %and3A_187 = arith.andi %ne3A_186, %ne3A_181 : i1
        %add3A_188 = arith.addi %rem3A_179, %select_n3A_178 : i32
        %select_n3A_189 = arith.select %and3A_187, %add3A_188, %rem3A_179 : i32
        %dma_wait3A_190 = arith.constant 0 : i32
        %dma_wait3A_191 = arith.constant 0 : i32
        %dma_wait3A_192 = tpu.memref_slice %arg7[%select_n3A_135, %dma_wait3A_190, %dma_wait3A_191] : memref<4x80x128xf32, #tpu.memory_space<vmem>> -> memref<1x80x128xf32, #tpu.memory_space<vmem>>
        %dma_wait3A_193 = tpu.memref_squeeze %dma_wait3A_192 : memref<1x80x128xf32, #tpu.memory_space<vmem>> -> memref<80x128xf32, #tpu.memory_space<vmem>>
        %dma_wait3A_194 = arith.constant 0 : i32
        %dma_wait3A_195 = tpu.memref_slice %arg5[%select_n3A_173, %select_n3A_189, %dma_wait3A_194] : memref<2x25x80xi32, #tpu.memory_space<vmem>> -> memref<1x1x80xi32, #tpu.memory_space<vmem>>
        %dma_wait3A_196 = tpu.memref_squeeze %dma_wait3A_195 : memref<1x1x80xi32, #tpu.memory_space<vmem>> -> memref<80xi32, #tpu.memory_space<vmem>>
        %dma_wait3A_197 = arith.constant 0 : i32
        %dma_wait3A_198 = arith.constant 0 : i32
        %dma_wait3A_199 = tpu.memref_slice %arg2[%dma_wait3A_197, %dma_wait3A_198] : memref<10112x128xf32, #tpu.memory_space<hbm>> -> memref<10112x128xf32, #tpu.memory_space<hbm>>
        %dma_wait3A_200 = tpu.memref_slice %arg9[%select_n3A_135] : memref<4x!tpu.dma_semaphore, #tpu.memory_space<semaphore_mem>> -> memref<1x!tpu.dma_semaphore, #tpu.memory_space<semaphore_mem>>
        %dma_wait3A_201 = tpu.memref_squeeze %dma_wait3A_200 : memref<1x!tpu.dma_semaphore, #tpu.memory_space<semaphore_mem>> -> memref<!tpu.dma_semaphore, #tpu.memory_space<semaphore_mem>>
        tpu.wait_indirect_dma semaphore(%dma_wait3A_201 : memref<!tpu.dma_semaphore, #tpu.memory_space<semaphore_mem>>) src(%dma_wait3A_199 : memref<10112x128xf32, #tpu.memory_space<hbm>>) dst(%dma_wait3A_193 : memref<80x128xf32, #tpu.memory_space<vmem>>)
        %jit3A_202 = arith.constant 25 : i32
        %div3A_203 = arith.divsi %sub3A_119, %jit3A_202 : i32
        %sign3A_204 = arith.constant 0 : i32
        %sign3A_205 = arith.cmpi sgt, %sub3A_119, %sign3A_204 : i32
        %sign3A_206 = arith.extui %sign3A_205 : i1 to i32
        %sign3A_207 = arith.constant 0 : i32
        %sign3A_208 = arith.cmpi slt, %sub3A_119, %sign3A_207 : i32
        %sign3A_209 = arith.extui %sign3A_208 : i1 to i32
        %sign3A_210 = arith.subi %sign3A_206, %sign3A_209 : i32
        %sign3A_211 = arith.constant 0 : i32
        %sign3A_212 = arith.cmpi sgt, %jit3A_202, %sign3A_211 : i32
        %sign3A_213 = arith.extui %sign3A_212 : i1 to i32
        %sign3A_214 = arith.constant 0 : i32
        %sign3A_215 = arith.cmpi slt, %jit3A_202, %sign3A_214 : i32
        %sign3A_216 = arith.extui %sign3A_215 : i1 to i32
        %sign3A_217 = arith.subi %sign3A_213, %sign3A_216 : i32
        %ne3A_218 = arith.cmpi ne, %sign3A_210, %sign3A_217 : i32
        %rem3A_219 = arith.remsi %sub3A_119, %jit3A_202 : i32
        %ne3A_220 = arith.constant 0 : i32
        %ne3A_221 = arith.cmpi ne, %rem3A_219, %ne3A_220 : i32
        %and3A_222 = arith.andi %ne3A_218, %ne3A_221 : i1
        %sub3A_223 = arith.constant 1 : i32
        %sub3A_224 = arith.subi %div3A_203, %sub3A_223 : i32
        %select_n3A_225 = arith.select %and3A_222, %sub3A_224, %div3A_203 : i32
        %jit3A_226 = arith.constant 2 : i32
        %eq3A_227 = arith.constant 0 : i32
        %eq3A_228 = arith.cmpi eq, %jit3A_226, %eq3A_227 : i32
        %jit3A_229 = arith.constant 1 : i32
        %select_n3A_230 = arith.select %eq3A_228, %jit3A_229, %jit3A_226 : i32
        %rem3A_231 = arith.remsi %select_n3A_225, %select_n3A_230 : i32
        %ne3A_232 = arith.constant 0 : i32
        %ne3A_233 = arith.cmpi ne, %rem3A_231, %ne3A_232 : i32
        %lt3A_234 = arith.constant 0 : i32
        %lt3A_235 = arith.cmpi slt, %rem3A_231, %lt3A_234 : i32
        %lt3A_236 = arith.constant 0 : i32
        %lt3A_237 = arith.cmpi slt, %select_n3A_230, %lt3A_236 : i32
        %ne3A_238 = arith.xori %lt3A_235, %lt3A_237 : i1
        %and3A_239 = arith.andi %ne3A_238, %ne3A_233 : i1
        %add3A_240 = arith.addi %rem3A_231, %select_n3A_230 : i32
        %select_n3A_241 = arith.select %and3A_239, %add3A_240, %rem3A_231 : i32
        %jit3A_242 = arith.constant 25 : i32
        %eq3A_243 = arith.constant 0 : i32
        %eq3A_244 = arith.cmpi eq, %jit3A_242, %eq3A_243 : i32
        %jit3A_245 = arith.constant 1 : i32
        %select_n3A_246 = arith.select %eq3A_244, %jit3A_245, %jit3A_242 : i32
        %rem3A_247 = arith.remsi %sub3A_119, %select_n3A_246 : i32
        %ne3A_248 = arith.constant 0 : i32
        %ne3A_249 = arith.cmpi ne, %rem3A_247, %ne3A_248 : i32
        %lt3A_250 = arith.constant 0 : i32
        %lt3A_251 = arith.cmpi slt, %rem3A_247, %lt3A_250 : i32
        %lt3A_252 = arith.constant 0 : i32
        %lt3A_253 = arith.cmpi slt, %select_n3A_246, %lt3A_252 : i32
        %ne3A_254 = arith.xori %lt3A_251, %lt3A_253 : i1
        %and3A_255 = arith.andi %ne3A_254, %ne3A_249 : i1
        %add3A_256 = arith.addi %rem3A_247, %select_n3A_246 : i32
        %select_n3A_257 = arith.select %and3A_255, %add3A_256, %rem3A_247 : i32
        %dma_start3A = arith.constant 0 : i32
        %dma_start3A_258 = arith.constant 0 : i32
        %dma_start3A_259 = tpu.memref_slice %arg7[%select_n3A_135, %dma_start3A, %dma_start3A_258] : memref<4x80x128xf32, #tpu.memory_space<vmem>> -> memref<1x80x128xf32, #tpu.memory_space<vmem>>
        %dma_start3A_260 = tpu.memref_squeeze %dma_start3A_259 : memref<1x80x128xf32, #tpu.memory_space<vmem>> -> memref<80x128xf32, #tpu.memory_space<vmem>>
        %dma_start3A_261 = arith.constant 0 : i32
        %dma_start3A_262 = tpu.memref_slice %arg6[%select_n3A_241, %select_n3A_257, %dma_start3A_261] : memref<2x25x80xi32, #tpu.memory_space<vmem>> -> memref<1x1x80xi32, #tpu.memory_space<vmem>>
        %dma_start3A_263 = tpu.memref_squeeze %dma_start3A_262 : memref<1x1x80xi32, #tpu.memory_space<vmem>> -> memref<80xi32, #tpu.memory_space<vmem>>
        %dma_start3A_264 = arith.constant 0 : i32
        %dma_start3A_265 = arith.constant 0 : i32
        %dma_start3A_266 = tpu.memref_slice %arg8[%dma_start3A_264, %dma_start3A_265] : memref<10112x128xf32, #tpu.memory_space<vmem_shared>> -> memref<10112x128xf32, #tpu.memory_space<vmem_shared>>
        %dma_start3A_267 = tpu.memref_slice %arg10[%select_n3A_135] : memref<4x!tpu.dma_semaphore, #tpu.memory_space<semaphore_mem>> -> memref<1x!tpu.dma_semaphore, #tpu.memory_space<semaphore_mem>>
        %dma_start3A_268 = tpu.memref_squeeze %dma_start3A_267 : memref<1x!tpu.dma_semaphore, #tpu.memory_space<semaphore_mem>> -> memref<!tpu.dma_semaphore, #tpu.memory_space<semaphore_mem>>
        tpu.enqueue_indirect_dma source(%dma_start3A_260 : memref<80x128xf32, #tpu.memory_space<vmem>>) target(%dma_start3A_266 : memref<10112x128xf32, #tpu.memory_space<vmem_shared>>) offsets(%dma_start3A_263 : memref<80xi32, #tpu.memory_space<vmem>>) semaphore(%dma_start3A_268 : memref<!tpu.dma_semaphore, #tpu.memory_space<semaphore_mem>>) {add = true}
      } else {
      }
    }
    %scan3A_54 = arith.constant 128 : i32
    %dma_wait3A = arith.constant 0 : i32
    %dma_wait3A_55 = arith.constant 0 : i32
    %dma_wait3A_56 = arith.constant 24 : i32
    %dma_wait3A_57 = arith.constant 0 : i32
    %dma_wait3A_58 = arith.constant 0 : i32
    %dma_wait3A_59 = arith.constant 0 : i32
    %dma_wait3A_60 = tpu.memref_slice %arg7[%dma_wait3A, %dma_wait3A_58, %dma_wait3A_59] : memref<4x80x128xf32, #tpu.memory_space<vmem>> -> memref<1x80x128xf32, #tpu.memory_space<vmem>>
    %dma_wait3A_61 = tpu.memref_squeeze %dma_wait3A_60 : memref<1x80x128xf32, #tpu.memory_space<vmem>> -> memref<80x128xf32, #tpu.memory_space<vmem>>
    %dma_wait3A_62 = arith.constant 0 : i32
    %dma_wait3A_63 = tpu.memref_slice %arg6[%dma_wait3A_55, %dma_wait3A_56, %dma_wait3A_62] : memref<2x25x80xi32, #tpu.memory_space<vmem>> -> memref<1x1x80xi32, #tpu.memory_space<vmem>>
    %dma_wait3A_64 = tpu.memref_squeeze %dma_wait3A_63 : memref<1x1x80xi32, #tpu.memory_space<vmem>> -> memref<80xi32, #tpu.memory_space<vmem>>
    %dma_wait3A_65 = arith.constant 0 : i32
    %dma_wait3A_66 = arith.constant 0 : i32
    %dma_wait3A_67 = tpu.memref_slice %arg8[%dma_wait3A_65, %dma_wait3A_66] : memref<10112x128xf32, #tpu.memory_space<vmem_shared>> -> memref<10112x128xf32, #tpu.memory_space<vmem_shared>>
    %dma_wait3A_68 = tpu.memref_slice %arg10[%dma_wait3A_57] : memref<4x!tpu.dma_semaphore, #tpu.memory_space<semaphore_mem>> -> memref<1x!tpu.dma_semaphore, #tpu.memory_space<semaphore_mem>>
    %dma_wait3A_69 = tpu.memref_squeeze %dma_wait3A_68 : memref<1x!tpu.dma_semaphore, #tpu.memory_space<semaphore_mem>> -> memref<!tpu.dma_semaphore, #tpu.memory_space<semaphore_mem>>
    tpu.wait_indirect_dma semaphore(%dma_wait3A_69 : memref<!tpu.dma_semaphore, #tpu.memory_space<semaphore_mem>>) src(%dma_wait3A_61 : memref<80x128xf32, #tpu.memory_space<vmem>>) dst(%dma_wait3A_67 : memref<10112x128xf32, #tpu.memory_space<vmem_shared>>)
    %barrier3A_70 = arith.constant 0 : index
    tpu.barrier barrier_id(%barrier3A_70)
    "tpu.region"() ({
      %run_scoped3A_71 = tpu.sem_alloc : memref<!tpu.dma_semaphore, #tpu.memory_space<semaphore_mem>>
      %dma_start3A = arith.constant 0 : i32
      %dma_start3A_72 = tpu.memref_slice %arg4[%arg0, %mul3A_2, %dma_start3A] : memref<2x10112x128xf32, #tpu.memory_space<hbm>> -> memref<1x632x128xf32, #tpu.memory_space<hbm>>
      %dma_start3A_73 = tpu.memref_squeeze %dma_start3A_72 : memref<1x632x128xf32, #tpu.memory_space<hbm>> -> memref<632x128xf32, #tpu.memory_space<hbm>>
      %dma_start3A_74 = arith.constant 0 : i32
      %dma_start3A_75 = tpu.memref_slice %arg8[%mul3A_2, %dma_start3A_74] : memref<10112x128xf32, #tpu.memory_space<vmem_shared>> -> memref<632x128xf32, #tpu.memory_space<vmem_shared>>
      tpu.enqueue_dma source(%dma_start3A_75 : memref<632x128xf32, #tpu.memory_space<vmem_shared>>) target(%dma_start3A_73 : memref<632x128xf32, #tpu.memory_space<hbm>>) target_semaphore(%run_scoped3A_71 : memref<!tpu.dma_semaphore, #tpu.memory_space<semaphore_mem>>)
      %dma_wait3A_76 = arith.constant 0 : i32
      %dma_wait3A_77 = tpu.memref_slice %arg4[%arg0, %mul3A_2, %dma_wait3A_76] : memref<2x10112x128xf32, #tpu.memory_space<hbm>> -> memref<1x632x128xf32, #tpu.memory_space<hbm>>
      %dma_wait3A_78 = tpu.memref_squeeze %dma_wait3A_77 : memref<1x632x128xf32, #tpu.memory_space<hbm>> -> memref<632x128xf32, #tpu.memory_space<hbm>>
      %dma_wait3A_79 = arith.constant 0 : i32
      %dma_wait3A_80 = tpu.memref_slice %arg8[%mul3A_2, %dma_wait3A_79] : memref<10112x128xf32, #tpu.memory_space<vmem_shared>> -> memref<632x128xf32, #tpu.memory_space<vmem_shared>>
      tpu.wait_dma2 semaphore(%run_scoped3A_71 : memref<!tpu.dma_semaphore, #tpu.memory_space<semaphore_mem>>) src(%dma_wait3A_80 : memref<632x128xf32, #tpu.memory_space<vmem_shared>>) dst(%dma_wait3A_78 : memref<632x128xf32, #tpu.memory_space<hbm>>)
      tpu.yield
    }) : () -> ()
    return
  }
}

module attributes {stable_mosaic.version = 14 : i64} {
  func.func @_mm1_body(%arg0: i32, %arg1: memref<2000x128xf32, #tpu.memory_space<vmem>>, %arg2: memref<128x100xf32, #tpu.memory_space<vmem>>, %arg3: memref<2000x128xf32, #tpu.memory_space<vmem>>) attributes {dimension_semantics = [#tpu.dimension_semantics<arbitrary>], iteration_bounds = array<i64: 5>, scalar_prefetch = 0 : i64, scratch_operands = 0 : i64, tpu.core_type = #tpu.core_type<tc>, window_params = [{transform_indices = @transform_0, window_bounds = array<i64: 2000, 128>}, {pipeline_mode = #tpu.pipeline_mode<synchronous>, transform_indices = @transform_1, window_bounds = array<i64: 128, 100>}, {transform_indices = @transform_2, window_bounds = array<i64: 2000, 128>}]} {
    %get3A = arith.constant 0 : index
    %get3A_0 = arith.constant 0 : index
    %get3A_1 = vector.load %arg1[%get3A, %get3A_0] : memref<2000x128xf32, #tpu.memory_space<vmem>>, vector<2000x128xf32>
    %get3A_2 = arith.constant 0 : index
    %get3A_3 = arith.constant 0 : index
    %get3A_4 = vector.load %arg2[%get3A_2, %get3A_3] : memref<128x100xf32, #tpu.memory_space<vmem>>, vector<128x100xf32>
    %dot_general3A = arith.constant dense<0.000000e+00> : vector<2000x100xf32>
    %dot_general3A_5 = tpu.matmul %get3A_1, %get3A_4, %dot_general3A {dimension_numbers = #tpu.dot_dimension_numbers<[1], [0], [0], [1], [0, 0, 1, 1], [], []>, transpose_lhs_hint = false} : vector<2000x128xf32>, vector<128x100xf32>, vector<2000x100xf32> -> vector<2000x100xf32>
    %broadcast_in_dim3A = arith.constant 1.000000e+00 : f32
    %broadcast_in_dim3A_6 = vector.broadcast %broadcast_in_dim3A : f32 to vector<2000x1xf32>
    %broadcast_in_dim3A_7 = arith.constant 0.000000e+00 : f32
    %broadcast_in_dim3A_8 = vector.broadcast %broadcast_in_dim3A_7 : f32 to vector<2000x27xf32>
    %concatenate3A = tpu.concatenate %dot_general3A_5, %broadcast_in_dim3A_6, %broadcast_in_dim3A_8 in 1 : vector<2000x100xf32>, vector<2000x1xf32>, vector<2000x27xf32> -> vector<2000x128xf32>
    %swap3A = arith.constant 0 : index
    %swap3A_9 = arith.constant 0 : index
    %swap3A_10 = vector.load %arg3[%swap3A, %swap3A_9] : memref<2000x128xf32, #tpu.memory_space<vmem>>, vector<2000x128xf32>
    tpu.vector_store %arg3[%swap3A, %swap3A_9], %concatenate3A {strides = array<i32>} : memref<2000x128xf32, #tpu.memory_space<vmem>>, vector<2000x128xf32>,
    return
  }
  func.func @transform_0(%arg0: i32) -> (i32, i32) {
    %c0_i32 = arith.constant 0 : i32
    %c0_i32_0 = arith.constant 0 : i32
    return %arg0, %c0_i32 : i32, i32
  }
  func.func @transform_1(%arg0: i32) -> (i32, i32) {
    %c0_i32 = arith.constant 0 : i32
    %c0_i32_0 = arith.constant 0 : i32
    %c0_i32_1 = arith.constant 0 : i32
    return %c0_i32, %c0_i32_0 : i32, i32
  }
  func.func @transform_2(%arg0: i32) -> (i32, i32) {
    %c0_i32 = arith.constant 0 : i32
    %c0_i32_0 = arith.constant 0 : i32
    return %arg0, %c0_i32 : i32, i32
  }
}

module attributes {stable_mosaic.version = 14 : i64} {
  func.func @_mid_body(%arg0: i32, %arg1: memref<2x2000x128xf32, #tpu.memory_space<vmem>>, %arg2: memref<2000x128xf32, #tpu.memory_space<vmem>>, %arg3: memref<1x100xf32, #tpu.memory_space<vmem>>, %arg4: memref<100x20xf32, #tpu.memory_space<vmem>>, %arg5: memref<2000x32xf32, #tpu.memory_space<vmem>>) attributes {dimension_semantics = [#tpu.dimension_semantics<arbitrary>], iteration_bounds = array<i64: 5>, scalar_prefetch = 0 : i64, scratch_operands = 0 : i64, tpu.core_type = #tpu.core_type<tc>, window_params = [{transform_indices = @transform_0, window_bounds = array<i64: 2, 2000, 128>}, {transform_indices = @transform_1, window_bounds = array<i64: 2000, 128>}, {pipeline_mode = #tpu.pipeline_mode<synchronous>, transform_indices = @transform_2, window_bounds = array<i64: 1, 100>}, {pipeline_mode = #tpu.pipeline_mode<synchronous>, transform_indices = @transform_3, window_bounds = array<i64: 100, 20>}, {transform_indices = @transform_4, window_bounds = array<i64: 2000, 32>}]} {
    %get3A = arith.constant 0 : index
    %get3A_0 = arith.constant 0 : index
    %get3A_1 = arith.constant 0 : index
    %get3A_2 = vector.load %arg1[%get3A, %get3A_0, %get3A_1] : memref<2x2000x128xf32, #tpu.memory_space<vmem>>, vector<1x2000x128xf32>
    %get3A_3 = vector.shape_cast %get3A_2 : vector<1x2000x128xf32> to vector<2000x128xf32>
    %get3A_4 = arith.constant 1 : index
    %get3A_5 = arith.constant 0 : index
    %get3A_6 = arith.constant 0 : index
    %get3A_7 = vector.load %arg1[%get3A_4, %get3A_5, %get3A_6] : memref<2x2000x128xf32, #tpu.memory_space<vmem>>, vector<1x2000x128xf32>
    %get3A_8 = vector.shape_cast %get3A_7 : vector<1x2000x128xf32> to vector<2000x128xf32>
    %add3A = arith.addf %get3A_3, %get3A_8 : vector<2000x128xf32>
    %slice3A = vector.extract_strided_slice %add3A {offsets = [0, 100], sizes = [2000, 1], strides = [1, 1]} : vector<2000x128xf32> to vector<2000x1xf32>
    %gt3A = arith.constant 0.000000e+00 : f32
    %gt3A_9 = vector.broadcast %gt3A : f32 to vector<2000x1xf32>
    %gt3A_10 = arith.cmpf ogt, %slice3A, %gt3A_9 : vector<2000x1xf32>
    %slice3A_11 = vector.extract_strided_slice %add3A {offsets = [0, 0], sizes = [2000, 100], strides = [1, 1]} : vector<2000x128xf32> to vector<2000x100xf32>
    %max3A = arith.constant 1.000000e+00 : f32
    %max3A_12 = vector.broadcast %max3A : f32 to vector<2000x1xf32>
    %max3A_13 = arith.maximumf %slice3A, %max3A_12 : vector<2000x1xf32>
    %div3A = vector.broadcast %max3A_13 : vector<2000x1xf32> to vector<2000x100xf32>
    %div3A_14 = arith.divf %slice3A_11, %div3A : vector<2000x100xf32>
    %get3A_15 = arith.constant 0 : index
    %get3A_16 = arith.constant 0 : index
    %get3A_17 = vector.load %arg2[%get3A_15, %get3A_16] : memref<2000x128xf32, #tpu.memory_space<vmem>>, vector<2000x100xf32>
    %broadcast_in_dim3A = vector.shape_cast %gt3A_10 : vector<2000x1xi1> to vector<2000x1xi1>
    %broadcast_in_dim3A_18 = vector.broadcast %broadcast_in_dim3A : vector<2000x1xi1> to vector<2000x100xi1>
    %select_n3A = arith.select %broadcast_in_dim3A_18, %div3A_14, %get3A_17 : vector<2000x100xi1>, vector<2000x100xf32>
    %get3A_19 = arith.constant 0 : index
    %get3A_20 = arith.constant 0 : index
    %get3A_21 = vector.load %arg3[%get3A_19, %get3A_20] : memref<1x100xf32, #tpu.memory_space<vmem>>, vector<1x100xf32>
    %add3A_22 = vector.broadcast %get3A_21 : vector<1x100xf32> to vector<2000x100xf32>
    %add3A_23 = arith.addf %select_n3A, %add3A_22 : vector<2000x100xf32>
    %max3A_24 = arith.constant 0.000000e+00 : f32
    %max3A_25 = vector.broadcast %max3A_24 : f32 to vector<2000x100xf32>
    %max3A_26 = arith.maximumf %add3A_23, %max3A_25 : vector<2000x100xf32>
    %get3A_27 = arith.constant 0 : index
    %get3A_28 = arith.constant 0 : index
    %get3A_29 = vector.load %arg4[%get3A_27, %get3A_28] : memref<100x20xf32, #tpu.memory_space<vmem>>, vector<100x20xf32>
    %dot_general3A = arith.constant dense<0.000000e+00> : vector<2000x20xf32>
    %dot_general3A_30 = tpu.matmul %max3A_26, %get3A_29, %dot_general3A {dimension_numbers = #tpu.dot_dimension_numbers<[1], [0], [0], [1], [0, 0, 1, 1], [], []>, transpose_lhs_hint = false} : vector<2000x100xf32>, vector<100x20xf32>, vector<2000x20xf32> -> vector<2000x20xf32>
    %broadcast_in_dim3A_31 = arith.constant 1.000000e+00 : f32
    %broadcast_in_dim3A_32 = vector.broadcast %broadcast_in_dim3A_31 : f32 to vector<2000x1xf32>
    %broadcast_in_dim3A_33 = arith.constant 0.000000e+00 : f32
    %broadcast_in_dim3A_34 = vector.broadcast %broadcast_in_dim3A_33 : f32 to vector<2000x11xf32>
    %concatenate3A = tpu.concatenate %dot_general3A_30, %broadcast_in_dim3A_32, %broadcast_in_dim3A_34 in 1 : vector<2000x20xf32>, vector<2000x1xf32>, vector<2000x11xf32> -> vector<2000x32xf32>
    %swap3A = arith.constant 0 : index
    %swap3A_35 = arith.constant 0 : index
    %swap3A_36 = vector.load %arg5[%swap3A, %swap3A_35] : memref<2000x32xf32, #tpu.memory_space<vmem>>, vector<2000x32xf32>
    tpu.vector_store %arg5[%swap3A, %swap3A_35], %concatenate3A {strides = array<i32>} : memref<2000x32xf32, #tpu.memory_space<vmem>>, vector<2000x32xf32>,
    return
  }
  func.func @transform_0(%arg0: i32) -> (i32, i32, i32) {
    %c0_i32 = arith.constant 0 : i32
    %c0_i32_0 = arith.constant 0 : i32
    %c0_i32_1 = arith.constant 0 : i32
    return %c0_i32, %arg0, %c0_i32_0 : i32, i32, i32
  }
  func.func @transform_1(%arg0: i32) -> (i32, i32) {
    %c0_i32 = arith.constant 0 : i32
    %c0_i32_0 = arith.constant 0 : i32
    return %arg0, %c0_i32 : i32, i32
  }
  func.func @transform_2(%arg0: i32) -> (i32, i32) {
    %c0_i32 = arith.constant 0 : i32
    %c0_i32_0 = arith.constant 0 : i32
    %c0_i32_1 = arith.constant 0 : i32
    return %c0_i32, %c0_i32_0 : i32, i32
  }
  func.func @transform_3(%arg0: i32) -> (i32, i32) {
    %c0_i32 = arith.constant 0 : i32
    %c0_i32_0 = arith.constant 0 : i32
    %c0_i32_1 = arith.constant 0 : i32
    return %c0_i32, %c0_i32_0 : i32, i32
  }
  func.func @transform_4(%arg0: i32) -> (i32, i32) {
    %c0_i32 = arith.constant 0 : i32
    %c0_i32_0 = arith.constant 0 : i32
    return %arg0, %c0_i32 : i32, i32
  }
}

module attributes {stable_mosaic.version = 14 : i64} {
  func.func @_fin_body(%arg0: i32, %arg1: memref<2x2000x32xf32, #tpu.memory_space<vmem>>, %arg2: memref<2000x32xf32, #tpu.memory_space<vmem>>, %arg3: memref<1x20xf32, #tpu.memory_space<vmem>>, %arg4: memref<1x16xf32, #tpu.memory_space<vmem>>, %arg5: memref<36x10xf32, #tpu.memory_space<vmem>>, %arg6: memref<1x10xf32, #tpu.memory_space<vmem>>, %arg7: memref<10x10xf32, #tpu.memory_space<vmem>>, %arg8: memref<1x10xf32, #tpu.memory_space<vmem>>, %arg9: memref<1x10xf32, #tpu.memory_space<vmem>>, %arg10: memref<1x20xf32, #tpu.memory_space<vmem>>) attributes {dimension_semantics = [#tpu.dimension_semantics<arbitrary>], iteration_bounds = array<i64: 5>, scalar_prefetch = 0 : i64, scratch_operands = 1 : i64, tpu.core_type = #tpu.core_type<tc>, window_params = [{transform_indices = @transform_0, window_bounds = array<i64: 2, 2000, 32>}, {transform_indices = @transform_1, window_bounds = array<i64: 2000, 32>}, {pipeline_mode = #tpu.pipeline_mode<synchronous>, transform_indices = @transform_2, window_bounds = array<i64: 1, 20>}, {pipeline_mode = #tpu.pipeline_mode<synchronous>, transform_indices = @transform_3, window_bounds = array<i64: 1, 16>}, {pipeline_mode = #tpu.pipeline_mode<synchronous>, transform_indices = @transform_4, window_bounds = array<i64: 36, 10>}, {pipeline_mode = #tpu.pipeline_mode<synchronous>, transform_indices = @transform_5, window_bounds = array<i64: 1, 10>}, {pipeline_mode = #tpu.pipeline_mode<synchronous>, transform_indices = @transform_6, window_bounds = array<i64: 10, 10>}, {pipeline_mode = #tpu.pipeline_mode<synchronous>, transform_indices = @transform_7, window_bounds = array<i64: 1, 10>}, {pipeline_mode = #tpu.pipeline_mode<synchronous>, transform_indices = @transform_8, window_bounds = array<i64: 1, 10>}]} {
    %eq3A = arith.constant 0 : i32
    %eq3A_0 = arith.cmpi eq, %arg0, %eq3A : i32
    %convert_element_type3A = arith.extui %eq3A_0 : i1 to i32
    %cond3A = arith.constant 0 : i32
    %cond3A_1 = arith.cmpi ne, %convert_element_type3A, %cond3A : i32
    scf.if %cond3A_1 {
      %broadcast_in_dim3A_42 = arith.constant 0.000000e+00 : f32
      %broadcast_in_dim3A_43 = vector.broadcast %broadcast_in_dim3A_42 : f32 to vector<1x20xf32>
      %swap3A_44 = arith.constant 0 : index
      %swap3A_45 = arith.constant 0 : index
      %swap3A_46 = vector.load %arg10[%swap3A_44, %swap3A_45] : memref<1x20xf32, #tpu.memory_space<vmem>>, vector<1x20xf32>
      tpu.vector_store %arg10[%swap3A_44, %swap3A_45], %broadcast_in_dim3A_43 {strides = array<i32>} : memref<1x20xf32, #tpu.memory_space<vmem>>, vector<1x20xf32>,
    } else {
    }
    %get3A = arith.constant 0 : index
    %get3A_2 = arith.constant 0 : index
    %get3A_3 = arith.constant 0 : index
    %get3A_4 = vector.load %arg1[%get3A, %get3A_2, %get3A_3] : memref<2x2000x32xf32, #tpu.memory_space<vmem>>, vector<1x2000x32xf32>
    %get3A_5 = vector.shape_cast %get3A_4 : vector<1x2000x32xf32> to vector<2000x32xf32>
    %get3A_6 = arith.constant 1 : index
    %get3A_7 = arith.constant 0 : index
    %get3A_8 = arith.constant 0 : index
    %get3A_9 = vector.load %arg1[%get3A_6, %get3A_7, %get3A_8] : memref<2x2000x32xf32, #tpu.memory_space<vmem>>, vector<1x2000x32xf32>
    %get3A_10 = vector.shape_cast %get3A_9 : vector<1x2000x32xf32> to vector<2000x32xf32>
    %add3A = arith.addf %get3A_5, %get3A_10 : vector<2000x32xf32>
    %slice3A = vector.extract_strided_slice %add3A {offsets = [0, 20], sizes = [2000, 1], strides = [1, 1]} : vector<2000x32xf32> to vector<2000x1xf32>
    %gt3A = arith.constant 0.000000e+00 : f32
    %gt3A_11 = vector.broadcast %gt3A : f32 to vector<2000x1xf32>
    %gt3A_12 = arith.cmpf ogt, %slice3A, %gt3A_11 : vector<2000x1xf32>
    %slice3A_13 = vector.extract_strided_slice %add3A {offsets = [0, 0], sizes = [2000, 20], strides = [1, 1]} : vector<2000x32xf32> to vector<2000x20xf32>
    %max3A = arith.constant 1.000000e+00 : f32
    %max3A_14 = vector.broadcast %max3A : f32 to vector<2000x1xf32>
    %max3A_15 = arith.maximumf %slice3A, %max3A_14 : vector<2000x1xf32>
    %div3A = vector.broadcast %max3A_15 : vector<2000x1xf32> to vector<2000x20xf32>
    %div3A_16 = arith.divf %slice3A_13, %div3A : vector<2000x20xf32>
    %get3A_17 = arith.constant 0 : index
    %get3A_18 = arith.constant 0 : index
    %get3A_19 = vector.load %arg2[%get3A_17, %get3A_18] : memref<2000x32xf32, #tpu.memory_space<vmem>>, vector<2000x20xf32>
    %broadcast_in_dim3A = vector.shape_cast %gt3A_12 : vector<2000x1xi1> to vector<2000x1xi1>
    %broadcast_in_dim3A_20 = vector.broadcast %broadcast_in_dim3A : vector<2000x1xi1> to vector<2000x20xi1>
    %select_n3A = arith.select %broadcast_in_dim3A_20, %div3A_16, %get3A_19 : vector<2000x20xi1>, vector<2000x20xf32>
    %get3A_21 = arith.constant 0 : index
    %get3A_22 = arith.constant 0 : index
    %get3A_23 = vector.load %arg3[%get3A_21, %get3A_22] : memref<1x20xf32, #tpu.memory_space<vmem>>, vector<1x20xf32>
    %add3A_24 = vector.broadcast %get3A_23 : vector<1x20xf32> to vector<2000x20xf32>
    %add3A_25 = arith.addf %select_n3A, %add3A_24 : vector<2000x20xf32>
    %max3A_26 = arith.constant 0.000000e+00 : f32
    %max3A_27 = vector.broadcast %max3A_26 : f32 to vector<2000x20xf32>
    %max3A_28 = arith.maximumf %add3A_25, %max3A_27 : vector<2000x20xf32>
    %get3A_29 = arith.constant 0 : index
    %get3A_30 = arith.constant 0 : index
    %get3A_31 = vector.load %arg10[%get3A_29, %get3A_30] : memref<1x20xf32, #tpu.memory_space<vmem>>, vector<1x20xf32>
    %reduce_sum3A = arith.constant dense<0.000000e+00> : vector<20xf32>
    %reduce_sum3A_32 = vector.multi_reduction <add>, %max3A_28, %reduce_sum3A [0] : vector<2000x20xf32> to vector<20xf32>
    %broadcast_in_dim3A_33 = vector.shape_cast %reduce_sum3A_32 : vector<20xf32> to vector<1x20xf32>
    %add3A_34 = arith.addf %get3A_31, %broadcast_in_dim3A_33 : vector<1x20xf32>
    %swap3A = arith.constant 0 : index
    %swap3A_35 = arith.constant 0 : index
    %swap3A_36 = vector.load %arg10[%swap3A, %swap3A_35] : memref<1x20xf32, #tpu.memory_space<vmem>>, vector<1x20xf32>
    tpu.vector_store %arg10[%swap3A, %swap3A_35], %add3A_34 {strides = array<i32>} : memref<1x20xf32, #tpu.memory_space<vmem>>, vector<1x20xf32>,
    %eq3A_37 = arith.constant 4 : i32
    %eq3A_38 = arith.cmpi eq, %arg0, %eq3A_37 : i32
    %convert_element_type3A_39 = arith.extui %eq3A_38 : i1 to i32
    %cond3A_40 = arith.constant 0 : i32
    %cond3A_41 = arith.cmpi ne, %convert_element_type3A_39, %cond3A_40 : i32
    scf.if %cond3A_41 {
      %get3A_42 = arith.constant 0 : index
      %get3A_43 = arith.constant 0 : index
      %get3A_44 = vector.load %arg10[%get3A_42, %get3A_43] : memref<1x20xf32, #tpu.memory_space<vmem>>, vector<1x20xf32>
      %div3A_45 = arith.constant 1.000000e+04 : f32
      %div3A_46 = vector.broadcast %div3A_45 : f32 to vector<1x20xf32>
      %div3A_47 = arith.divf %get3A_44, %div3A_46 : vector<1x20xf32>
      %get3A_48 = arith.constant 0 : index
      %get3A_49 = arith.constant 0 : index
      %get3A_50 = vector.load %arg5[%get3A_48, %get3A_49] : memref<36x10xf32, #tpu.memory_space<vmem>>, vector<20x10xf32>
      %dot_general3A = arith.constant dense<0.000000e+00> : vector<1x10xf32>
      %dot_general3A_51 = tpu.matmul %div3A_47, %get3A_50, %dot_general3A {dimension_numbers = #tpu.dot_dimension_numbers<[1], [0], [0], [1], [0, 0, 1, 1], [], []>, transpose_lhs_hint = false} : vector<1x20xf32>, vector<20x10xf32>, vector<1x10xf32> -> vector<1x10xf32>
      %get3A_52 = arith.constant 0 : index
      %get3A_53 = arith.constant 0 : index
      %get3A_54 = vector.load %arg4[%get3A_52, %get3A_53] : memref<1x16xf32, #tpu.memory_space<vmem>>, vector<1x16xf32>
      %get3A_55 = arith.constant 20 : index
      %get3A_56 = arith.constant 0 : index
      %get3A_57 = vector.load %arg5[%get3A_55, %get3A_56] : memref<36x10xf32, #tpu.memory_space<vmem>>, vector<16x10xf32>
      %dot_general3A_58 = arith.constant dense<0.000000e+00> : vector<1x10xf32>
      %dot_general3A_59 = tpu.matmul %get3A_54, %get3A_57, %dot_general3A_58 {dimension_numbers = #tpu.dot_dimension_numbers<[1], [0], [0], [1], [0, 0, 1, 1], [], []>, transpose_lhs_hint = false} : vector<1x16xf32>, vector<16x10xf32>, vector<1x10xf32> -> vector<1x10xf32>
      %add3A_60 = arith.addf %dot_general3A_51, %dot_general3A_59 : vector<1x10xf32>
      %get3A_61 = arith.constant 0 : index
      %get3A_62 = arith.constant 0 : index
      %get3A_63 = vector.load %arg6[%get3A_61, %get3A_62] : memref<1x10xf32, #tpu.memory_space<vmem>>, vector<1x10xf32>
      %add3A_64 = arith.addf %add3A_60, %get3A_63 : vector<1x10xf32>
      %max3A_65 = arith.constant 0.000000e+00 : f32
      %max3A_66 = vector.broadcast %max3A_65 : f32 to vector<1x10xf32>
      %max3A_67 = arith.maximumf %add3A_64, %max3A_66 : vector<1x10xf32>
      %get3A_68 = arith.constant 0 : index
      %get3A_69 = arith.constant 0 : index
      %get3A_70 = vector.load %arg7[%get3A_68, %get3A_69] : memref<10x10xf32, #tpu.memory_space<vmem>>, vector<10x10xf32>
      %dot_general3A_71 = arith.constant dense<0.000000e+00> : vector<1x10xf32>
      %dot_general3A_72 = tpu.matmul %max3A_67, %get3A_70, %dot_general3A_71 {dimension_numbers = #tpu.dot_dimension_numbers<[1], [0], [0], [1], [0, 0, 1, 1], [], []>, transpose_lhs_hint = false} : vector<1x10xf32>, vector<10x10xf32>, vector<1x10xf32> -> vector<1x10xf32>
      %get3A_73 = arith.constant 0 : index
      %get3A_74 = arith.constant 0 : index
      %get3A_75 = vector.load %arg8[%get3A_73, %get3A_74] : memref<1x10xf32, #tpu.memory_space<vmem>>, vector<1x10xf32>
      %add3A_76 = arith.addf %dot_general3A_72, %get3A_75 : vector<1x10xf32>
      %swap3A_77 = arith.constant 0 : index
      %swap3A_78 = arith.constant 0 : index
      %swap3A_79 = vector.load %arg9[%swap3A_77, %swap3A_78] : memref<1x10xf32, #tpu.memory_space<vmem>>, vector<1x10xf32>
      tpu.vector_store %arg9[%swap3A_77, %swap3A_78], %add3A_76 {strides = array<i32>} : memref<1x10xf32, #tpu.memory_space<vmem>>, vector<1x10xf32>,
    } else {
    }
    return
  }
  func.func @transform_0(%arg0: i32) -> (i32, i32, i32) {
    %c0_i32 = arith.constant 0 : i32
    %c0_i32_0 = arith.constant 0 : i32
    %c0_i32_1 = arith.constant 0 : i32
    return %c0_i32, %arg0, %c0_i32_0 : i32, i32, i32
  }
  func.func @transform_1(%arg0: i32) -> (i32, i32) {
    %c0_i32 = arith.constant 0 : i32
    %c0_i32_0 = arith.constant 0 : i32
    return %arg0, %c0_i32 : i32, i32
  }
  func.func @transform_2(%arg0: i32) -> (i32, i32) {
    %c0_i32 = arith.constant 0 : i32
    %c0_i32_0 = arith.constant 0 : i32
    %c0_i32_1 = arith.constant 0 : i32
    return %c0_i32, %c0_i32_0 : i32, i32
  }
  func.func @transform_3(%arg0: i32) -> (i32, i32) {
    %c0_i32 = arith.constant 0 : i32
    %c0_i32_0 = arith.constant 0 : i32
    %c0_i32_1 = arith.constant 0 : i32
    return %c0_i32, %c0_i32_0 : i32, i32
  }
  func.func @transform_4(%arg0: i32) -> (i32, i32) {
    %c0_i32 = arith.constant 0 : i32
    %c0_i32_0 = arith.constant 0 : i32
    %c0_i32_1 = arith.constant 0 : i32
    return %c0_i32, %c0_i32_0 : i32, i32
  }
  func.func @transform_5(%arg0: i32) -> (i32, i32) {
    %c0_i32 = arith.constant 0 : i32
    %c0_i32_0 = arith.constant 0 : i32
    %c0_i32_1 = arith.constant 0 : i32
    return %c0_i32, %c0_i32_0 : i32, i32
  }
  func.func @transform_6(%arg0: i32) -> (i32, i32) {
    %c0_i32 = arith.constant 0 : i32
    %c0_i32_0 = arith.constant 0 : i32
    %c0_i32_1 = arith.constant 0 : i32
    return %c0_i32, %c0_i32_0 : i32, i32
  }
  func.func @transform_7(%arg0: i32) -> (i32, i32) {
    %c0_i32 = arith.constant 0 : i32
    %c0_i32_0 = arith.constant 0 : i32
    %c0_i32_1 = arith.constant 0 : i32
    return %c0_i32, %c0_i32_0 : i32, i32
  }
  func.func @transform_8(%arg0: i32) -> (i32, i32) {
    %c0_i32 = arith.constant 0 : i32
    %c0_i32_0 = arith.constant 0 : i32
    %c0_i32_1 = arith.constant 0 : i32
    return %c0_i32, %c0_i32_0 : i32, i32
  }
}

</mosaic_0001>

<sc_bundles>
// kernel: kernel.10.cloned.1.call-start
scs
__scs_entry_jumppad:
0x0: {  	(pc) =	sbr.rel $0x88, $3  }
0x1: {  	(tag) =	ssettag $0x0;
	lr =	simm.s32 $0x1  }
0x2: {  	[smem:$0x3F96] =	sst lr;
	_ =	strace $0xD0000000  }
0x3: {  	_ = 	snop  }
0x4: {  	_ = 	snop  }
0x5: {  	_ = 	snop  }
0x6: {  	_ = 	snop  }
0x7: {  	_ = 	snop  }
__scs_overlays_trampoline_lowered:
0x8: {  	[smem:$0x3FA5] =	sst s0  }
0x9: {  	[smem:$0x3FA6] =	sst s1  }
0xa: {  	[smem:$0x3FA7] =	sst s2  }
0xb: {  	[smem:$0x3FA8] =	sst s3  }
0xc: {  	[smem:$0x3FA9] =	sst s4  }
0xd: {  	[smem:$0x3FAA] =	sst s5  }
0xe: {  	[smem:$0x3FAB] =	sst s6  }
0xf: {  	[smem:$0x3FAC] =	sst s7  }
0x10: {  	[smem:$0x3FAD] =	sst s8  }
0x11: {  	[smem:$0x3FAE] =	sst s9;
	s0 =	simm.s32 @!p0 $0x0  }
0x12: {  	s1 =	sld [smem:$0x3F94];
	s0 =	simm.s32 @p0 $0x1  }
0x13: {  	[smem:$0x3FAF] =	sst s0;
	s0 =	simm.s32 @!p1 $0x0  }
0x14: {  	s2 =	sld [smem:$0x3F93];
	s0 =	simm.s32 @p1 $0x1  }
0x15: {  	[smem:$0x3FB0] =	sst s0;
	s0 =	simm.s32 @!p2 $0x0  }
0x16: {  	s3 =	sld [smem:$0x3FDB];
	s0 =	simm.s32 @p2 $0x1  }
0x17: {  	s4 =	simm.s32 $0x1BF5;
	[smem:$0x3FB2] =	sst s0  }
0x18: {  	s0 =	sld [smem:$0x3F95];
	_ =	swait.ge [sflag:s4], $0x0  }
0x19: {  	s7 =	sld [smem:$0x3F96]  }
0x1a: {  	s8 =	sadd.s32 $0xFFFFE003, lr  }
0x1b: {  	s9 =	sadd.s32 $0xFFFFFEF7, lr;
	s5 =	simm.s32 $0xFFFFFFFF;
	p2 =	slt.u32 s8, $0xFFFFF086  }
0x1c: {  	p1 =	slt.u32 s9, $0xF7A;
	s5 =	simm.s32 @!p2 $0x0  }
0x1d: {  	s5 =	simm.s32 @p1 $0x1;
	p0 =	seq.s32 s7, s2  }
0x1e: {  	s7 =	smul.u32 @!p0 $0xF7A, s2;
	p2 =	seq.s32 @!p0 s5, $0x0  }
0x1f: {  	s9 =	smul.u32 $0xF7A, s1;
	s8 =	simm.s32 @!p0 $0x1BF5;
	p2 =	por !p2, p0  }
0x20: {  	[sflag:s8] =	ssyncset.s32 @!p0 $0xFFFFF086;
	s6 =	sadd.s32 @!p0 s3, s7;
	s7 =	simm.s32 @!p0 $0x108  }
0x21: {  	s3 =	sadd.s32 s3, s9;
	s6 =	sadd.s32 @!p0 $0x88, s6;
	s7 =	simm.s32 @p2 $0x1082  }
0x22: {  	[simem:s7], [sflag:s8] =	dma.local @!p0 [hbm:s6], $0xF7A  }
0x23: {  	s9 =	sor.u32 $0xD0000000, s2;
	s6 =	simm.s32 $0x108;
	_ =	swait.ge @!p0 [sflag:s8], $0x0  }
0x24: {  	s3 =	sadd.s32 $0x88, s3;
	s6 =	simm.s32 @!p1 $0x1082;
	[sflag:s4] =	ssyncset.s32 $0xFFFFF086  }
0x25: {  	[simem:s6], [sflag:s4] =	dma.local [hbm:s3], $0xF7A  }
0x26: {  	[smem:$0x3F96] =	sst s1;
	(tag) =	ssettag s2;
	_ =	strace s9  }
0x27: {  	s1 =	sld [smem:$0x3FA6]  }
0x28: {  	s2 =	sld [smem:$0x3FA7]  }
0x29: {  	s4 =	sld [smem:$0x3FA9]  }
0x2a: {  	p0 =	seq.s32 s5, $0x0;
	s5 =	sld [smem:$0x3FAA]  }
0x2b: {  	s6 =	sld [smem:$0x3FAB]  }
0x2c: {  	s7 =	sld [smem:$0x3FAC]  }
0x2d: {  	s3 =	simm.s32 $0x108;
	s8 =	sld [smem:$0x3FAD]  }
0x2e: {  	s3 =	simm.s32 @!p0 $0x1082;
	s9 =	sld [smem:$0x3FAE]  }
0x2f: {  	lr =	sadd.s32 s0, s3;
	s0 =	sld [smem:$0x3FA5]  }
0x30: {  	s3 =	sld [smem:$0x3FA8]  }
0x31: {  	[smem:$0x3FB1] =	sst s10  }
0x32: {  	s10 =	sld [smem:$0x3FAF];
	_ =	sdelay $0x3  }
0x33: {  	p0 =	seq.s32 s10, $0x1;
	s10 =	sld [smem:$0x3FB1];
	_ =	sdelay $0x3  }
0x34: {  	[smem:$0x3FB1] =	sst s10  }
0x35: {  	s10 =	sld [smem:$0x3FB0];
	_ =	sdelay $0x3  }
0x36: {  	p1 =	seq.s32 s10, $0x1;
	s10 =	sld [smem:$0x3FB1];
	_ =	sdelay $0x3  }
0x37: {  	[smem:$0x3FB1] =	sst s10  }
0x38: {  	s10 =	sld [smem:$0x3FB2]  }
0x39: {  	_ = 	snop;
	(pc) =	sbr.ind lr, $3  }
0x3a: {  	_ = 	snop  }
0x3b: {  	_ = 	snop  }
0x3c: {  	p2 =	seq.s32 s10, $0x1;
	s10 =	sld [smem:$0x3FB1]  }
0x3d: {  	_ =	shalt  }
0x3e: {  	_ =	shalt  }
0x3f: {  	_ =	shalt  }
0x40: {  	_ =	shalt  }
0x41: {  	_ =	shalt  }
0x42: {  	_ =	shalt  }
0x43: {  	_ =	shalt  }
0x44: {  	_ =	shalt  }
0x45: {  	_ =	shalt  }
0x46: {  	_ =	shalt  }
0x47: {  	_ =	shalt  }
0x48: {  	_ =	shalt  }
0x49: {  	_ =	shalt  }
0x4a: {  	_ =	shalt  }
0x4b: {  	_ =	shalt  }
0x4c: {  	_ =	shalt  }
0x4d: {  	_ =	shalt  }
0x4e: {  	_ =	shalt  }
0x4f: {  	_ =	shalt  }
0x50: {  	_ =	shalt  }
0x51: {  	_ =	shalt  }
0x52: {  	_ =	shalt  }
0x53: {  	_ =	shalt  }
0x54: {  	_ =	shalt  }
0x55: {  	_ =	shalt  }
0x56: {  	_ =	shalt  }
0x57: {  	_ =	shalt  }
0x58: {  	_ =	shalt  }
0x59: {  	_ =	shalt  }
0x5a: {  	_ =	shalt  }
0x5b: {  	_ =	shalt  }
0x5c: {  	_ =	shalt  }
0x5d: {  	_ =	shalt  }
0x5e: {  	_ =	shalt  }
0x5f: {  	_ =	shalt  }
0x60: {  	_ =	shalt  }
0x61: {  	_ =	shalt  }
0x62: {  	_ =	shalt  }
0x63: {  	_ =	shalt  }
0x64: {  	_ =	shalt  }
0x65: {  	_ =	shalt  }
0x66: {  	_ =	shalt  }
0x67: {  	_ =	shalt  }
0x68: {  	_ =	shalt  }
0x69: {  	_ =	shalt  }
0x6a: {  	_ =	shalt  }
0x6b: {  	_ =	shalt  }
0x6c: {  	_ =	shalt  }
0x6d: {  	_ =	shalt  }
0x6e: {  	_ =	shalt  }
0x6f: {  	_ =	shalt  }
0x70: {  	_ =	shalt  }
0x71: {  	_ =	shalt  }
0x72: {  	_ =	shalt  }
0x73: {  	_ =	shalt  }
0x74: {  	_ =	shalt  }
0x75: {  	_ =	shalt  }
0x76: {  	_ =	shalt  }
0x77: {  	_ =	shalt  }
0x78: {  	_ =	shalt  }
0x79: {  	_ =	shalt  }
0x7a: {  	_ =	shalt  }
0x7b: {  	_ =	shalt  }
0x7c: {  	_ =	shalt  }
0x7d: {  	_ =	shalt  }
0x7e: {  	_ =	shalt  }
0x7f: {  	_ =	shalt  }
0x80: {  	_ =	shalt  }
0x81: {  	_ =	shalt  }
0x82: {  	_ =	shalt  }
0x83: {  	_ =	shalt  }
0x84: {  	_ =	shalt  }
0x85: {  	_ =	shalt  }
0x86: {  	_ =	shalt  }
0x87: {  	_ =	shalt  }
.Lfunc_end0:
.L_simem_size_0:
called_computation.1_lowered:
.L_overlay_start_0:
0x88: {  	s2 =	sld [smem:$0x3FD9]  }
0x89: {  	s3 =	sld [smem:$0x3FFE];
	_ =	sdelay $0x1  }
0x8a: {  	s1 =	srdreg.scid  }
0x8b: {  	s0 =	sand.u32 $0x1, s1  }
0x8c: {  	s16 =	sshll.u32 s0, $0xA;
	s2 =	sadd.s32 s3, s2  }
0x8d: {  	s2 =	sadd.s32 s2, s16  }
0x8e: {  	[smem:$0x3FBD] =	sst s2  }
0x8f: {  	_ = 	snop  }
0x90: {  	(tm) =	ssettm $0x1  }
0x91: {  	s17 =	sld [smem:$0x3FFB];
	_ =	sdelay $0x3  }
0x92: {  	_ =	strace s17  }
0x93: {  	s2 =	sld [smem:$0x3FFC];
	_ =	sdelay $0x3  }
0x94: {  	_ =	strace s2  }
0x95: {  	s2 =	sld [smem:$0x3FFD];
	_ =	sdelay $0x3  }
0x96: {  	_ =	strace s2  }
0x97: {  	_ =	strace $0x8FFFFFFF  }
0x98: {  	s18 =	sld [smem:$0x3FDB];
	_ =	sdelay $0x1  }
0x99: {  	s19 =	simm.s32 $_scs_section_size  }
0x9a: {  	s4 =	simm.s32 $_size__tile_overlayer_lowered;
	s5 =	simm.s32 $_tile_overlayer_lowered  }
0x9b: {  	s22 =	simm.s32 $0x1BFF;
	s21 =	sshll.u32 s5, $0x1;
	s2 =	sadd.s32 s19, s18  }
0x9c: {  	s6 =	simm.s32 $0x0;
	s20 =	sshll.u32 s4, $0x1;
	s4 =	sadd.s32 s21, s2  }
0x9d: {  	[timem:s6], [sflag:s22] =	dma.local [hbm:s4], s20  }
0x9e: {  	_ =	swait.ge [sflag:s22], s20  }
0x9f: {  	s3 =	ssub.s32 $0x0, s20;
	[sflag:s22] =	ssyncset.done $0x0  }
0xa0: {  	[sflag:s22] =	ssyncadd.s32 s3;
	_ =	sdelay $0x1  }
0xa1: {  	s23 =	simm.s32 $0x1B8B  }
0xa2: {  	_ =	swait.ge [sflag:s23], $0x1  }
0xa3: {  	[sflag:s23] =	ssyncset.done $0x0  }
0xa4: {  	s25 =	simm.s32 $0x1B8E;
	s24 =	sld [smem:$0x3FFE];
	[sflag:s23] =	ssyncadd.s32 $0xFFFFFFFF  }
0xa5: {  	s26 =	simm.s32 $execute0_lowered;
	[smem:$0x3FD2] =	sst s25  }
0xa6: {  	s4 =	sshll.u32 s26, $0x1;
	_ =	strace $0x80000049;
	[dreg:$0x1] =	wrdreg $0xFFFFFFFF  }
0xa7: {  	s28 =	simm.s32 $_size_execute0_lowered;
	s2 =	sadd.s32 s2, s4;
	[dreg:$0x0] =	wrdreg $0x0  }
0xa8: {  	s4 =	sshll.u32 s28, $0x1;
	[dreg:$0x2] =	wrdreg s2  }
0xa9: {  	[dreg:$0x3] =	wrdreg s4  }
0xaa: {  	[dreg:$0x4] =	wrdreg $0xC0  }
0xab: {  	_ =	task [dreg:s6], $0x5FFFF  }
0xac: {  	[dreg:$0x1] =	wrdreg $0xFFFFFFFF  }
0xad: {  	[dreg:$0x0] =	wrdreg $0x60  }
0xae: {  	[dreg:$0x2] =	wrdreg s24  }
0xaf: {  	[dreg:$0x3] =	wrdreg $0x7DC00  }
0xb0: {  	[dreg:$0x4] =	wrdreg $0x9  }
0xb1: {  	_ =	task.clear_ibuf [dreg:s6], $0x5FFFF;
	_ =	strace $0x90000049  }
0xb2: {  	s29 =	simm.s32 $0x9;
	_ =	strace $0x8000004B  }
0xb3: {  	_ =	swait.ge [sflag:s29], $0x1  }
0xb4: {  	[sflag:s29] =	ssyncadd.s32 $0xFFFFFFFF  }
0xb5: {  	_ =	strace $0x9000004B  }
0xb6: {  	_ =	sfence  }
0xb7: {  	s30 =	sld [smem:$0x0];
	_ =	sdelay $0x2  }
0xb8: {  	s31 =	sshll.u32 s1, $0xD;
	s1 =	sshrl.u32 s1, $0x2  }
0xb9: {  	s3 =	sand.u32 $0x4000, s31;
	s1 =	sadd.s32 s1, s30  }
0xba: {  	s0 =	sor.u32 s3, s0;
	s1 =	sshll.u32 s1, $0x11  }
0xbb: {  	s0 =	sor.u32 s1, s0  }
0xbc: {  	s0 =	sadd.s32 $0x8F2B, s0  }
0xbd: {  	[sflag:s0] =	ssyncadd.remote.s32 $0x1  }
0xbe: {  	_ =	sfence.sel $0xFFFF  }
0xbf: {  	[dreg:$0x0] =	wrdreg $0xFFFFFFFF;
	(pc) =	sbr.abs _section_cstart, $3  }
0xc0: {  	[dreg:$0x1] =	wrdreg $0xFFFFFFFF  }
0xc1: {  	_ =	task.clear_ibuf [dreg:s6], $0x2FFFF;
	_ =	strace $0x9FFFFFFF  }
0xc2: {  	(tm) =	ssettm $0x7FFFFFFF  }
0xc3: {  	_ =	shalt  }
tec
execute0_lowered:
.L_overlay_start_1:
0x0: {  	(tag) =	ssettag $0x1  }
0x1: {  	s0 =	rddreg [dreg:$0x0]  }
0x2: {  	s2 =	rddreg [dreg:$0x1];
	s4 =	srdreg.scid  }
0x3: {  	s1 =	stileid.u32;
	s3 =	simm.s32 $0x0;
	s19 =	simm.s32 $0x2000  }
0x4: {  	s20 =	simm.s32 $0xD;
	s22 =	simm.s32 $0x800;
	s23 =	simm.s32 $0x1800  }
0x5: {  	s24 =	simm.s32 $0x7D;
	s25 =	simm.s32 $0x8;
	s26 =	simm.s32 $0x0  }
0x6: {  	s6 =	sand.u32 $0x1, s4;
	s7 =	smul.u32 $0x4F00, s1;
	[smem:$0x7FF] =	sst s3  }
0x7: {  	s4 =	sadd.s32 $0x2200, s0;
	s5 =	sadd.s32 $0x8C400, s0;
	s10 =	smul.u32 $0x13C00, s1  }
0x8: {  	s9 =	sshll.u32 s1, $0x1;
	s8 =	smul.u32 $0x4F000, s6;
	s11 =	ssub.s32 $0x2, s6  }
0x9: {  	_ =	strace $0x8000004A;
	s6 =	sor.u32 s6, s9;
	s30 =	sshrl.u32 s11, $0x1  }
0xa: {  	s10 =	sshrl.u32 s10, $0x2;
	s6 =	smul.u32 $0x2800, s6;
	s8 =	sadd.s32 s7, s8  }
0xb: {  	s18 =	ssub.s32 s11, s30;
	s13 =	sadd.s32 s10, s2;
	s7 =	sadd.s32 s7, s2  }
.Ltmp0:
0xc: {  	s8 =	sshrl.u32 s8, $0x3;
	s31 =	sshrl.u32 s6, $0x3;
	(pc) =	sbr.rel .LBB2_1-.Ltmp0, $4  }
0xd: {  	s9 =	sadd.s32 $0x1F40, s13;
	s10 =	sadd.s32 $0x2EE0, s13;
	s12 =	sadd.s32 $0x3E80, s13  }
0xe: {  	s18 =	smax.u32 s18, $0x1;
	s0 =	sadd.s32 s8, s0;
	s11 =	sadd.s32 s5, s31  }
0xf: {  	s8 =	sadd.s32 $0xFA0, s13;
	s13 =	sadd.s32 $0x4E20, s13;
	s14 =	sadd.s32 $0xA000, s11  }
0x10: {  	v0 =	vimm.f32 $0.0e+00;
	s15 =	sadd.s32 $0x100, s11;
	s16 =	sadd.s32 $0xA100, s11;
	s17 =	sadd.s32 $0xC000, s0  }
.LBB2_11:
0x11: {  	_ =	swait.ge [sflag:s25], $0xFA0;
	s0 =	stileid.u32  }
0x12: {  	s1 =	sshrl.u32 s7, $0x3;
	s26 =	sadd.s32 $0x1, s26;
	[sflag:s25] =	ssyncset.done $0x0  }
0x13: {  	s0 =	sshll.u32 s0, $0x6;
	p0 =	sne.s32 s26, s18;
	[sflag:s25] =	ssyncadd.s32 $0xFFFFF060  }
.Ltmp1:
0x14: {  	s0 =	sor.u32 $0x1C0D, s0;
	[bflag:$0x0] =	sbarrier.arrive $0xFFFF;
	(pc) =	sbr.rel @!p0 .LBB2_12-.Ltmp1, $4  }
0x15: {  	[hbm:s17], [sflag:s0] =	dma.local [spmem:s1], $0x9E0  }
0x16: {  	_ =	swait.ge [sflag:s20], $0x9E0  }
0x17: {  	[sflag:s20] =	ssyncset.done $0x0  }
0x18: {  	[sflag:s20] =	ssyncadd.s32 $0xFFFFF620  }
.LBB2_1:
0x19: {  	s0 =	sand.u32 $0x3F80, s3  }
0x1a: {  	s28 =	sand.u32 $0x10, s3;
	s29 =	sshrl.u32 s0, $0x2  }
0x1b: {  	s0 =	simm.s32 $0x40;
	s29 =	sor.u32 s28, s29;
	s28 =	simm.s32 $0x0  }
.LBB2_2:
0x1c: {  	p0 =	sne.s32 s0, $0x3E40  }
0x1d: {  	[tilespmem:s29+$0x2000] =	vst v0;
	s28 =	sadd.s32 $0x10, s28;
	s29 =	smov.u32 s0;
	s0 =	sadd.s32 $0x40, s0  }
.Ltmp2:
0x1e: {  	(pc) =	sbr.rel @p0 .LBB2_2-.Ltmp2, $4  }
0x1f: {  	_ = 	snop  }
0x20: {  	s29 =	sand.u32 $0x3F80, s29  }
0x21: {  	s30 =	sand.u32 $0x10, s28;
	s29 =	sshrl.u32 s29, $0x2  }
0x22: {  	s29 =	sor.u32 s30, s29  }
0x23: {  	[tilespmem:s29+$0x2000] =	vst v0  }
0x24: {  	[spmem:s7] =	stream.linear.scatter [tilespmem:s19], [sflag:$0xD], $0xFA0, $0x38;
	[tilespmem:$0xCCC0] =	vst v63  }
0x25: {  	_ =	swait.ge [sflag:s20], $0xFA0  }
0x26: {  	[sflag:s20] =	ssyncset.done $0x0  }
0x27: {  	[sflag:s20] =	ssyncadd.s32 $0xFFFFF060  }
0x28: {  	[spmem:s8] =	stream.linear.scatter [tilespmem:s19], [sflag:$0xD], $0xFA0, $0x38;
	[tilespmem:$0xCCC0] =	vst v63  }
0x29: {  	_ =	swait.ge [sflag:s20], $0xFA0  }
0x2a: {  	[sflag:s20] =	ssyncset.done $0x0  }
0x2b: {  	[sflag:s20] =	ssyncadd.s32 $0xFFFFF060  }
0x2c: {  	[spmem:s9] =	stream.linear.scatter [tilespmem:s19], [sflag:$0xD], $0xFA0, $0x38;
	[tilespmem:$0xCCC0] =	vst v63  }
0x2d: {  	_ =	swait.ge [sflag:s20], $0xFA0  }
0x2e: {  	[sflag:s20] =	ssyncset.done $0x0  }
0x2f: {  	[sflag:s20] =	ssyncadd.s32 $0xFFFFF060  }
0x30: {  	[spmem:s10] =	stream.linear.scatter [tilespmem:s19], [sflag:$0xD], $0xFA0, $0x38;
	[tilespmem:$0xCCC0] =	vst v63  }
0x31: {  	_ =	swait.ge [sflag:s20], $0xFA0  }
0x32: {  	[sflag:s20] =	ssyncset.done $0x0  }
0x33: {  	[sflag:s20] =	ssyncadd.s32 $0xFFFFF060  }
0x34: {  	[spmem:s12] =	stream.linear.scatter [tilespmem:s19], [sflag:$0xD], $0xFA0, $0x38;
	[tilespmem:$0xCCC0] =	vst v63  }
0x35: {  	_ =	swait.ge [sflag:s20], $0xFA0  }
0x36: {  	[sflag:s20] =	ssyncset.done $0x0  }
0x37: {  	[sflag:s20] =	ssyncadd.s32 $0xFFFFF060  }
0x38: {  	[spmem:s13] =	stream.linear.scatter [tilespmem:s19], [sflag:$0xD], $0xE0, $0x38;
	[tilespmem:$0xCCC0] =	vst v63  }
0x39: {  	_ =	swait.ge [sflag:s20], $0xE0  }
0x3a: {  	[sflag:s20] =	ssyncset.done $0x0  }
0x3b: {  	s28 =	simm.s32 $0x0;
	[sflag:s20] =	ssyncadd.s32 $0xFFFFFF20  }
0x3c: {  	[tilespmem:s28], [sflag:$0xD] =	stream.linear.gather [hbm4b:s11+s28], $0x800, $0x38;
	[tilespmem:$0xCCC0] =	vst v63  }
0x3d: {  	_ =	swait.ge [sflag:s20], $0x800  }
0x3e: {  	[sflag:s20] =	ssyncset.done $0x0  }
0x3f: {  	s0 =	simm.s32 $0x1000;
	[sflag:s20] =	ssyncadd.s32 $0xFFFFF800  }
0x40: {  	[tilespmem:s0], [sflag:$0xD] =	stream.linear.gather [hbm4b:s14+s28], $0x800, $0x38;
	[tilespmem:$0xCCC0] =	vst v63  }
0x41: {  	_ =	swait.ge [sflag:s20], $0x800  }
0x42: {  	[sflag:s20] =	ssyncset.done $0x0  }
0x43: {  	[sflag:s20] =	ssyncadd.s32 $0xFFFFF800  }
0x44: {  	[tilespmem:s22], [sflag:$0xD] =	stream.linear.gather [hbm4b:s15+s28], $0x800, $0x38;
	[tilespmem:$0xCCC0] =	vst v63  }
0x45: {  	_ =	swait.ge [sflag:s20], $0x800  }
0x46: {  	[sflag:s20] =	ssyncset.done $0x0  }
0x47: {  	[sflag:s20] =	ssyncadd.s32 $0xFFFFF800  }
0x48: {  	[tilespmem:s23], [sflag:$0xD] =	stream.linear.gather [hbm4b:s16+s28], $0x800, $0x38;
	[tilespmem:$0xCCC0] =	vst v63  }
.Ltmp3:
0x49: {  	_ =	swait.ge [sflag:s20], $0x800;
	(pc) =	sbr.rel .LBB2_4-.Ltmp3, $4  }
0x4a: {  	[sflag:s20] =	ssyncset.done $0x0  }
0x4b: {  	[sflag:s20] =	ssyncadd.s32 $0xFFFFF800  }
0x4c: {  	[bflag:$0x0] =	sbarrier.arrive $0xFFFF  }
0x4d: {  	s29 =	simm.s32 $0xFFFFFFEB  }
.LBB2_9:
0x4e: {  	s0 =	sadd.s32 $0x10, s29  }
0x4f: {  	s1 =	sand.u32 $0xFF, s0  }
0x50: {  	s1 =	smul.u32 $0xAB, s1;
	_ =	sdelay $0x1  }
0x51: {  	s1 =	sshrl.u32 s1, $0xA  }
0x52: {  	s1 =	smul.u32 $0x6, s1;
	_ =	sdelay $0x1  }
0x53: {  	s0 =	ssub.s32 s0, s1  }
0x54: {  	s0 =	sand.u32 $0xFF, s0  }
0x55: {  	s31 =	sadd.s32 $0x1, s0  }
0x56: {  	s21 =	smul.u32 $0x3E80, s0;
	_ =	swait.ge [sflag:s31], $0xFA0  }
0x57: {  	s30 =	sadd.s32 $0xFFFFFD80, s28;
	[sflag:s31] =	ssyncset.done $0x0  }
0x58: {  	s21 =	sshrl.u32 s21, $0x2;
	[sflag:s31] =	ssyncadd.s32 $0xFFFFF060;
	s31 =	sand.u32 $0xF80, s30  }
0x59: {  	s0 =	sadd.s32 $0x7, s0;
	s1 =	sadd.s32 $0x2000, s21;
	s21 =	sor.u32 $0x1000, s31  }
0x5a: {  	[spmem:s2] =	stream.indirect.scatter.add.f32 [tilespmem:s1], [sflag:s0], $0x20, s21, s24, $0xb8;
	[tilespmem:$0xCCC0] =	vst v63  }
.LBB2_10:
0x5b: {  	s29 =	sadd.s32 $0x1, s29  }
0x5c: {  	p0 =	sne.s32 s29, $0x40  }
.Ltmp4:
0x5d: {  	_ = 	snop;
	(pc) =	sbr.rel @!p0 .LBB2_11-.Ltmp4, $2  }
0x5e: {  	_ =	sdelay $0x2  }
0x5f: {  	s28 =	sadd.s32 $0x80, s28  }
.LBB2_4:
0x60: {  	s30 =	sadd.s32 $0x15, s29  }
0x61: {  	s31 =	sand.u32 $0xF, s30  }
0x62: {  	s0 =	smul.u32 $0xAB, s30;
	p0 =	sne.s32 s31, $0x5  }
0x63: {  	p1 =	sgt.u32 @!p0 s29, $0x20  }
0x64: {  	s0 =	sshrl.u32 s0, $0xA;
	p0 =	por p0, p1  }
.Ltmp5:
0x65: {  	s0 =	sand.u32 $0x3F, s0;
	(pc) =	sbr.rel @p0 .LBB2_6-.Ltmp5, $3  }
0x66: {  	s0 =	smul.u32 $0x6, s0;
	_ =	sdelay $0x1  }
0x67: {  	s0 =	ssub.s32 s30, s0  }
0x68: {  	s0 =	sand.u32 $0xFF, s0  }
0x69: {  	s1 =	sand.u32 $0x1800, s28  }
0x6a: {  	s1 =	sadd.s32 $0x800, s1  }
0x6b: {  	s21 =	sadd.s32 s6, s1  }
0x6c: {  	s21 =	sshrl.u32 s21, $0x3  }
0x6d: {  	s1 =	sand.u32 $0x800, s1;
	s21 =	sadd.s32 s5, s21  }
0x6e: {  	[tilespmem:s1], [sflag:$0xD] =	stream.linear.gather [hbm4b:s21+s3], $0x800, $0x38;
	[tilespmem:$0xCCC0] =	vst v63  }
0x6f: {  	_ =	swait.ge [sflag:s20], $0x800  }
0x70: {  	[sflag:s20] =	ssyncset.done $0x0  }
0x71: {  	s1 =	sor.u32 $0x1000, s1;
	s21 =	sadd.s32 $0xA000, s21;
	[sflag:s20] =	ssyncadd.s32 $0xFFFFF800  }
0x72: {  	[tilespmem:s1], [sflag:$0xD] =	stream.linear.gather [hbm4b:s21+s3], $0x800, $0x38;
	[tilespmem:$0xCCC0] =	vst v63  }
0x73: {  	_ =	swait.ge [sflag:s20], $0x800  }
0x74: {  	[sflag:s20] =	ssyncset.done $0x0  }
0x75: {  	[sflag:s20] =	ssyncadd.s32 $0xFFFFF800  }
.LBB2_7:
0x76: {  	p0 =	sgt.u32 s30, $0x4F  }
.Ltmp6:
0x77: {  	_ = 	snop;
	(pc) =	sbr.rel @p0 .LBB2_9-.Ltmp6, $4  }
.Ltmp7:
0x78: {  	s1 =	sadd.s32 $0x7, s0;
	(pc) =	sbr.rel @!p0 .LBB2_8-.Ltmp7, $4  }
0x79: {  	_ =	swait.ge [sflag:s1], $0xFA0  }
0x7a: {  	[sflag:s1] =	ssyncset.done $0x0  }
0x7b: {  	[sflag:s1] =	ssyncadd.s32 $0xFFFFF060  }
0x7c: {  	_ = 	snop  }
.LBB2_6:
0x7d: {  	p0 =	slt.u32 s30, $0x6  }
.Ltmp8:
0x7e: {  	_ = 	snop;
	(pc) =	sbr.rel @!p0 .LBB2_7-.Ltmp8, $1  }
0x7f: {  	_ =	sdelay $0x3  }
.LBB2_8:
0x80: {  	s1 =	smul.u32 $0x3E80, s0;
	p0 =	slt.u32 s30, $0x5  }
.Ltmp9:
0x81: {  	_ = 	snop;
	(pc) =	sbr.rel @p0 .LBB2_10-.Ltmp9, $4  }
.Ltmp10:
0x82: {  	_ = 	snop;
	(pc) =	sbr.rel @!p0 .LBB2_9-.Ltmp10, $4  }
0x83: {  	s21 =	sand.u32 $0x800, s28;
	s31 =	sshll.u32 s31, $0x7;
	s1 =	sshrl.u32 s1, $0x2  }
0x84: {  	s21 =	sor.u32 s31, s21;
	s31 =	sadd.s32 $0x1, s0;
	s1 =	sadd.s32 $0x2000, s1  }
0x85: {  	[tilespmem:s1], [sflag:s31] =	stream.indirect.gather [hbm4b:s4+s24], $0x20, s21, s24, $0xb8;
	[tilespmem:$0xCCC0] =	vst v63  }
0x86: {  	_ = 	snop  }
.LBB2_12:
0x87: {  	_ =	sfence.sel $0x180000  }
0x88: {  	[bflag:$0x0] =	sbarrier.arrive $0xFFFF  }
0x89: {  	_ =	strace $0x9000004A  }
0x8a: {  	s0 =	stileid.u32;
	[bflag:$0x2] =	sbarrier.arrive $0xFFFF  }
0x8b: {  	p0 =	sne.s32 s0, $0x0;
	s0 =	rddreg [dreg:$0x2]  }
0x8c: {  	s0 =	sadd.s32 @!p0 $0x100000, s0  }
0x8d: {  	[sflag:s0] =	ssyncadd.tile.s32 @!p0 $0x1;
	_ =	shalt  }
.Lfunc_end2:
_tile_overlayer_lowered:
.L_overlay_start_2:
0x8e: {  	(tag) =	ssettag $0x2  }
0x8f: {  	s0 =	rddreg [dreg:$0x0];
	s2 =	stileid.u32  }
0x90: {  	s1 =	rddreg [dreg:$0x1];
	p0 =	sne.s32 s2, $0x0  }
0x91: {  	s3 =	rddreg [dreg:$0x2];
	[bflag:$0x3] =	sbarrier.arrive $0xFFFF;
	s2 =	simm.s32 @!p0 $0x1C0D  }
0x92: {  	[timem:s3], [sflag:s2] =	dma.local @!p0 [hbm:s0], s1  }
0x93: {  	s0 =	simm.s32 @!p0 $0xD  }
0x94: {  	_ =	swait.ge @!p0 [sflag:s0], s1  }
0x95: {  	s1 =	ssub.s32 @!p0 $0x0, s1;
	[sflag:s0] =	ssyncset.done @!p0 $0x0  }
0x96: {  	[sflag:s0] =	ssyncadd.s32 @!p0 s1  }
0x97: {  	[bflag:$0x3] =	sbarrier.arrive $0xFFFF  }
0x98: {  	_ =	shalt  }

// kernel: kernel.7.cloned.1.call-start
scs
__scs_entry_jumppad:
0x0: {  	(pc) =	sbr.rel $0x88, $3  }
0x1: {  	(tag) =	ssettag $0x0;
	lr =	simm.s32 $0x1  }
0x2: {  	[smem:$0x3F96] =	sst lr;
	_ =	strace $0xD0000000  }
0x3: {  	_ = 	snop  }
0x4: {  	_ = 	snop  }
0x5: {  	_ = 	snop  }
0x6: {  	_ = 	snop  }
0x7: {  	_ = 	snop  }
__scs_overlays_trampoline_lowered:
0x8: {  	[smem:$0x3FA5] =	sst s0  }
0x9: {  	[smem:$0x3FA6] =	sst s1  }
0xa: {  	[smem:$0x3FA7] =	sst s2  }
0xb: {  	[smem:$0x3FA8] =	sst s3  }
0xc: {  	[smem:$0x3FA9] =	sst s4  }
0xd: {  	[smem:$0x3FAA] =	sst s5  }
0xe: {  	[smem:$0x3FAB] =	sst s6  }
0xf: {  	[smem:$0x3FAC] =	sst s7  }
0x10: {  	[smem:$0x3FAD] =	sst s8  }
0x11: {  	[smem:$0x3FAE] =	sst s9;
	s0 =	simm.s32 @!p0 $0x0  }
0x12: {  	s1 =	sld [smem:$0x3F94];
	s0 =	simm.s32 @p0 $0x1  }
0x13: {  	[smem:$0x3FAF] =	sst s0;
	s0 =	simm.s32 @!p1 $0x0  }
0x14: {  	s2 =	sld [smem:$0x3F93];
	s0 =	simm.s32 @p1 $0x1  }
0x15: {  	[smem:$0x3FB0] =	sst s0;
	s0 =	simm.s32 @!p2 $0x0  }
0x16: {  	s3 =	sld [smem:$0x3FDB];
	s0 =	simm.s32 @p2 $0x1  }
0x17: {  	s4 =	simm.s32 $0x1BF5;
	[smem:$0x3FB2] =	sst s0  }
0x18: {  	s0 =	sld [smem:$0x3F95];
	_ =	swait.ge [sflag:s4], $0x0  }
0x19: {  	s7 =	sld [smem:$0x3F96]  }
0x1a: {  	s8 =	sadd.s32 $0xFFFFE003, lr  }
0x1b: {  	s9 =	sadd.s32 $0xFFFFFEF7, lr;
	s5 =	simm.s32 $0xFFFFFFFF;
	p2 =	slt.u32 s8, $0xFFFFF086  }
0x1c: {  	p1 =	slt.u32 s9, $0xF7A;
	s5 =	simm.s32 @!p2 $0x0  }
0x1d: {  	s5 =	simm.s32 @p1 $0x1;
	p0 =	seq.s32 s7, s2  }
0x1e: {  	s7 =	smul.u32 @!p0 $0xF7A, s2;
	p2 =	seq.s32 @!p0 s5, $0x0  }
0x1f: {  	s9 =	smul.u32 $0xF7A, s1;
	s8 =	simm.s32 @!p0 $0x1BF5;
	p2 =	por !p2, p0  }
0x20: {  	[sflag:s8] =	ssyncset.s32 @!p0 $0xFFFFF086;
	s6 =	sadd.s32 @!p0 s3, s7;
	s7 =	simm.s32 @!p0 $0x108  }
0x21: {  	s3 =	sadd.s32 s3, s9;
	s6 =	sadd.s32 @!p0 $0x88, s6;
	s7 =	simm.s32 @p2 $0x1082  }
0x22: {  	[simem:s7], [sflag:s8] =	dma.local @!p0 [hbm:s6], $0xF7A  }
0x23: {  	s9 =	sor.u32 $0xD0000000, s2;
	s6 =	simm.s32 $0x108;
	_ =	swait.ge @!p0 [sflag:s8], $0x0  }
0x24: {  	s3 =	sadd.s32 $0x88, s3;
	s6 =	simm.s32 @!p1 $0x1082;
	[sflag:s4] =	ssyncset.s32 $0xFFFFF086  }
0x25: {  	[simem:s6], [sflag:s4] =	dma.local [hbm:s3], $0xF7A  }
0x26: {  	[smem:$0x3F96] =	sst s1;
	(tag) =	ssettag s2;
	_ =	strace s9  }
0x27: {  	s1 =	sld [smem:$0x3FA6]  }
0x28: {  	s2 =	sld [smem:$0x3FA7]  }
0x29: {  	s4 =	sld [smem:$0x3FA9]  }
0x2a: {  	p0 =	seq.s32 s5, $0x0;
	s5 =	sld [smem:$0x3FAA]  }
0x2b: {  	s6 =	sld [smem:$0x3FAB]  }
0x2c: {  	s7 =	sld [smem:$0x3FAC]  }
0x2d: {  	s3 =	simm.s32 $0x108;
	s8 =	sld [smem:$0x3FAD]  }
0x2e: {  	s3 =	simm.s32 @!p0 $0x1082;
	s9 =	sld [smem:$0x3FAE]  }
0x2f: {  	lr =	sadd.s32 s0, s3;
	s0 =	sld [smem:$0x3FA5]  }
0x30: {  	s3 =	sld [smem:$0x3FA8]  }
0x31: {  	[smem:$0x3FB1] =	sst s10  }
0x32: {  	s10 =	sld [smem:$0x3FAF];
	_ =	sdelay $0x3  }
0x33: {  	p0 =	seq.s32 s10, $0x1;
	s10 =	sld [smem:$0x3FB1];
	_ =	sdelay $0x3  }
0x34: {  	[smem:$0x3FB1] =	sst s10  }
0x35: {  	s10 =	sld [smem:$0x3FB0];
	_ =	sdelay $0x3  }
0x36: {  	p1 =	seq.s32 s10, $0x1;
	s10 =	sld [smem:$0x3FB1];
	_ =	sdelay $0x3  }
0x37: {  	[smem:$0x3FB1] =	sst s10  }
0x38: {  	s10 =	sld [smem:$0x3FB2]  }
0x39: {  	_ = 	snop;
	(pc) =	sbr.ind lr, $3  }
0x3a: {  	_ = 	snop  }
0x3b: {  	_ = 	snop  }
0x3c: {  	p2 =	seq.s32 s10, $0x1;
	s10 =	sld [smem:$0x3FB1]  }
0x3d: {  	_ =	shalt  }
0x3e: {  	_ =	shalt  }
0x3f: {  	_ =	shalt  }
0x40: {  	_ =	shalt  }
0x41: {  	_ =	shalt  }
0x42: {  	_ =	shalt  }
0x43: {  	_ =	shalt  }
0x44: {  	_ =	shalt  }
0x45: {  	_ =	shalt  }
0x46: {  	_ =	shalt  }
0x47: {  	_ =	shalt  }
0x48: {  	_ =	shalt  }
0x49: {  	_ =	shalt  }
0x4a: {  	_ =	shalt  }
0x4b: {  	_ =	shalt  }
0x4c: {  	_ =	shalt  }
0x4d: {  	_ =	shalt  }
0x4e: {  	_ =	shalt  }
0x4f: {  	_ =	shalt  }
0x50: {  	_ =	shalt  }
0x51: {  	_ =	shalt  }
0x52: {  	_ =	shalt  }
0x53: {  	_ =	shalt  }
0x54: {  	_ =	shalt  }
0x55: {  	_ =	shalt  }
0x56: {  	_ =	shalt  }
0x57: {  	_ =	shalt  }
0x58: {  	_ =	shalt  }
0x59: {  	_ =	shalt  }
0x5a: {  	_ =	shalt  }
0x5b: {  	_ =	shalt  }
0x5c: {  	_ =	shalt  }
0x5d: {  	_ =	shalt  }
0x5e: {  	_ =	shalt  }
0x5f: {  	_ =	shalt  }
0x60: {  	_ =	shalt  }
0x61: {  	_ =	shalt  }
0x62: {  	_ =	shalt  }
0x63: {  	_ =	shalt  }
0x64: {  	_ =	shalt  }
0x65: {  	_ =	shalt  }
0x66: {  	_ =	shalt  }
0x67: {  	_ =	shalt  }
0x68: {  	_ =	shalt  }
0x69: {  	_ =	shalt  }
0x6a: {  	_ =	shalt  }
0x6b: {  	_ =	shalt  }
0x6c: {  	_ =	shalt  }
0x6d: {  	_ =	shalt  }
0x6e: {  	_ =	shalt  }
0x6f: {  	_ =	shalt  }
0x70: {  	_ =	shalt  }
0x71: {  	_ =	shalt  }
0x72: {  	_ =	shalt  }
0x73: {  	_ =	shalt  }
0x74: {  	_ =	shalt  }
0x75: {  	_ =	shalt  }
0x76: {  	_ =	shalt  }
0x77: {  	_ =	shalt  }
0x78: {  	_ =	shalt  }
0x79: {  	_ =	shalt  }
0x7a: {  	_ =	shalt  }
0x7b: {  	_ =	shalt  }
0x7c: {  	_ =	shalt  }
0x7d: {  	_ =	shalt  }
0x7e: {  	_ =	shalt  }
0x7f: {  	_ =	shalt  }
0x80: {  	_ =	shalt  }
0x81: {  	_ =	shalt  }
0x82: {  	_ =	shalt  }
0x83: {  	_ =	shalt  }
0x84: {  	_ =	shalt  }
0x85: {  	_ =	shalt  }
0x86: {  	_ =	shalt  }
0x87: {  	_ =	shalt  }
.Lfunc_end0:
.L_simem_size_0:
called_computation_lowered:
.L_overlay_start_0:
0x88: {  	s2 =	sld [smem:$0x3FD9]  }
0x89: {  	s3 =	sld [smem:$0x3FFE];
	_ =	sdelay $0x1  }
0x8a: {  	s1 =	srdreg.scid  }
0x8b: {  	s0 =	sand.u32 $0x1, s1  }
0x8c: {  	s16 =	sshll.u32 s0, $0xA;
	s2 =	sadd.s32 s3, s2  }
0x8d: {  	s2 =	sadd.s32 s2, s16  }
0x8e: {  	[smem:$0x3FBD] =	sst s2  }
0x8f: {  	_ = 	snop  }
0x90: {  	(tm) =	ssettm $0x1  }
0x91: {  	s17 =	sld [smem:$0x3FFB];
	_ =	sdelay $0x3  }
0x92: {  	_ =	strace s17  }
0x93: {  	s2 =	sld [smem:$0x3FFC];
	_ =	sdelay $0x3  }
0x94: {  	_ =	strace s2  }
0x95: {  	s2 =	sld [smem:$0x3FFD];
	_ =	sdelay $0x3  }
0x96: {  	_ =	strace s2  }
0x97: {  	_ =	strace $0x8FFFFFFF  }
0x98: {  	s18 =	sld [smem:$0x3FDB];
	_ =	sdelay $0x1  }
0x99: {  	s19 =	simm.s32 $_scs_section_size  }
0x9a: {  	s4 =	simm.s32 $_size__tile_overlayer_lowered;
	s5 =	simm.s32 $_tile_overlayer_lowered  }
0x9b: {  	s22 =	simm.s32 $0x1BFF;
	s21 =	sshll.u32 s5, $0x1;
	s2 =	sadd.s32 s19, s18  }
0x9c: {  	s6 =	simm.s32 $0x0;
	s20 =	sshll.u32 s4, $0x1;
	s4 =	sadd.s32 s21, s2  }
0x9d: {  	[timem:s6], [sflag:s22] =	dma.local [hbm:s4], s20  }
0x9e: {  	_ =	swait.ge [sflag:s22], s20  }
0x9f: {  	s3 =	ssub.s32 $0x0, s20;
	[sflag:s22] =	ssyncset.done $0x0  }
0xa0: {  	[sflag:s22] =	ssyncadd.s32 s3;
	_ =	sdelay $0x1  }
0xa1: {  	s23 =	simm.s32 $0x1B8B  }
0xa2: {  	_ =	swait.ge [sflag:s23], $0x1  }
0xa3: {  	[sflag:s23] =	ssyncset.done $0x0  }
0xa4: {  	s25 =	simm.s32 $0x1B8E;
	s24 =	sld [smem:$0x3FFE];
	[sflag:s23] =	ssyncadd.s32 $0xFFFFFFFF  }
0xa5: {  	s26 =	simm.s32 $execute0_lowered;
	[smem:$0x3FD2] =	sst s25  }
0xa6: {  	s4 =	sshll.u32 s26, $0x1;
	_ =	strace $0x80000046;
	[dreg:$0x1] =	wrdreg $0xFFFFFFFF  }
0xa7: {  	s28 =	simm.s32 $_size_execute0_lowered;
	s2 =	sadd.s32 s2, s4;
	[dreg:$0x0] =	wrdreg $0x0  }
0xa8: {  	s4 =	sshll.u32 s28, $0x1;
	[dreg:$0x2] =	wrdreg s2  }
0xa9: {  	[dreg:$0x3] =	wrdreg s4  }
0xaa: {  	[dreg:$0x4] =	wrdreg $0xC0  }
0xab: {  	_ =	task [dreg:s6], $0x5FFFF  }
0xac: {  	[dreg:$0x1] =	wrdreg $0xFFFFFFFF  }
0xad: {  	[dreg:$0x0] =	wrdreg $0x60  }
0xae: {  	[dreg:$0x2] =	wrdreg s24  }
0xaf: {  	[dreg:$0x3] =	wrdreg $0xBF400  }
0xb0: {  	[dreg:$0x4] =	wrdreg $0x9  }
0xb1: {  	_ =	task.clear_ibuf [dreg:s6], $0x5FFFF;
	_ =	strace $0x90000046  }
0xb2: {  	s29 =	simm.s32 $0x9;
	_ =	strace $0x80000048  }
0xb3: {  	_ =	swait.ge [sflag:s29], $0x1  }
0xb4: {  	[sflag:s29] =	ssyncadd.s32 $0xFFFFFFFF  }
0xb5: {  	_ =	strace $0x90000048  }
0xb6: {  	_ =	sfence  }
0xb7: {  	s30 =	sld [smem:$0x0];
	_ =	sdelay $0x2  }
0xb8: {  	s31 =	sshll.u32 s1, $0xD;
	s1 =	sshrl.u32 s1, $0x2  }
0xb9: {  	s3 =	sand.u32 $0x4000, s31;
	s1 =	sadd.s32 s1, s30  }
0xba: {  	s0 =	sor.u32 s3, s0;
	s1 =	sshll.u32 s1, $0x11  }
0xbb: {  	s0 =	sor.u32 s1, s0  }
0xbc: {  	s0 =	sadd.s32 $0x8F2B, s0  }
0xbd: {  	[sflag:s0] =	ssyncadd.remote.s32 $0x1  }
0xbe: {  	_ =	sfence.sel $0xFFFF  }
0xbf: {  	[dreg:$0x0] =	wrdreg $0xFFFFFFFF;
	(pc) =	sbr.abs _section_cstart, $3  }
0xc0: {  	[dreg:$0x1] =	wrdreg $0xFFFFFFFF  }
0xc1: {  	_ =	task.clear_ibuf [dreg:s6], $0x2FFFF;
	_ =	strace $0x9FFFFFFF  }
0xc2: {  	(tm) =	ssettm $0x7FFFFFFF  }
0xc3: {  	_ =	shalt  }
tec
execute0_lowered:
.L_overlay_start_1:
0x0: {  	(tag) =	ssettag $0x1  }
0x1: {  	s0 =	rddreg [dreg:$0x0];
	s1 =	srdreg.scid  }
0x2: {  	s9 =	stileid.u32;
	s2 =	rddreg [dreg:$0x1]  }
0x3: {  	s3 =	simm.s32 $0x0;
	s21 =	simm.s32 $0x1F40;
	s22 =	simm.s32 $0x9  }
0x4: {  	s26 =	simm.s32 $0x50;
	s28 =	simm.s32 $0x5;
	s29 =	simm.s32 $0x0  }
0x5: {  	s1 =	sand.u32 $0x1, s1;
	s7 =	smul.u32 $0x13C00, s9;
	[smem:$0x7FF] =	sst s3  }
0x6: {  	s4 =	sadd.s32 $0x15C00, s0;
	s8 =	smul.u32 $0x4F000, s9;
	s9 =	sshll.u32 s9, $0x1  }
0x7: {  	s5 =	smul.u32 $0x13C000, s1;
	_ =	strace $0x80000047;
	s30 =	ssub.s32 $0x2, s1  }
0x8: {  	s1 =	sor.u32 s1, s9;
	s10 =	sshrl.u32 s30, $0x1;
	s8 =	sshrl.u32 s8, $0x2  }
0x9: {  	s11 =	smul.u32 $0x2710, s1;
	s6 =	sadd.s32 s7, s5;
	s5 =	sadd.s32 $0x2200, s0  }
0xa: {  	s20 =	ssub.s32 s30, s10;
	s15 =	sadd.s32 s8, s2;
	s7 =	sadd.s32 s7, s2  }
0xb: {  	s6 =	sshrl.u32 s6, $0x3;
	s8 =	sadd.s32 $0x2800, s15;
	s9 =	sadd.s32 $0x5000, s15  }
.Ltmp0:
0xc: {  	s10 =	sadd.s32 $0x7800, s15;
	s31 =	sshrl.u32 s11, $0x3;
	(pc) =	sbr.rel .LBB2_1-.Ltmp0, $4  }
0xd: {  	s11 =	sadd.s32 $0xA000, s15;
	s12 =	sadd.s32 $0xC800, s15;
	s14 =	sadd.s32 $0xF000, s15  }
0xe: {  	s15 =	sadd.s32 $0x11800, s15;
	s20 =	smax.u32 s20, $0x1;
	s13 =	sadd.s32 s5, s31  }
0xf: {  	s0 =	sadd.s32 s6, s0;
	s6 =	smul.u32 $0x7D, s1;
	s16 =	sadd.s32 $0x9C40, s13  }
0x10: {  	v0 =	vimm.f32 $0.0e+00;
	s17 =	sadd.s32 $0xFA, s13;
	s18 =	sadd.s32 $0x9D3A, s13;
	s19 =	sadd.s32 $0x3D400, s0  }
.LBB2_11:
0x11: {  	_ =	swait.ge [sflag:s28], $0x2800;
	s0 =	stileid.u32  }
0x12: {  	s1 =	sshrl.u32 s7, $0x3;
	s29 =	sadd.s32 $0x1, s29;
	[sflag:s28] =	ssyncset.done $0x0  }
0x13: {  	s0 =	sshll.u32 s0, $0x6;
	p0 =	sne.s32 s29, s20;
	[sflag:s28] =	ssyncadd.s32 $0xFFFFD800  }
.Ltmp1:
0x14: {  	s0 =	sor.u32 $0x1C09, s0;
	[bflag:$0x0] =	sbarrier.arrive $0xFFFF;
	(pc) =	sbr.rel @!p0 .LBB2_12-.Ltmp1, $4  }
0x15: {  	[hbm:s19], [sflag:s0] =	dma.local [spmem:s1], $0x2780  }
0x16: {  	_ =	swait.ge [sflag:s22], $0x2780  }
0x17: {  	[sflag:s22] =	ssyncset.done $0x0  }
0x18: {  	[sflag:s22] =	ssyncadd.s32 $0xFFFFD880  }
.LBB2_1:
0x19: {  	s0 =	sand.u32 $0xFE00, s3  }
0x1a: {  	s1 =	sand.u32 $0x70, s3;
	s23 =	sshrl.u32 s0, $0x2  }
0x1b: {  	s0 =	simm.s32 $0x40;
	s23 =	sor.u32 s1, s23;
	s1 =	simm.s32 $0x0  }
.LBB2_2:
0x1c: {  	p0 =	sne.s32 s0, $0x9FC0  }
0x1d: {  	[tilespmem:s23+$0x1F40] =	vst v0;
	s1 =	sadd.s32 $0x10, s1;
	s23 =	smov.u32 s0;
	s0 =	sadd.s32 $0x40, s0  }
.Ltmp2:
0x1e: {  	(pc) =	sbr.rel @p0 .LBB2_2-.Ltmp2, $4  }
0x1f: {  	_ = 	snop  }
0x20: {  	s23 =	sand.u32 $0xFE00, s23  }
0x21: {  	s30 =	sand.u32 $0x70, s1;
	s23 =	sshrl.u32 s23, $0x2  }
0x22: {  	s23 =	sor.u32 s30, s23  }
0x23: {  	[tilespmem:s23+$0x1F40] =	vst v0  }
0x24: {  	[spmem:s7] =	stream.linear.scatter [tilespmem:s21], [sflag:$0x9], $0x2800, $0x38;
	[tilespmem:$0x1FB40] =	vst v63  }
0x25: {  	_ =	swait.ge [sflag:s22], $0x2800  }
0x26: {  	[sflag:s22] =	ssyncset.done $0x0  }
0x27: {  	[sflag:s22] =	ssyncadd.s32 $0xFFFFD800  }
0x28: {  	[spmem:s8] =	stream.linear.scatter [tilespmem:s21], [sflag:$0x9], $0x2800, $0x38;
	[tilespmem:$0x1FB40] =	vst v63  }
0x29: {  	_ =	swait.ge [sflag:s22], $0x2800  }
0x2a: {  	[sflag:s22] =	ssyncset.done $0x0  }
0x2b: {  	[sflag:s22] =	ssyncadd.s32 $0xFFFFD800  }
0x2c: {  	[spmem:s9] =	stream.linear.scatter [tilespmem:s21], [sflag:$0x9], $0x2800, $0x38;
	[tilespmem:$0x1FB40] =	vst v63  }
0x2d: {  	_ =	swait.ge [sflag:s22], $0x2800  }
0x2e: {  	[sflag:s22] =	ssyncset.done $0x0  }
0x2f: {  	[sflag:s22] =	ssyncadd.s32 $0xFFFFD800  }
0x30: {  	[spmem:s10] =	stream.linear.scatter [tilespmem:s21], [sflag:$0x9], $0x2800, $0x38;
	[tilespmem:$0x1FB40] =	vst v63  }
0x31: {  	_ =	swait.ge [sflag:s22], $0x2800  }
0x32: {  	[sflag:s22] =	ssyncset.done $0x0  }
0x33: {  	[sflag:s22] =	ssyncadd.s32 $0xFFFFD800  }
0x34: {  	[spmem:s11] =	stream.linear.scatter [tilespmem:s21], [sflag:$0x9], $0x2800, $0x38;
	[tilespmem:$0x1FB40] =	vst v63  }
0x35: {  	_ =	swait.ge [sflag:s22], $0x2800  }
0x36: {  	[sflag:s22] =	ssyncset.done $0x0  }
0x37: {  	[sflag:s22] =	ssyncadd.s32 $0xFFFFD800  }
0x38: {  	[spmem:s12] =	stream.linear.scatter [tilespmem:s21], [sflag:$0x9], $0x2800, $0x38;
	[tilespmem:$0x1FB40] =	vst v63  }
0x39: {  	_ =	swait.ge [sflag:s22], $0x2800  }
0x3a: {  	[sflag:s22] =	ssyncset.done $0x0  }
0x3b: {  	[sflag:s22] =	ssyncadd.s32 $0xFFFFD800  }
0x3c: {  	[spmem:s14] =	stream.linear.scatter [tilespmem:s21], [sflag:$0x9], $0x2800, $0x38;
	[tilespmem:$0x1FB40] =	vst v63  }
0x3d: {  	_ =	swait.ge [sflag:s22], $0x2800  }
0x3e: {  	[sflag:s22] =	ssyncset.done $0x0  }
0x3f: {  	[sflag:s22] =	ssyncadd.s32 $0xFFFFD800  }
0x40: {  	[spmem:s15] =	stream.linear.scatter [tilespmem:s21], [sflag:$0x9], $0x2400, $0x38;
	[tilespmem:$0x1FB40] =	vst v63  }
0x41: {  	_ =	swait.ge [sflag:s22], $0x2400  }
0x42: {  	[sflag:s22] =	ssyncset.done $0x0  }
0x43: {  	[sflag:s22] =	ssyncadd.s32 $0xFFFFDC00  }
0x44: {  	[tilespmem:s3], [sflag:$0x9] =	stream.linear.gather [hbm4b:s13+s3], $0x7D0, $0x38;
	[tilespmem:$0x1FB40] =	vst v63  }
0x45: {  	_ =	swait.ge [sflag:s22], $0x7D0  }
0x46: {  	[sflag:s22] =	ssyncset.done $0x0  }
0x47: {  	s0 =	simm.s32 $0xFA0;
	[sflag:s22] =	ssyncadd.s32 $0xFFFFF830  }
0x48: {  	[tilespmem:s0], [sflag:$0x9] =	stream.linear.gather [hbm4b:s16+s3], $0x7D0, $0x38;
	[tilespmem:$0x1FB40] =	vst v63  }
0x49: {  	_ =	swait.ge [sflag:s22], $0x7D0  }
0x4a: {  	[sflag:s22] =	ssyncset.done $0x0  }
0x4b: {  	s25 =	simm.s32 $0x7D0;
	[sflag:s22] =	ssyncadd.s32 $0xFFFFF830  }
0x4c: {  	[tilespmem:s25], [sflag:$0x9] =	stream.linear.gather [hbm4b:s17+s3], $0x7D0, $0x38;
	[tilespmem:$0x1FB40] =	vst v63  }
0x4d: {  	_ =	swait.ge [sflag:s22], $0x7D0  }
0x4e: {  	[sflag:s22] =	ssyncset.done $0x0  }
0x4f: {  	s31 =	simm.s32 $0x1770;
	[sflag:s22] =	ssyncadd.s32 $0xFFFFF830  }
0x50: {  	[tilespmem:s31], [sflag:$0x9] =	stream.linear.gather [hbm4b:s18+s3], $0x7D0, $0x38;
	[tilespmem:$0x1FB40] =	vst v63  }
.Ltmp3:
0x51: {  	_ =	swait.ge [sflag:s22], $0x7D0;
	(pc) =	sbr.rel .LBB2_4-.Ltmp3, $4  }
0x52: {  	[sflag:s22] =	ssyncset.done $0x0  }
0x53: {  	[sflag:s22] =	ssyncadd.s32 $0xFFFFF830  }
0x54: {  	[bflag:$0x0] =	sbarrier.arrive $0xFFFF  }
0x55: {  	s30 =	simm.s32 $0xFFFFFFE2  }
.LBB2_9:
0x56: {  	s0 =	sadd.s32 $0x1B, s30  }
0x57: {  	s1 =	sand.u32 $0xFF, s0  }
0x58: {  	s1 =	smul.u32 $0x29, s1;
	_ =	sdelay $0x1  }
0x59: {  	s1 =	sshrl.u32 s1, $0xA  }
0x5a: {  	s23 =	smul.u32 $0x19, s1;
	_ =	sdelay $0x1  }
0x5b: {  	s24 =	sand.u32 $0x3, s0;
	s0 =	ssub.s32 s0, s23  }
0x5c: {  	s25 =	smul.u32 $0xA000, s24;
	s0 =	sand.u32 $0xFF, s0  }
0x5d: {  	s31 =	sadd.s32 $0x1, s24;
	s1 =	sand.u32 $0x1, s1;
	s0 =	smul.u32 $0x140, s0  }
0x5e: {  	_ =	swait.ge [sflag:s31], $0x2800;
	p0 =	seq.s32 s1, $0x1;
	s1 =	simm.s32 $0x7D0  }
0x5f: {  	[sflag:s31] =	ssyncset.done $0x0;
	s1 =	simm.s32 @!p0 $0x0;
	s0 =	sshrl.u32 s0, $0x2  }
0x60: {  	s25 =	sshrl.u32 s25, $0x2;
	[sflag:s31] =	ssyncadd.s32 $0xFFFFD800;
	s0 =	sadd.s32 s0, s1  }
0x61: {  	s31 =	sadd.s32 $0x5, s24;
	s23 =	sadd.s32 $0x1F40, s25;
	s0 =	sadd.s32 $0xFA0, s0  }
0x62: {  	[spmem:s2] =	stream.indirect.scatter.add.f32 [tilespmem:s23], [sflag:s31], $0x80, s0, s26, $0xb8;
	[tilespmem:$0x1FB40] =	vst v63  }
.LBB2_10:
0x63: {  	s30 =	sadd.s32 $0x1, s30  }
0x64: {  	p0 =	sne.s32 s30, $0x62  }
.Ltmp4:
0x65: {  	_ = 	snop;
	(pc) =	sbr.rel @!p0 .LBB2_11-.Ltmp4, $1  }
0x66: {  	_ =	sdelay $0x3  }
.LBB2_4:
0x67: {  	s31 =	sadd.s32 $0x1E, s30  }
0x68: {  	s0 =	smul.u32 $0x29, s31;
	_ =	sdelay $0x1  }
0x69: {  	s0 =	sshrl.u32 s0, $0xA  }
0x6a: {  	s0 =	sand.u32 $0x3F, s0  }
0x6b: {  	s1 =	smul.u32 $0x19, s0;
	_ =	sdelay $0x1  }
0x6c: {  	p0 =	sgt.u32 s30, $0x32;
	s23 =	ssub.s32 s31, s1  }
0x6d: {  	s1 =	sand.u32 @!p0 $0xFF, s23  }
0x6e: {  	p1 =	sne.s32 @!p0 s1, $0x5  }
0x6f: {  	p0 =	por p0, p1  }
.Ltmp5:
0x70: {  	_ = 	snop;
	(pc) =	sbr.rel @p0 .LBB2_6-.Ltmp5, $2  }
0x71: {  	_ =	sdelay $0x2  }
0x72: {  	s1 =	sand.u32 $0x3, s31  }
0x73: {  	s24 =	sadd.s32 $0x1, s0  }
0x74: {  	s25 =	smul.u32 $0x19, s24;
	_ =	sdelay $0x1  }
0x75: {  	s25 =	sadd.s32 s6, s25  }
0x76: {  	s25 =	smul.u32 $0x50, s25  }
0x77: {  	s24 =	sand.u32 $0x1, s24  }
0x78: {  	p0 =	seq.s32 s24, $0x1;
	s24 =	simm.s32 $0x7D0;
	s25 =	sshrl.u32 s25, $0x3  }
0x79: {  	s24 =	simm.s32 @!p0 $0x0;
	s25 =	sadd.s32 s5, s25  }
0x7a: {  	[tilespmem:s24], [sflag:$0x9] =	stream.linear.gather [hbm4b:s25+s3], $0x7D0, $0x38;
	[tilespmem:$0x1FB40] =	vst v63  }
0x7b: {  	_ =	swait.ge [sflag:s22], $0x7D0  }
0x7c: {  	[sflag:s22] =	ssyncset.done $0x0  }
0x7d: {  	s24 =	sadd.s32 $0xFA0, s24;
	s25 =	sadd.s32 $0x9C40, s25;
	[sflag:s22] =	ssyncadd.s32 $0xFFFFF830  }
0x7e: {  	[tilespmem:s24], [sflag:$0x9] =	stream.linear.gather [hbm4b:s25+s3], $0x7D0, $0x38;
	[tilespmem:$0x1FB40] =	vst v63  }
0x7f: {  	_ =	swait.ge [sflag:s22], $0x7D0  }
0x80: {  	[sflag:s22] =	ssyncset.done $0x0  }
0x81: {  	[sflag:s22] =	ssyncadd.s32 $0xFFFFF830  }
.LBB2_7:
0x82: {  	p0 =	sgt.u32 s31, $0x7C  }
.Ltmp6:
0x83: {  	_ = 	snop;
	(pc) =	sbr.rel @p0 .LBB2_9-.Ltmp6, $4  }
.Ltmp7:
0x84: {  	s24 =	sadd.s32 $0x5, s1;
	(pc) =	sbr.rel @!p0 .LBB2_8-.Ltmp7, $4  }
0x85: {  	_ =	swait.ge [sflag:s24], $0x2800  }
0x86: {  	[sflag:s24] =	ssyncset.done $0x0  }
0x87: {  	[sflag:s24] =	ssyncadd.s32 $0xFFFFD800  }
0x88: {  	_ = 	snop  }
.LBB2_6:
0x89: {  	p0 =	slt.u32 s31, $0x4  }
.Ltmp8:
0x8a: {  	_ = 	snop;
	(pc) =	sbr.rel @!p0 .LBB2_7-.Ltmp8, $1  }
0x8b: {  	_ =	sdelay $0x3  }
.LBB2_8:
0x8c: {  	s23 =	sand.u32 $0xFF, s23;
	s0 =	sand.u32 $0x1, s0  }
0x8d: {  	s24 =	smul.u32 $0xA000, s1;
	p0 =	seq.s32 s0, $0x1;
	s0 =	simm.s32 $0x7D0  }
0x8e: {  	s23 =	smul.u32 $0x140, s23;
	s0 =	simm.s32 @!p0 $0x0;
	p0 =	slt.u32 s31, $0x3  }
.Ltmp9:
0x8f: {  	_ = 	snop;
	(pc) =	sbr.rel @p0 .LBB2_10-.Ltmp9, $4  }
.Ltmp10:
0x90: {  	_ = 	snop;
	(pc) =	sbr.rel @!p0 .LBB2_9-.Ltmp10, $4  }
0x91: {  	s24 =	sshrl.u32 s24, $0x2;
	s23 =	sshrl.u32 s23, $0x2  }
0x92: {  	s25 =	sadd.s32 $0x1, s1;
	s24 =	sadd.s32 $0x1F40, s24;
	s0 =	sadd.s32 s23, s0  }
0x93: {  	[tilespmem:s24], [sflag:s25] =	stream.indirect.gather [hbm4b:s4+s26], $0x80, s0, s26, $0xb8;
	[tilespmem:$0x1FB40] =	vst v63  }
0x94: {  	_ = 	snop  }
.LBB2_12:
0x95: {  	_ =	sfence.sel $0x180000  }
0x96: {  	[bflag:$0x0] =	sbarrier.arrive $0xFFFF  }
0x97: {  	_ =	strace $0x90000047  }
0x98: {  	s0 =	stileid.u32;
	[bflag:$0x2] =	sbarrier.arrive $0xFFFF  }
0x99: {  	p0 =	sne.s32 s0, $0x0;
	s0 =	rddreg [dreg:$0x2]  }
0x9a: {  	s0 =	sadd.s32 @!p0 $0x100000, s0  }
0x9b: {  	[sflag:s0] =	ssyncadd.tile.s32 @!p0 $0x1;
	_ =	shalt  }
.Lfunc_end2:
_tile_overlayer_lowered:
.L_overlay_start_2:
0x9c: {  	(tag) =	ssettag $0x2  }
0x9d: {  	s0 =	rddreg [dreg:$0x0];
	s2 =	stileid.u32  }
0x9e: {  	s1 =	rddreg [dreg:$0x1];
	p0 =	sne.s32 s2, $0x0  }
0x9f: {  	s3 =	rddreg [dreg:$0x2];
	[bflag:$0x3] =	sbarrier.arrive $0xFFFF;
	s2 =	simm.s32 @!p0 $0x1C09  }
0xa0: {  	[timem:s3], [sflag:s2] =	dma.local @!p0 [hbm:s0], s1  }
0xa1: {  	s0 =	simm.s32 @!p0 $0x9  }
0xa2: {  	_ =	swait.ge @!p0 [sflag:s0], s1  }
0xa3: {  	s1 =	ssub.s32 @!p0 $0x0, s1;
	[sflag:s0] =	ssyncset.done @!p0 $0x0  }
0xa4: {  	[sflag:s0] =	ssyncadd.s32 @!p0 s1  }
0xa5: {  	[bflag:$0x3] =	sbarrier.arrive $0xFFFF  }
0xa6: {  	_ =	shalt  }

</sc_bundles>
